<compile_context>
chip_gen: v7x
topology: tpu7x:2x2x1
jax: 0.10.2.dev20260603
libtpu: 0.0.44.dev20260713+nightly
codegen_flags: <defaults>
</compile_context>

<pallas_src>
import functools

import jax
import jax.numpy as jnp
from jax import lax
from jax.experimental import pallas as pl
from jax.experimental.pallas import tpu as pltpu, tpu_sc as plsc

N = 10000
D = 128
E = 320000

NC = 2
NS = 16
NW = NC * NS
CL = 128
CH = 79
EPAD = NW * CH * CL
NP = 10240
RPS = NP // NS
RCH = RPS // CL

def _zero_block(ref, rows):
    cols = ref.shape[1] // 16

    def body(i, _):
        for k in range(cols):
            ref[i, pl.ds(k * 16, 16)] = jnp.zeros((16,), jnp.float32)
        return 0

    lax.fori_loop(0, rows, body, 0)


def _fill_rowids(idx2, base):

    def body(i, _):
        r = i // 8
        col = (i % 8) * 16
        idx2[r, pl.ds(col, 16)] = base + i * 16 + lax.iota(jnp.int32, 16)
        return 0

    lax.fori_loop(0, idx2.shape[0] * 8, body, 0)


def _deg_body(dst_hbm, out_hbm, idx_v, idx2_v, ones_v, acc_sh):
    c = lax.axis_index("c")
    s = lax.axis_index("s")
    w = c * NS + s

    _zero_block(ones_v, CL)
    _fill_rowids(idx2_v, s * RPS)

    for r in range(RCH):
        pltpu.sync_copy(ones_v, acc_sh.at[idx2_v.at[r]])
    plsc.subcore_barrier()

    one0 = jnp.where(lax.iota(jnp.int32, 16) == 0, 1.0, 0.0).astype(jnp.float32)

    def fill_ones(i, _):
        ones_v[i, pl.ds(0, 16)] = one0
        return 0

    lax.fori_loop(0, CL, fill_ones, 0)

    pltpu.sync_copy(dst_hbm.at[w], idx_v)

    def body(j, _):
        pltpu.sync_copy(ones_v, acc_sh.at[idx_v.at[j]], add=True)
        return 0

    lax.fori_loop(0, CH, body, 0)
    plsc.subcore_barrier()

    for r in range(RCH):
        pltpu.sync_copy(acc_sh.at[idx2_v.at[r]], ones_v)
        pltpu.sync_copy(ones_v, out_hbm.at[c, pl.ds(s * RPS + r * CL, CL)])


def _agg_body(g_hbm, src_hbm, dst_hbm, out_hbm,
              src_v, dst_v, idx2_v, rows0_v, sem_a, sem_b, acc_sh):
    c = lax.axis_index("c")
    s = lax.axis_index("s")
    w = c * NS + s

    _zero_block(rows0_v, CL)
    _fill_rowids(idx2_v, s * RPS)
    for r in range(RCH):
        pltpu.sync_copy(rows0_v, acc_sh.at[idx2_v.at[r]])
    plsc.subcore_barrier()

    pltpu.sync_copy(src_hbm.at[w], src_v)
    pltpu.sync_copy(dst_hbm.at[w], dst_v)

    def body(j, _):
        ga = pltpu.async_copy(
            g_hbm.at[src_v.at[2 * j]], rows0_v.at[pl.ds(0, CL // 2)], sem_a)
        gb = pltpu.async_copy(
            g_hbm.at[src_v.at[2 * j + 1]], rows0_v.at[pl.ds(CL // 2, CL // 2)],
            sem_b)
        ga.wait()
        gb.wait()
        pltpu.sync_copy(rows0_v, acc_sh.at[dst_v.at[j]], add=True)
        return 0

    lax.fori_loop(0, CH, body, 0)

    plsc.subcore_barrier()

    for r in range(RCH):
        pltpu.sync_copy(acc_sh.at[idx2_v.at[r]], rows0_v)
        pltpu.sync_copy(rows0_v, out_hbm.at[c, pl.ds(s * RPS + r * CL, CL)])


@functools.cache
def _sc_kernels():
    mesh = plsc.VectorSubcoreMesh(core_axis_name="c", subcore_axis_name="s")
    deg_k = pl.kernel(
        _deg_body,
        out_type=jax.ShapeDtypeStruct((NC, NP, D), jnp.float32),
        mesh=mesh,
        scratch_types=[
            pltpu.VMEM((CH, CL), jnp.int32),
            pltpu.VMEM((RCH, CL), jnp.int32),
            pltpu.VMEM((CL, D), jnp.float32),
            pltpu.VMEM_SHARED((NP, D), jnp.float32),
        ],
    )
    agg_k = pl.kernel(
        _agg_body,
        out_type=jax.ShapeDtypeStruct((NC, NP, D), jnp.float32),
        mesh=mesh,
        scratch_types=[
            pltpu.VMEM((2 * CH, CL // 2), jnp.int32),
            pltpu.VMEM((CH, CL), jnp.int32),
            pltpu.VMEM((RCH, CL), jnp.int32),
            pltpu.VMEM((CL, D), jnp.float32),
            pltpu.SemaphoreType.DMA,
            pltpu.SemaphoreType.DMA,
            pltpu.VMEM_SHARED((NP, D), jnp.float32),
        ],
    )
    return deg_k, agg_k


def _dis_block(degp):
    deg = degp[0, :, 0] + degp[1, :, 0]
    return lax.rsqrt(deg + 1.0)


def _dense1_body(degp_ref, x_ref, w_ref, g_ref):
    dis = _dis_block(degp_ref[...])
    h = jnp.dot(x_ref[...], w_ref[...], preferred_element_type=jnp.float32)
    g_ref[...] = h * dis[:, None]


def _dense2_body(degp_ref, aggp_ref, g_ref, w_ref, b_ref, o_ref):
    dis = _dis_block(degp_ref[...])
    agg = aggp_ref[0] + aggp_ref[1] + g_ref[...]
    act = jnp.maximum(agg * dis[:, None] + b_ref[...], 0.0)
    h = jnp.dot(act, w_ref[...], preferred_element_type=jnp.float32)
    o_ref[...] = h * dis[:, None]


def _final_body(degp_ref, aggp_ref, g_ref, b_ref, o_ref):
    dis = _dis_block(degp_ref[...])
    agg = aggp_ref[0] + aggp_ref[1] + g_ref[...]
    o_ref[...] = agg * dis[:, None] + b_ref[...]


_BR = 1024
_BRF = 1000

_dense1 = pl.pallas_call(
    _dense1_body,
    grid=(NP // _BR,),
    in_specs=[
        pl.BlockSpec((NC, _BR, D), lambda i: (0, i, 0)),
        pl.BlockSpec((_BR, D), lambda i: (i, 0)),
        pl.BlockSpec((D, D), lambda i: (0, 0)),
    ],
    out_specs=pl.BlockSpec((_BR, D), lambda i: (i, 0)),
    out_shape=jax.ShapeDtypeStruct((NP, D), jnp.float32),
)

_dense2 = pl.pallas_call(
    _dense2_body,
    grid=(NP // _BR,),
    in_specs=[
        pl.BlockSpec((NC, _BR, D), lambda i: (0, i, 0)),
        pl.BlockSpec((NC, _BR, D), lambda i: (0, i, 0)),
        pl.BlockSpec((_BR, D), lambda i: (i, 0)),
        pl.BlockSpec((D, D), lambda i: (0, 0)),
        pl.BlockSpec((1, D), lambda i: (0, 0)),
    ],
    out_specs=pl.BlockSpec((_BR, D), lambda i: (i, 0)),
    out_shape=jax.ShapeDtypeStruct((NP, D), jnp.float32),
)

_final = pl.pallas_call(
    _final_body,
    grid=(N // _BRF,),
    in_specs=[
        pl.BlockSpec((NC, _BRF, D), lambda i: (0, i, 0)),
        pl.BlockSpec((NC, _BRF, D), lambda i: (0, i, 0)),
        pl.BlockSpec((_BRF, D), lambda i: (i, 0)),
        pl.BlockSpec((1, D), lambda i: (0, 0)),
    ],
    out_specs=pl.BlockSpec((_BRF, D), lambda i: (i, 0)),
    out_shape=jax.ShapeDtypeStruct((N, D), jnp.float32),
)


def kernel(x, edge_index, W1, b1, W2, b2):
    src = edge_index[0].astype(jnp.int32)
    dst = edge_index[1].astype(jnp.int32)
    pad = EPAD - E
    pad_dst = N + (jnp.arange(pad, dtype=jnp.int32) % (NP - N))
    src_p = jnp.concatenate([src, jnp.zeros((pad,), jnp.int32)]).reshape(
        NW, 2 * CH, CL // 2)
    dst_p = jnp.concatenate([dst, pad_dst]).reshape(NW, CH, CL)
    x_p = jnp.pad(x, ((0, NP - N), (0, 0)))
    b1r = b1.reshape(1, D)
    b2r = b2.reshape(1, D)

    deg_k, agg_k = _sc_kernels()
    degp = deg_k(dst_p)
    g1 = _dense1(degp, x_p, W1)
    agg1 = agg_k(g1, src_p, dst_p)
    g2 = _dense2(degp, agg1, g1, W2, b1r)
    agg2 = agg_k(g2, src_p, dst_p)
    return _final(degp, agg2, g2, b2r)

# --- scband reference (transcript-rebuilt; emitter-appended) ---
"""Pipeline reference for scband-gnn-13451837571172 (READ-ONLY COPY).

The authoritative reference and input builder live on the scoring server;
editing this copy changes nothing except your own understanding.
"""

import jax, jax.numpy as jnp
import numpy as np

N = 10000
E = 320000
D_IN = 128
D_HID = 128
D_OUT = 128


def setup_inputs(seed: int = 0) -> dict:
    key = jax.random.key(seed)
    k1, k2, k3, k4 = jax.random.split(key, 4)
    x = jax.random.normal(k1, (N, D_IN), dtype=jnp.float32)
    edge_index = jax.random.randint(k2, (2, E), 0, N)
    W1 = jax.random.normal(k3, (D_IN, D_HID), dtype=jnp.float32) * (1.0 / np.sqrt(D_IN))
    b1 = jnp.zeros((D_HID,), dtype=jnp.float32)
    W2 = jax.random.normal(k4, (D_HID, D_OUT), dtype=jnp.float32) * (1.0 / np.sqrt(D_HID))
    b2 = jnp.zeros((D_OUT,), dtype=jnp.float32)
    return {"x": x, "edge_index": edge_index, "W1": W1, "b1": b1, "W2": W2, "b2": b2}


def gcn_conv(x, edge_index, W, b):
    # Faithful GCNConv: add self-loops, symmetric deg^{-1/2} normalization,
    # linear transform, scatter-add aggregation, bias.
    n = x.shape[0]
    loop = jnp.arange(n, dtype=edge_index.dtype)
    src = jnp.concatenate([edge_index[0], loop])
    dst = jnp.concatenate([edge_index[1], loop])
    deg = jnp.zeros((n,), dtype=x.dtype).at[dst].add(1.0)
    deg_inv_sqrt = jnp.where(deg > 0, jax.lax.rsqrt(jnp.maximum(deg, 1e-12)), 0.0)
    norm = deg_inv_sqrt[src] * deg_inv_sqrt[dst]
    h = x @ W
    msg = h[src] * norm[:, None]
    out = jnp.zeros((n, W.shape[1]), dtype=x.dtype).at[dst].add(msg)
    return out + b


def reference(x, edge_index, W1, b1, W2, b2):
    h = gcn_conv(x, edge_index, W1, b1)
    h = jax.nn.relu(h)
    out = gcn_conv(h, edge_index, W2, b2)
    return out

if __name__ == "__main__":
    import jax
    _d = setup_inputs()
    print(jax.jit(kernel)(*tuple(_d.values())))

</pallas_src>

<mosaic_0001>
#map = affine_map<(d0, d1) -> (0, 0, 0)>
module attributes {stable_mosaic.version = 14 : i64} {
  func.func @_deg_body(%arg0: i32, %arg1: i32, %arg2: memref<32x79x128xi32, #tpu.memory_space<hbm>>, %arg3: memref<2x10240x128xf32, #tpu.memory_space<hbm>>, %arg4: memref<79x128xi32, #tpu.memory_space<vmem>>, %arg5: memref<5x128xi32, #tpu.memory_space<vmem>>, %arg6: memref<128x128xf32, #tpu.memory_space<vmem>>, %arg7: memref<10240x128xf32, #tpu.memory_space<vmem_shared>>) attributes {dimension_semantics = [#tpu.dimension_semantics<core_parallel>, #tpu.dimension_semantics<subcore_parallel>], iteration_bounds = array<i64: 2, 16>, scalar_prefetch = 0 : i64, scratch_operands = 4 : i64, tpu.core_type = #tpu.core_type<sc_vector_subcore>, window_params = [{transform_indices = #map}, {transform_indices = #map}]} {
    %mul3A = arith.constant 16 : i32
    %mul3A_0 = arith.muli %arg0, %mul3A : i32
    %add3A = arith.addi %mul3A_0, %arg1 : i32
    %scan3A = arith.constant 0 : i32
    %scan3A_1 = arith.constant 0 : i32
    %scan3A_2 = arith.constant 128 : i32
    %scan3A_3 = arith.addi %scan3A_1, %scan3A_2 : i32
    %scan3A_4 = arith.constant 1 : i32
    %scan3A_5 = scf.for %scan3A_64 = %scan3A_1 to %scan3A_3 step %scan3A_4 iter_args(%scan3A_65 = %scan3A) -> (i32)  : i32 {
      %broadcast_in_dim3A_66 = arith.constant 0.000000e+00 : f32
      %broadcast_in_dim3A_67 = vector.broadcast %broadcast_in_dim3A_66 : f32 to vector<16xf32>
      %swap3A = arith.index_cast %scan3A_64 : i32 to index
      %swap3A_68 = arith.constant 0 : index
      %swap3A_69 = tpu.vector_load %arg6[%swap3A, %swap3A_68] {strides = array<i32>} : memref<128x128xf32, #tpu.memory_space<vmem>>, vector<1x16xf32>,
      %swap3A_70 = vector.shape_cast %swap3A_69 : vector<1x16xf32> to vector<16xf32>
      %swap3A_71 = vector.shape_cast %broadcast_in_dim3A_67 : vector<16xf32> to vector<1x16xf32>
      tpu.vector_store %arg6[%swap3A, %swap3A_68], %swap3A_71 {strides = array<i32>} : memref<128x128xf32, #tpu.memory_space<vmem>>, vector<1x16xf32>,
      %broadcast_in_dim3A_72 = arith.constant 0.000000e+00 : f32
      %broadcast_in_dim3A_73 = vector.broadcast %broadcast_in_dim3A_72 : f32 to vector<16xf32>
      %swap3A_74 = arith.index_cast %scan3A_64 : i32 to index
      %swap3A_75 = arith.constant 16 : index
      %swap3A_76 = tpu.vector_load %arg6[%swap3A_74, %swap3A_75] {strides = array<i32>} : memref<128x128xf32, #tpu.memory_space<vmem>>, vector<1x16xf32>,
      %swap3A_77 = vector.shape_cast %swap3A_76 : vector<1x16xf32> to vector<16xf32>
      %swap3A_78 = vector.shape_cast %broadcast_in_dim3A_73 : vector<16xf32> to vector<1x16xf32>
      tpu.vector_store %arg6[%swap3A_74, %swap3A_75], %swap3A_78 {strides = array<i32>} : memref<128x128xf32, #tpu.memory_space<vmem>>, vector<1x16xf32>,
      %broadcast_in_dim3A_79 = arith.constant 0.000000e+00 : f32
      %broadcast_in_dim3A_80 = vector.broadcast %broadcast_in_dim3A_79 : f32 to vector<16xf32>
      %swap3A_81 = arith.index_cast %scan3A_64 : i32 to index
      %swap3A_82 = arith.constant 32 : index
      %swap3A_83 = tpu.vector_load %arg6[%swap3A_81, %swap3A_82] {strides = array<i32>} : memref<128x128xf32, #tpu.memory_space<vmem>>, vector<1x16xf32>,
      %swap3A_84 = vector.shape_cast %swap3A_83 : vector<1x16xf32> to vector<16xf32>
      %swap3A_85 = vector.shape_cast %broadcast_in_dim3A_80 : vector<16xf32> to vector<1x16xf32>
      tpu.vector_store %arg6[%swap3A_81, %swap3A_82], %swap3A_85 {strides = array<i32>} : memref<128x128xf32, #tpu.memory_space<vmem>>, vector<1x16xf32>,
      %broadcast_in_dim3A_86 = arith.constant 0.000000e+00 : f32
      %broadcast_in_dim3A_87 = vector.broadcast %broadcast_in_dim3A_86 : f32 to vector<16xf32>
      %swap3A_88 = arith.index_cast %scan3A_64 : i32 to index
      %swap3A_89 = arith.constant 48 : index
      %swap3A_90 = tpu.vector_load %arg6[%swap3A_88, %swap3A_89] {strides = array<i32>} : memref<128x128xf32, #tpu.memory_space<vmem>>, vector<1x16xf32>,
      %swap3A_91 = vector.shape_cast %swap3A_90 : vector<1x16xf32> to vector<16xf32>
      %swap3A_92 = vector.shape_cast %broadcast_in_dim3A_87 : vector<16xf32> to vector<1x16xf32>
      tpu.vector_store %arg6[%swap3A_88, %swap3A_89], %swap3A_92 {strides = array<i32>} : memref<128x128xf32, #tpu.memory_space<vmem>>, vector<1x16xf32>,
      %broadcast_in_dim3A_93 = arith.constant 0.000000e+00 : f32
      %broadcast_in_dim3A_94 = vector.broadcast %broadcast_in_dim3A_93 : f32 to vector<16xf32>
      %swap3A_95 = arith.index_cast %scan3A_64 : i32 to index
      %swap3A_96 = arith.constant 64 : index
      %swap3A_97 = tpu.vector_load %arg6[%swap3A_95, %swap3A_96] {strides = array<i32>} : memref<128x128xf32, #tpu.memory_space<vmem>>, vector<1x16xf32>,
      %swap3A_98 = vector.shape_cast %swap3A_97 : vector<1x16xf32> to vector<16xf32>
      %swap3A_99 = vector.shape_cast %broadcast_in_dim3A_94 : vector<16xf32> to vector<1x16xf32>
      tpu.vector_store %arg6[%swap3A_95, %swap3A_96], %swap3A_99 {strides = array<i32>} : memref<128x128xf32, #tpu.memory_space<vmem>>, vector<1x16xf32>,
      %broadcast_in_dim3A_100 = arith.constant 0.000000e+00 : f32
      %broadcast_in_dim3A_101 = vector.broadcast %broadcast_in_dim3A_100 : f32 to vector<16xf32>
      %swap3A_102 = arith.index_cast %scan3A_64 : i32 to index
      %swap3A_103 = arith.constant 80 : index
      %swap3A_104 = tpu.vector_load %arg6[%swap3A_102, %swap3A_103] {strides = array<i32>} : memref<128x128xf32, #tpu.memory_space<vmem>>, vector<1x16xf32>,
      %swap3A_105 = vector.shape_cast %swap3A_104 : vector<1x16xf32> to vector<16xf32>
      %swap3A_106 = vector.shape_cast %broadcast_in_dim3A_101 : vector<16xf32> to vector<1x16xf32>
      tpu.vector_store %arg6[%swap3A_102, %swap3A_103], %swap3A_106 {strides = array<i32>} : memref<128x128xf32, #tpu.memory_space<vmem>>, vector<1x16xf32>,
      %broadcast_in_dim3A_107 = arith.constant 0.000000e+00 : f32
      %broadcast_in_dim3A_108 = vector.broadcast %broadcast_in_dim3A_107 : f32 to vector<16xf32>
      %swap3A_109 = arith.index_cast %scan3A_64 : i32 to index
      %swap3A_110 = arith.constant 96 : index
      %swap3A_111 = tpu.vector_load %arg6[%swap3A_109, %swap3A_110] {strides = array<i32>} : memref<128x128xf32, #tpu.memory_space<vmem>>, vector<1x16xf32>,
      %swap3A_112 = vector.shape_cast %swap3A_111 : vector<1x16xf32> to vector<16xf32>
      %swap3A_113 = vector.shape_cast %broadcast_in_dim3A_108 : vector<16xf32> to vector<1x16xf32>
      tpu.vector_store %arg6[%swap3A_109, %swap3A_110], %swap3A_113 {strides = array<i32>} : memref<128x128xf32, #tpu.memory_space<vmem>>, vector<1x16xf32>,
      %broadcast_in_dim3A_114 = arith.constant 0.000000e+00 : f32
      %broadcast_in_dim3A_115 = vector.broadcast %broadcast_in_dim3A_114 : f32 to vector<16xf32>
      %swap3A_116 = arith.index_cast %scan3A_64 : i32 to index
      %swap3A_117 = arith.constant 112 : index
      %swap3A_118 = tpu.vector_load %arg6[%swap3A_116, %swap3A_117] {strides = array<i32>} : memref<128x128xf32, #tpu.memory_space<vmem>>, vector<1x16xf32>,
      %swap3A_119 = vector.shape_cast %swap3A_118 : vector<1x16xf32> to vector<16xf32>
      %swap3A_120 = vector.shape_cast %broadcast_in_dim3A_115 : vector<16xf32> to vector<1x16xf32>
      tpu.vector_store %arg6[%swap3A_116, %swap3A_117], %swap3A_120 {strides = array<i32>} : memref<128x128xf32, #tpu.memory_space<vmem>>, vector<1x16xf32>,
      %scan3A_121 = arith.constant 0 : i32
      scf.yield %scan3A_121 : i32
    }
    %scan3A_6 = arith.constant 128 : i32
    %mul3A_7 = arith.constant 640 : i32
    %mul3A_8 = arith.muli %arg1, %mul3A_7 : i32
    %scan3A_9 = arith.constant 0 : i32
    %scan3A_10 = arith.constant 0 : i32
    %scan3A_11 = arith.constant 40 : i32
    %scan3A_12 = arith.addi %scan3A_10, %scan3A_11 : i32
    %scan3A_13 = arith.constant 1 : i32
    %scan3A_14 = scf.for %scan3A_64 = %scan3A_10 to %scan3A_12 step %scan3A_13 iter_args(%scan3A_65 = %scan3A_9) -> (i32)  : i32 {
      %jit3A_66 = arith.constant 8 : i32
      %div3A = arith.divsi %scan3A_64, %jit3A_66 : i32
      %sign3A = arith.constant 0 : i32
      %sign3A_67 = arith.cmpi sgt, %scan3A_64, %sign3A : i32
      %sign3A_68 = arith.extui %sign3A_67 : i1 to i32
      %sign3A_69 = arith.constant 0 : i32
      %sign3A_70 = arith.cmpi slt, %scan3A_64, %sign3A_69 : i32
      %sign3A_71 = arith.extui %sign3A_70 : i1 to i32
      %sign3A_72 = arith.subi %sign3A_68, %sign3A_71 : i32
      %sign3A_73 = arith.constant 0 : i32
      %sign3A_74 = arith.cmpi sgt, %jit3A_66, %sign3A_73 : i32
      %sign3A_75 = arith.extui %sign3A_74 : i1 to i32
      %sign3A_76 = arith.constant 0 : i32
      %sign3A_77 = arith.cmpi slt, %jit3A_66, %sign3A_76 : i32
      %sign3A_78 = arith.extui %sign3A_77 : i1 to i32
      %sign3A_79 = arith.subi %sign3A_75, %sign3A_78 : i32
      %ne3A = arith.cmpi ne, %sign3A_72, %sign3A_79 : i32
      %rem3A = arith.remsi %scan3A_64, %jit3A_66 : i32
      %ne3A_80 = arith.constant 0 : i32
      %ne3A_81 = arith.cmpi ne, %rem3A, %ne3A_80 : i32
      %and3A = arith.andi %ne3A, %ne3A_81 : i1
      %sub3A = arith.constant 1 : i32
      %sub3A_82 = arith.subi %div3A, %sub3A : i32
      %select_n3A_83 = arith.select %and3A, %sub3A_82, %div3A : i32
      %jit3A_84 = arith.constant 8 : i32
      %eq3A_85 = arith.constant 0 : i32
      %eq3A_86 = arith.cmpi eq, %jit3A_84, %eq3A_85 : i32
      %jit3A_87 = arith.constant 1 : i32
      %select_n3A_88 = arith.select %eq3A_86, %jit3A_87, %jit3A_84 : i32
      %rem3A_89 = arith.remsi %scan3A_64, %select_n3A_88 : i32
      %ne3A_90 = arith.constant 0 : i32
      %ne3A_91 = arith.cmpi ne, %rem3A_89, %ne3A_90 : i32
      %lt3A = arith.constant 0 : i32
      %lt3A_92 = arith.cmpi slt, %rem3A_89, %lt3A : i32
      %lt3A_93 = arith.constant 0 : i32
      %lt3A_94 = arith.cmpi slt, %select_n3A_88, %lt3A_93 : i32
      %ne3A_95 = arith.xori %lt3A_92, %lt3A_94 : i1
      %and3A_96 = arith.andi %ne3A_95, %ne3A_91 : i1
      %add3A_97 = arith.addi %rem3A_89, %select_n3A_88 : i32
      %select_n3A_98 = arith.select %and3A_96, %add3A_97, %rem3A_89 : i32
      %mul3A_99 = arith.constant 16 : i32
      %mul3A_100 = arith.muli %select_n3A_98, %mul3A_99 : i32
      %mul3A_101 = arith.constant 16 : i32
      %mul3A_102 = arith.muli %scan3A_64, %mul3A_101 : i32
      %add3A_103 = arith.addi %mul3A_8, %mul3A_102 : i32
      %iota3A_104 = tpu.iota {dimensions = array<i32: 0>} : vector<16xi32>
      %add3A_105 = vector.broadcast %add3A_103 : i32 to vector<16xi32>
      %add3A_106 = arith.addi %add3A_105, %iota3A_104 : vector<16xi32>
      %swap3A = arith.index_cast %select_n3A_83 : i32 to index
      %swap3A_107 = arith.index_cast %mul3A_100 : i32 to index
      %swap3A_108 = tpu.vector_load %arg5[%swap3A, %swap3A_107] {strides = array<i32>} : memref<5x128xi32, #tpu.memory_space<vmem>>, vector<1x16xi32>,
      %swap3A_109 = vector.shape_cast %swap3A_108 : vector<1x16xi32> to vector<16xi32>
      %swap3A_110 = vector.shape_cast %add3A_106 : vector<16xi32> to vector<1x16xi32>
      tpu.vector_store %arg5[%swap3A, %swap3A_107], %swap3A_110 {strides = array<i32>} : memref<5x128xi32, #tpu.memory_space<vmem>>, vector<1x16xi32>,
      %scan3A_111 = arith.constant 0 : i32
      scf.yield %scan3A_111 : i32
    }
    %scan3A_15 = arith.constant 40 : i32
    %run_scoped3A = arith.constant 0 : i32
    "tpu.region"() ({
      %run_scoped3A_64 = tpu.sem_alloc : memref<!tpu.dma_semaphore, #tpu.memory_space<semaphore_mem>>
      %dma_start3A = arith.constant 0 : i32
      %dma_start3A_65 = tpu.memref_slice %arg5[%run_scoped3A, %dma_start3A] : memref<5x128xi32, #tpu.memory_space<vmem>> -> memref<1x128xi32, #tpu.memory_space<vmem>>
      %dma_start3A_66 = tpu.memref_squeeze %dma_start3A_65 : memref<1x128xi32, #tpu.memory_space<vmem>> -> memref<128xi32, #tpu.memory_space<vmem>>
      %dma_start3A_67 = arith.constant 0 : i32
      %dma_start3A_68 = arith.constant 0 : i32
      %dma_start3A_69 = tpu.memref_slice %arg7[%dma_start3A_67, %dma_start3A_68] : memref<10240x128xf32, #tpu.memory_space<vmem_shared>> -> memref<10240x128xf32, #tpu.memory_space<vmem_shared>>
      tpu.enqueue_indirect_dma source(%arg6 : memref<128x128xf32, #tpu.memory_space<vmem>>) target(%dma_start3A_69 : memref<10240x128xf32, #tpu.memory_space<vmem_shared>>) offsets(%dma_start3A_66 : memref<128xi32, #tpu.memory_space<vmem>>) semaphore(%run_scoped3A_64 : memref<!tpu.dma_semaphore, #tpu.memory_space<semaphore_mem>>)
      %dma_wait3A = arith.constant 0 : i32
      %dma_wait3A_70 = tpu.memref_slice %arg5[%run_scoped3A, %dma_wait3A] : memref<5x128xi32, #tpu.memory_space<vmem>> -> memref<1x128xi32, #tpu.memory_space<vmem>>
      %dma_wait3A_71 = tpu.memref_squeeze %dma_wait3A_70 : memref<1x128xi32, #tpu.memory_space<vmem>> -> memref<128xi32, #tpu.memory_space<vmem>>
      %dma_wait3A_72 = arith.constant 0 : i32
      %dma_wait3A_73 = arith.constant 0 : i32
      %dma_wait3A_74 = tpu.memref_slice %arg7[%dma_wait3A_72, %dma_wait3A_73] : memref<10240x128xf32, #tpu.memory_space<vmem_shared>> -> memref<10240x128xf32, #tpu.memory_space<vmem_shared>>
      tpu.wait_indirect_dma semaphore(%run_scoped3A_64 : memref<!tpu.dma_semaphore, #tpu.memory_space<semaphore_mem>>) src(%arg6 : memref<128x128xf32, #tpu.memory_space<vmem>>) dst(%dma_wait3A_74 : memref<10240x128xf32, #tpu.memory_space<vmem_shared>>)
      tpu.yield
    }) : () -> ()
    %run_scoped3A_16 = arith.constant 1 : i32
    "tpu.region"() ({
      %run_scoped3A_64 = tpu.sem_alloc : memref<!tpu.dma_semaphore, #tpu.memory_space<semaphore_mem>>
      %dma_start3A = arith.constant 0 : i32
      %dma_start3A_65 = tpu.memref_slice %arg5[%run_scoped3A_16, %dma_start3A] : memref<5x128xi32, #tpu.memory_space<vmem>> -> memref<1x128xi32, #tpu.memory_space<vmem>>
      %dma_start3A_66 = tpu.memref_squeeze %dma_start3A_65 : memref<1x128xi32, #tpu.memory_space<vmem>> -> memref<128xi32, #tpu.memory_space<vmem>>
      %dma_start3A_67 = arith.constant 0 : i32
      %dma_start3A_68 = arith.constant 0 : i32
      %dma_start3A_69 = tpu.memref_slice %arg7[%dma_start3A_67, %dma_start3A_68] : memref<10240x128xf32, #tpu.memory_space<vmem_shared>> -> memref<10240x128xf32, #tpu.memory_space<vmem_shared>>
      tpu.enqueue_indirect_dma source(%arg6 : memref<128x128xf32, #tpu.memory_space<vmem>>) target(%dma_start3A_69 : memref<10240x128xf32, #tpu.memory_space<vmem_shared>>) offsets(%dma_start3A_66 : memref<128xi32, #tpu.memory_space<vmem>>) semaphore(%run_scoped3A_64 : memref<!tpu.dma_semaphore, #tpu.memory_space<semaphore_mem>>)
      %dma_wait3A = arith.constant 0 : i32
      %dma_wait3A_70 = tpu.memref_slice %arg5[%run_scoped3A_16, %dma_wait3A] : memref<5x128xi32, #tpu.memory_space<vmem>> -> memref<1x128xi32, #tpu.memory_space<vmem>>
      %dma_wait3A_71 = tpu.memref_squeeze %dma_wait3A_70 : memref<1x128xi32, #tpu.memory_space<vmem>> -> memref<128xi32, #tpu.memory_space<vmem>>
      %dma_wait3A_72 = arith.constant 0 : i32
      %dma_wait3A_73 = arith.constant 0 : i32
      %dma_wait3A_74 = tpu.memref_slice %arg7[%dma_wait3A_72, %dma_wait3A_73] : memref<10240x128xf32, #tpu.memory_space<vmem_shared>> -> memref<10240x128xf32, #tpu.memory_space<vmem_shared>>
      tpu.wait_indirect_dma semaphore(%run_scoped3A_64 : memref<!tpu.dma_semaphore, #tpu.memory_space<semaphore_mem>>) src(%arg6 : memref<128x128xf32, #tpu.memory_space<vmem>>) dst(%dma_wait3A_74 : memref<10240x128xf32, #tpu.memory_space<vmem_shared>>)
      tpu.yield
    }) : () -> ()
    %run_scoped3A_17 = arith.constant 2 : i32
    "tpu.region"() ({
      %run_scoped3A_64 = tpu.sem_alloc : memref<!tpu.dma_semaphore, #tpu.memory_space<semaphore_mem>>
      %dma_start3A = arith.constant 0 : i32
      %dma_start3A_65 = tpu.memref_slice %arg5[%run_scoped3A_17, %dma_start3A] : memref<5x128xi32, #tpu.memory_space<vmem>> -> memref<1x128xi32, #tpu.memory_space<vmem>>
      %dma_start3A_66 = tpu.memref_squeeze %dma_start3A_65 : memref<1x128xi32, #tpu.memory_space<vmem>> -> memref<128xi32, #tpu.memory_space<vmem>>
      %dma_start3A_67 = arith.constant 0 : i32
      %dma_start3A_68 = arith.constant 0 : i32
      %dma_start3A_69 = tpu.memref_slice %arg7[%dma_start3A_67, %dma_start3A_68] : memref<10240x128xf32, #tpu.memory_space<vmem_shared>> -> memref<10240x128xf32, #tpu.memory_space<vmem_shared>>
      tpu.enqueue_indirect_dma source(%arg6 : memref<128x128xf32, #tpu.memory_space<vmem>>) target(%dma_start3A_69 : memref<10240x128xf32, #tpu.memory_space<vmem_shared>>) offsets(%dma_start3A_66 : memref<128xi32, #tpu.memory_space<vmem>>) semaphore(%run_scoped3A_64 : memref<!tpu.dma_semaphore, #tpu.memory_space<semaphore_mem>>)
      %dma_wait3A = arith.constant 0 : i32
      %dma_wait3A_70 = tpu.memref_slice %arg5[%run_scoped3A_17, %dma_wait3A] : memref<5x128xi32, #tpu.memory_space<vmem>> -> memref<1x128xi32, #tpu.memory_space<vmem>>
      %dma_wait3A_71 = tpu.memref_squeeze %dma_wait3A_70 : memref<1x128xi32, #tpu.memory_space<vmem>> -> memref<128xi32, #tpu.memory_space<vmem>>
      %dma_wait3A_72 = arith.constant 0 : i32
      %dma_wait3A_73 = arith.constant 0 : i32
      %dma_wait3A_74 = tpu.memref_slice %arg7[%dma_wait3A_72, %dma_wait3A_73] : memref<10240x128xf32, #tpu.memory_space<vmem_shared>> -> memref<10240x128xf32, #tpu.memory_space<vmem_shared>>
      tpu.wait_indirect_dma semaphore(%run_scoped3A_64 : memref<!tpu.dma_semaphore, #tpu.memory_space<semaphore_mem>>) src(%arg6 : memref<128x128xf32, #tpu.memory_space<vmem>>) dst(%dma_wait3A_74 : memref<10240x128xf32, #tpu.memory_space<vmem_shared>>)
      tpu.yield
    }) : () -> ()
    %run_scoped3A_18 = arith.constant 3 : i32
    "tpu.region"() ({
      %run_scoped3A_64 = tpu.sem_alloc : memref<!tpu.dma_semaphore, #tpu.memory_space<semaphore_mem>>
      %dma_start3A = arith.constant 0 : i32
      %dma_start3A_65 = tpu.memref_slice %arg5[%run_scoped3A_18, %dma_start3A] : memref<5x128xi32, #tpu.memory_space<vmem>> -> memref<1x128xi32, #tpu.memory_space<vmem>>
      %dma_start3A_66 = tpu.memref_squeeze %dma_start3A_65 : memref<1x128xi32, #tpu.memory_space<vmem>> -> memref<128xi32, #tpu.memory_space<vmem>>
      %dma_start3A_67 = arith.constant 0 : i32
      %dma_start3A_68 = arith.constant 0 : i32
      %dma_start3A_69 = tpu.memref_slice %arg7[%dma_start3A_67, %dma_start3A_68] : memref<10240x128xf32, #tpu.memory_space<vmem_shared>> -> memref<10240x128xf32, #tpu.memory_space<vmem_shared>>
      tpu.enqueue_indirect_dma source(%arg6 : memref<128x128xf32, #tpu.memory_space<vmem>>) target(%dma_start3A_69 : memref<10240x128xf32, #tpu.memory_space<vmem_shared>>) offsets(%dma_start3A_66 : memref<128xi32, #tpu.memory_space<vmem>>) semaphore(%run_scoped3A_64 : memref<!tpu.dma_semaphore, #tpu.memory_space<semaphore_mem>>)
      %dma_wait3A = arith.constant 0 : i32
      %dma_wait3A_70 = tpu.memref_slice %arg5[%run_scoped3A_18, %dma_wait3A] : memref<5x128xi32, #tpu.memory_space<vmem>> -> memref<1x128xi32, #tpu.memory_space<vmem>>
      %dma_wait3A_71 = tpu.memref_squeeze %dma_wait3A_70 : memref<1x128xi32, #tpu.memory_space<vmem>> -> memref<128xi32, #tpu.memory_space<vmem>>
      %dma_wait3A_72 = arith.constant 0 : i32
      %dma_wait3A_73 = arith.constant 0 : i32
      %dma_wait3A_74 = tpu.memref_slice %arg7[%dma_wait3A_72, %dma_wait3A_73] : memref<10240x128xf32, #tpu.memory_space<vmem_shared>> -> memref<10240x128xf32, #tpu.memory_space<vmem_shared>>
      tpu.wait_indirect_dma semaphore(%run_scoped3A_64 : memref<!tpu.dma_semaphore, #tpu.memory_space<semaphore_mem>>) src(%arg6 : memref<128x128xf32, #tpu.memory_space<vmem>>) dst(%dma_wait3A_74 : memref<10240x128xf32, #tpu.memory_space<vmem_shared>>)
      tpu.yield
    }) : () -> ()
    %run_scoped3A_19 = arith.constant 4 : i32
    "tpu.region"() ({
      %run_scoped3A_64 = tpu.sem_alloc : memref<!tpu.dma_semaphore, #tpu.memory_space<semaphore_mem>>
      %dma_start3A = arith.constant 0 : i32
      %dma_start3A_65 = tpu.memref_slice %arg5[%run_scoped3A_19, %dma_start3A] : memref<5x128xi32, #tpu.memory_space<vmem>> -> memref<1x128xi32, #tpu.memory_space<vmem>>
      %dma_start3A_66 = tpu.memref_squeeze %dma_start3A_65 : memref<1x128xi32, #tpu.memory_space<vmem>> -> memref<128xi32, #tpu.memory_space<vmem>>
      %dma_start3A_67 = arith.constant 0 : i32
      %dma_start3A_68 = arith.constant 0 : i32
      %dma_start3A_69 = tpu.memref_slice %arg7[%dma_start3A_67, %dma_start3A_68] : memref<10240x128xf32, #tpu.memory_space<vmem_shared>> -> memref<10240x128xf32, #tpu.memory_space<vmem_shared>>
      tpu.enqueue_indirect_dma source(%arg6 : memref<128x128xf32, #tpu.memory_space<vmem>>) target(%dma_start3A_69 : memref<10240x128xf32, #tpu.memory_space<vmem_shared>>) offsets(%dma_start3A_66 : memref<128xi32, #tpu.memory_space<vmem>>) semaphore(%run_scoped3A_64 : memref<!tpu.dma_semaphore, #tpu.memory_space<semaphore_mem>>)
      %dma_wait3A = arith.constant 0 : i32
      %dma_wait3A_70 = tpu.memref_slice %arg5[%run_scoped3A_19, %dma_wait3A] : memref<5x128xi32, #tpu.memory_space<vmem>> -> memref<1x128xi32, #tpu.memory_space<vmem>>
      %dma_wait3A_71 = tpu.memref_squeeze %dma_wait3A_70 : memref<1x128xi32, #tpu.memory_space<vmem>> -> memref<128xi32, #tpu.memory_space<vmem>>
      %dma_wait3A_72 = arith.constant 0 : i32
      %dma_wait3A_73 = arith.constant 0 : i32
      %dma_wait3A_74 = tpu.memref_slice %arg7[%dma_wait3A_72, %dma_wait3A_73] : memref<10240x128xf32, #tpu.memory_space<vmem_shared>> -> memref<10240x128xf32, #tpu.memory_space<vmem_shared>>
      tpu.wait_indirect_dma semaphore(%run_scoped3A_64 : memref<!tpu.dma_semaphore, #tpu.memory_space<semaphore_mem>>) src(%arg6 : memref<128x128xf32, #tpu.memory_space<vmem>>) dst(%dma_wait3A_74 : memref<10240x128xf32, #tpu.memory_space<vmem_shared>>)
      tpu.yield
    }) : () -> ()
    %barrier3A = arith.constant 0 : index
    tpu.barrier barrier_id(%barrier3A)
    %iota3A = tpu.iota {dimensions = array<i32: 0>} : vector<16xi32>
    %eq3A = arith.constant 0 : i32
    %eq3A_20 = vector.broadcast %eq3A : i32 to vector<16xi32>
    %eq3A_21 = arith.cmpi eq, %iota3A, %eq3A_20 : vector<16xi32>
    %jit3A = arith.constant 1.000000e+00 : f32
    %jit3A_22 = arith.constant 0.000000e+00 : f32
    %broadcast_in_dim3A = vector.broadcast %jit3A : f32 to vector<16xf32>
    %broadcast_in_dim3A_23 = vector.broadcast %jit3A_22 : f32 to vector<16xf32>
    %select_n3A = arith.select %eq3A_21, %broadcast_in_dim3A, %broadcast_in_dim3A_23 : vector<16xi1>, vector<16xf32>
    %scan3A_24 = arith.constant 0 : i32
    %scan3A_25 = arith.constant 0 : i32
    %scan3A_26 = arith.constant 128 : i32
    %scan3A_27 = arith.addi %scan3A_25, %scan3A_26 : i32
    %scan3A_28 = arith.constant 1 : i32
    %scan3A_29 = scf.for %scan3A_64 = %scan3A_25 to %scan3A_27 step %scan3A_28 iter_args(%scan3A_65 = %scan3A_24) -> (i32)  : i32 {
      %swap3A = arith.index_cast %scan3A_64 : i32 to index
      %swap3A_66 = arith.constant 0 : index
      %swap3A_67 = tpu.vector_load %arg6[%swap3A, %swap3A_66] {strides = array<i32>} : memref<128x128xf32, #tpu.memory_space<vmem>>, vector<1x16xf32>,
      %swap3A_68 = vector.shape_cast %swap3A_67 : vector<1x16xf32> to vector<16xf32>
      %swap3A_69 = vector.shape_cast %select_n3A : vector<16xf32> to vector<1x16xf32>
      tpu.vector_store %arg6[%swap3A, %swap3A_66], %swap3A_69 {strides = array<i32>} : memref<128x128xf32, #tpu.memory_space<vmem>>, vector<1x16xf32>,
      %scan3A_70 = arith.constant 0 : i32
      scf.yield %scan3A_70 : i32
    }
    %scan3A_30 = arith.constant 128 : i32
    "tpu.region"() ({
      %run_scoped3A_64 = tpu.sem_alloc : memref<!tpu.dma_semaphore, #tpu.memory_space<semaphore_mem>>
      %dma_start3A = arith.constant 0 : i32
      %dma_start3A_65 = arith.constant 0 : i32
      %dma_start3A_66 = tpu.memref_slice %arg2[%add3A, %dma_start3A, %dma_start3A_65] : memref<32x79x128xi32, #tpu.memory_space<hbm>> -> memref<1x79x128xi32, #tpu.memory_space<hbm>>
      %dma_start3A_67 = tpu.memref_squeeze %dma_start3A_66 : memref<1x79x128xi32, #tpu.memory_space<hbm>> -> memref<79x128xi32, #tpu.memory_space<hbm>>
      %dma_start3A_68 = arith.constant 0 : i32
      %dma_start3A_69 = arith.constant 0 : i32
      %dma_start3A_70 = tpu.memref_slice %arg2[%add3A, %dma_start3A_68, %dma_start3A_69] : memref<32x79x128xi32, #tpu.memory_space<hbm>> -> memref<1x79x128xi32, #tpu.memory_space<hbm>>
      %dma_start3A_71 = tpu.memref_squeeze %dma_start3A_70 : memref<1x79x128xi32, #tpu.memory_space<hbm>> -> memref<79x128xi32, #tpu.memory_space<hbm>>
      tpu.enqueue_dma source(%dma_start3A_71 : memref<79x128xi32, #tpu.memory_space<hbm>>) target(%arg4 : memref<79x128xi32, #tpu.memory_space<vmem>>) target_semaphore(%run_scoped3A_64 : memref<!tpu.dma_semaphore, #tpu.memory_space<semaphore_mem>>)
      %dma_wait3A = arith.constant 0 : i32
      %dma_wait3A_72 = arith.constant 0 : i32
      %dma_wait3A_73 = tpu.memref_slice %arg2[%add3A, %dma_wait3A, %dma_wait3A_72] : memref<32x79x128xi32, #tpu.memory_space<hbm>> -> memref<1x79x128xi32, #tpu.memory_space<hbm>>
      %dma_wait3A_74 = tpu.memref_squeeze %dma_wait3A_73 : memref<1x79x128xi32, #tpu.memory_space<hbm>> -> memref<79x128xi32, #tpu.memory_space<hbm>>
      %dma_wait3A_75 = arith.constant 0 : i32
      %dma_wait3A_76 = arith.constant 0 : i32
      %dma_wait3A_77 = tpu.memref_slice %arg2[%add3A, %dma_wait3A_75, %dma_wait3A_76] : memref<32x79x128xi32, #tpu.memory_space<hbm>> -> memref<1x79x128xi32, #tpu.memory_space<hbm>>
      %dma_wait3A_78 = tpu.memref_squeeze %dma_wait3A_77 : memref<1x79x128xi32, #tpu.memory_space<hbm>> -> memref<79x128xi32, #tpu.memory_space<hbm>>
      tpu.wait_dma2 semaphore(%run_scoped3A_64 : memref<!tpu.dma_semaphore, #tpu.memory_space<semaphore_mem>>) src(%dma_wait3A_78 : memref<79x128xi32, #tpu.memory_space<hbm>>) dst(%arg4 : memref<79x128xi32, #tpu.memory_space<vmem>>)
      tpu.yield
    }) : () -> ()
    %scan3A_31 = arith.constant 0 : i32
    %scan3A_32 = arith.constant 0 : i32
    %scan3A_33 = arith.constant 79 : i32
    %scan3A_34 = arith.addi %scan3A_32, %scan3A_33 : i32
    %scan3A_35 = arith.constant 1 : i32
    %scan3A_36 = scf.for %scan3A_64 = %scan3A_32 to %scan3A_34 step %scan3A_35 iter_args(%scan3A_65 = %scan3A_31) -> (i32)  : i32 {
      "tpu.region"() ({
        %run_scoped3A_67 = tpu.sem_alloc : memref<!tpu.dma_semaphore, #tpu.memory_space<semaphore_mem>>
        %dma_start3A = arith.constant 0 : i32
        %dma_start3A_68 = tpu.memref_slice %arg4[%scan3A_64, %dma_start3A] : memref<79x128xi32, #tpu.memory_space<vmem>> -> memref<1x128xi32, #tpu.memory_space<vmem>>
        %dma_start3A_69 = tpu.memref_squeeze %dma_start3A_68 : memref<1x128xi32, #tpu.memory_space<vmem>> -> memref<128xi32, #tpu.memory_space<vmem>>
        %dma_start3A_70 = arith.constant 0 : i32
        %dma_start3A_71 = arith.constant 0 : i32
        %dma_start3A_72 = tpu.memref_slice %arg7[%dma_start3A_70, %dma_start3A_71] : memref<10240x128xf32, #tpu.memory_space<vmem_shared>> -> memref<10240x128xf32, #tpu.memory_space<vmem_shared>>
        tpu.enqueue_indirect_dma source(%arg6 : memref<128x128xf32, #tpu.memory_space<vmem>>) target(%dma_start3A_72 : memref<10240x128xf32, #tpu.memory_space<vmem_shared>>) offsets(%dma_start3A_69 : memref<128xi32, #tpu.memory_space<vmem>>) semaphore(%run_scoped3A_67 : memref<!tpu.dma_semaphore, #tpu.memory_space<semaphore_mem>>) {add = true}
        %dma_wait3A = arith.constant 0 : i32
        %dma_wait3A_73 = tpu.memref_slice %arg4[%scan3A_64, %dma_wait3A] : memref<79x128xi32, #tpu.memory_space<vmem>> -> memref<1x128xi32, #tpu.memory_space<vmem>>
        %dma_wait3A_74 = tpu.memref_squeeze %dma_wait3A_73 : memref<1x128xi32, #tpu.memory_space<vmem>> -> memref<128xi32, #tpu.memory_space<vmem>>
        %dma_wait3A_75 = arith.constant 0 : i32
        %dma_wait3A_76 = arith.constant 0 : i32
        %dma_wait3A_77 = tpu.memref_slice %arg7[%dma_wait3A_75, %dma_wait3A_76] : memref<10240x128xf32, #tpu.memory_space<vmem_shared>> -> memref<10240x128xf32, #tpu.memory_space<vmem_shared>>
        tpu.wait_indirect_dma semaphore(%run_scoped3A_67 : memref<!tpu.dma_semaphore, #tpu.memory_space<semaphore_mem>>) src(%arg6 : memref<128x128xf32, #tpu.memory_space<vmem>>) dst(%dma_wait3A_77 : memref<10240x128xf32, #tpu.memory_space<vmem_shared>>)
        tpu.yield
      }) : () -> ()
      %scan3A_66 = arith.constant 0 : i32
      scf.yield %scan3A_66 : i32
    }
    %scan3A_37 = arith.constant 79 : i32
    %barrier3A_38 = arith.constant 0 : index
    tpu.barrier barrier_id(%barrier3A_38)
    %run_scoped3A_39 = arith.constant 0 : i32
    "tpu.region"() ({
      %run_scoped3A_64 = tpu.sem_alloc : memref<!tpu.dma_semaphore, #tpu.memory_space<semaphore_mem>>
      %dma_start3A = arith.constant 0 : i32
      %dma_start3A_65 = tpu.memref_slice %arg5[%run_scoped3A_39, %dma_start3A] : memref<5x128xi32, #tpu.memory_space<vmem>> -> memref<1x128xi32, #tpu.memory_space<vmem>>
      %dma_start3A_66 = tpu.memref_squeeze %dma_start3A_65 : memref<1x128xi32, #tpu.memory_space<vmem>> -> memref<128xi32, #tpu.memory_space<vmem>>
      %dma_start3A_67 = arith.constant 0 : i32
      %dma_start3A_68 = arith.constant 0 : i32
      %dma_start3A_69 = tpu.memref_slice %arg7[%dma_start3A_67, %dma_start3A_68] : memref<10240x128xf32, #tpu.memory_space<vmem_shared>> -> memref<10240x128xf32, #tpu.memory_space<vmem_shared>>
      tpu.enqueue_indirect_dma source(%dma_start3A_69 : memref<10240x128xf32, #tpu.memory_space<vmem_shared>>) target(%arg6 : memref<128x128xf32, #tpu.memory_space<vmem>>) offsets(%dma_start3A_66 : memref<128xi32, #tpu.memory_space<vmem>>) semaphore(%run_scoped3A_64 : memref<!tpu.dma_semaphore, #tpu.memory_space<semaphore_mem>>)
      %dma_wait3A = arith.constant 0 : i32
      %dma_wait3A_70 = tpu.memref_slice %arg5[%run_scoped3A_39, %dma_wait3A] : memref<5x128xi32, #tpu.memory_space<vmem>> -> memref<1x128xi32, #tpu.memory_space<vmem>>
      %dma_wait3A_71 = tpu.memref_squeeze %dma_wait3A_70 : memref<1x128xi32, #tpu.memory_space<vmem>> -> memref<128xi32, #tpu.memory_space<vmem>>
      %dma_wait3A_72 = arith.constant 0 : i32
      %dma_wait3A_73 = arith.constant 0 : i32
      %dma_wait3A_74 = tpu.memref_slice %arg7[%dma_wait3A_72, %dma_wait3A_73] : memref<10240x128xf32, #tpu.memory_space<vmem_shared>> -> memref<10240x128xf32, #tpu.memory_space<vmem_shared>>
      tpu.wait_indirect_dma semaphore(%run_scoped3A_64 : memref<!tpu.dma_semaphore, #tpu.memory_space<semaphore_mem>>) src(%dma_wait3A_74 : memref<10240x128xf32, #tpu.memory_space<vmem_shared>>) dst(%arg6 : memref<128x128xf32, #tpu.memory_space<vmem>>)
      tpu.yield
    }) : () -> ()
    %mul3A_40 = arith.constant 640 : i32
    %mul3A_41 = arith.muli %arg1, %mul3A_40 : i32
    %add3A_42 = arith.constant 0 : i32
    %add3A_43 = arith.addi %mul3A_41, %add3A_42 : i32
    "tpu.region"() ({
      %run_scoped3A_64 = tpu.sem_alloc : memref<!tpu.dma_semaphore, #tpu.memory_space<semaphore_mem>>
      %dma_start3A = arith.constant 0 : i32
      %dma_start3A_65 = tpu.memref_slice %arg3[%arg0, %add3A_43, %dma_start3A] : memref<2x10240x128xf32, #tpu.memory_space<hbm>> -> memref<1x128x128xf32, #tpu.memory_space<hbm>>
      %dma_start3A_66 = tpu.memref_squeeze %dma_start3A_65 : memref<1x128x128xf32, #tpu.memory_space<hbm>> -> memref<128x128xf32, #tpu.memory_space<hbm>>
      %dma_start3A_67 = arith.constant 0 : i32
      %dma_start3A_68 = tpu.memref_slice %arg3[%arg0, %add3A_43, %dma_start3A_67] : memref<2x10240x128xf32, #tpu.memory_space<hbm>> -> memref<1x128x128xf32, #tpu.memory_space<hbm>>
      %dma_start3A_69 = tpu.memref_squeeze %dma_start3A_68 : memref<1x128x128xf32, #tpu.memory_space<hbm>> -> memref<128x128xf32, #tpu.memory_space<hbm>>
      tpu.enqueue_dma source(%arg6 : memref<128x128xf32, #tpu.memory_space<vmem>>) target(%dma_start3A_69 : memref<128x128xf32, #tpu.memory_space<hbm>>) target_semaphore(%run_scoped3A_64 : memref<!tpu.dma_semaphore, #tpu.memory_space<semaphore_mem>>)
      %dma_wait3A = arith.constant 0 : i32
      %dma_wait3A_70 = tpu.memref_slice %arg3[%arg0, %add3A_43, %dma_wait3A] : memref<2x10240x128xf32, #tpu.memory_space<hbm>> -> memref<1x128x128xf32, #tpu.memory_space<hbm>>
      %dma_wait3A_71 = tpu.memref_squeeze %dma_wait3A_70 : memref<1x128x128xf32, #tpu.memory_space<hbm>> -> memref<128x128xf32, #tpu.memory_space<hbm>>
      %dma_wait3A_72 = arith.constant 0 : i32
      %dma_wait3A_73 = tpu.memref_slice %arg3[%arg0, %add3A_43, %dma_wait3A_72] : memref<2x10240x128xf32, #tpu.memory_space<hbm>> -> memref<1x128x128xf32, #tpu.memory_space<hbm>>
      %dma_wait3A_74 = tpu.memref_squeeze %dma_wait3A_73 : memref<1x128x128xf32, #tpu.memory_space<hbm>> -> memref<128x128xf32, #tpu.memory_space<hbm>>
      tpu.wait_dma2 semaphore(%run_scoped3A_64 : memref<!tpu.dma_semaphore, #tpu.memory_space<semaphore_mem>>) src(%arg6 : memref<128x128xf32, #tpu.memory_space<vmem>>) dst(%dma_wait3A_74 : memref<128x128xf32, #tpu.memory_space<hbm>>)
      tpu.yield
    }) : () -> ()
    %run_scoped3A_44 = arith.constant 1 : i32
    "tpu.region"() ({
      %run_scoped3A_64 = tpu.sem_alloc : memref<!tpu.dma_semaphore, #tpu.memory_space<semaphore_mem>>
      %dma_start3A = arith.constant 0 : i32
      %dma_start3A_65 = tpu.memref_slice %arg5[%run_scoped3A_44, %dma_start3A] : memref<5x128xi32, #tpu.memory_space<vmem>> -> memref<1x128xi32, #tpu.memory_space<vmem>>
      %dma_start3A_66 = tpu.memref_squeeze %dma_start3A_65 : memref<1x128xi32, #tpu.memory_space<vmem>> -> memref<128xi32, #tpu.memory_space<vmem>>
      %dma_start3A_67 = arith.constant 0 : i32
      %dma_start3A_68 = arith.constant 0 : i32
      %dma_start3A_69 = tpu.memref_slice %arg7[%dma_start3A_67, %dma_start3A_68] : memref<10240x128xf32, #tpu.memory_space<vmem_shared>> -> memref<10240x128xf32, #tpu.memory_space<vmem_shared>>
      tpu.enqueue_indirect_dma source(%dma_start3A_69 : memref<10240x128xf32, #tpu.memory_space<vmem_shared>>) target(%arg6 : memref<128x128xf32, #tpu.memory_space<vmem>>) offsets(%dma_start3A_66 : memref<128xi32, #tpu.memory_space<vmem>>) semaphore(%run_scoped3A_64 : memref<!tpu.dma_semaphore, #tpu.memory_space<semaphore_mem>>)
      %dma_wait3A = arith.constant 0 : i32
      %dma_wait3A_70 = tpu.memref_slice %arg5[%run_scoped3A_44, %dma_wait3A] : memref<5x128xi32, #tpu.memory_space<vmem>> -> memref<1x128xi32, #tpu.memory_space<vmem>>
      %dma_wait3A_71 = tpu.memref_squeeze %dma_wait3A_70 : memref<1x128xi32, #tpu.memory_space<vmem>> -> memref<128xi32, #tpu.memory_space<vmem>>
      %dma_wait3A_72 = arith.constant 0 : i32
      %dma_wait3A_73 = arith.constant 0 : i32
      %dma_wait3A_74 = tpu.memref_slice %arg7[%dma_wait3A_72, %dma_wait3A_73] : memref<10240x128xf32, #tpu.memory_space<vmem_shared>> -> memref<10240x128xf32, #tpu.memory_space<vmem_shared>>
      tpu.wait_indirect_dma semaphore(%run_scoped3A_64 : memref<!tpu.dma_semaphore, #tpu.memory_space<semaphore_mem>>) src(%dma_wait3A_74 : memref<10240x128xf32, #tpu.memory_space<vmem_shared>>) dst(%arg6 : memref<128x128xf32, #tpu.memory_space<vmem>>)
      tpu.yield
    }) : () -> ()
    %mul3A_45 = arith.constant 640 : i32
    %mul3A_46 = arith.muli %arg1, %mul3A_45 : i32
    %add3A_47 = arith.constant 128 : i32
    %add3A_48 = arith.addi %mul3A_46, %add3A_47 : i32
    "tpu.region"() ({
      %run_scoped3A_64 = tpu.sem_alloc : memref<!tpu.dma_semaphore, #tpu.memory_space<semaphore_mem>>
      %dma_start3A = arith.constant 0 : i32
      %dma_start3A_65 = tpu.memref_slice %arg3[%arg0, %add3A_48, %dma_start3A] : memref<2x10240x128xf32, #tpu.memory_space<hbm>> -> memref<1x128x128xf32, #tpu.memory_space<hbm>>
      %dma_start3A_66 = tpu.memref_squeeze %dma_start3A_65 : memref<1x128x128xf32, #tpu.memory_space<hbm>> -> memref<128x128xf32, #tpu.memory_space<hbm>>
      %dma_start3A_67 = arith.constant 0 : i32
      %dma_start3A_68 = tpu.memref_slice %arg3[%arg0, %add3A_48, %dma_start3A_67] : memref<2x10240x128xf32, #tpu.memory_space<hbm>> -> memref<1x128x128xf32, #tpu.memory_space<hbm>>
      %dma_start3A_69 = tpu.memref_squeeze %dma_start3A_68 : memref<1x128x128xf32, #tpu.memory_space<hbm>> -> memref<128x128xf32, #tpu.memory_space<hbm>>
      tpu.enqueue_dma source(%arg6 : memref<128x128xf32, #tpu.memory_space<vmem>>) target(%dma_start3A_69 : memref<128x128xf32, #tpu.memory_space<hbm>>) target_semaphore(%run_scoped3A_64 : memref<!tpu.dma_semaphore, #tpu.memory_space<semaphore_mem>>)
      %dma_wait3A = arith.constant 0 : i32
      %dma_wait3A_70 = tpu.memref_slice %arg3[%arg0, %add3A_48, %dma_wait3A] : memref<2x10240x128xf32, #tpu.memory_space<hbm>> -> memref<1x128x128xf32, #tpu.memory_space<hbm>>
      %dma_wait3A_71 = tpu.memref_squeeze %dma_wait3A_70 : memref<1x128x128xf32, #tpu.memory_space<hbm>> -> memref<128x128xf32, #tpu.memory_space<hbm>>
      %dma_wait3A_72 = arith.constant 0 : i32
      %dma_wait3A_73 = tpu.memref_slice %arg3[%arg0, %add3A_48, %dma_wait3A_72] : memref<2x10240x128xf32, #tpu.memory_space<hbm>> -> memref<1x128x128xf32, #tpu.memory_space<hbm>>
      %dma_wait3A_74 = tpu.memref_squeeze %dma_wait3A_73 : memref<1x128x128xf32, #tpu.memory_space<hbm>> -> memref<128x128xf32, #tpu.memory_space<hbm>>
      tpu.wait_dma2 semaphore(%run_scoped3A_64 : memref<!tpu.dma_semaphore, #tpu.memory_space<semaphore_mem>>) src(%arg6 : memref<128x128xf32, #tpu.memory_space<vmem>>) dst(%dma_wait3A_74 : memref<128x128xf32, #tpu.memory_space<hbm>>)
      tpu.yield
    }) : () -> ()
    %run_scoped3A_49 = arith.constant 2 : i32
    "tpu.region"() ({
      %run_scoped3A_64 = tpu.sem_alloc : memref<!tpu.dma_semaphore, #tpu.memory_space<semaphore_mem>>
      %dma_start3A = arith.constant 0 : i32
      %dma_start3A_65 = tpu.memref_slice %arg5[%run_scoped3A_49, %dma_start3A] : memref<5x128xi32, #tpu.memory_space<vmem>> -> memref<1x128xi32, #tpu.memory_space<vmem>>
      %dma_start3A_66 = tpu.memref_squeeze %dma_start3A_65 : memref<1x128xi32, #tpu.memory_space<vmem>> -> memref<128xi32, #tpu.memory_space<vmem>>
      %dma_start3A_67 = arith.constant 0 : i32
      %dma_start3A_68 = arith.constant 0 : i32
      %dma_start3A_69 = tpu.memref_slice %arg7[%dma_start3A_67, %dma_start3A_68] : memref<10240x128xf32, #tpu.memory_space<vmem_shared>> -> memref<10240x128xf32, #tpu.memory_space<vmem_shared>>
      tpu.enqueue_indirect_dma source(%dma_start3A_69 : memref<10240x128xf32, #tpu.memory_space<vmem_shared>>) target(%arg6 : memref<128x128xf32, #tpu.memory_space<vmem>>) offsets(%dma_start3A_66 : memref<128xi32, #tpu.memory_space<vmem>>) semaphore(%run_scoped3A_64 : memref<!tpu.dma_semaphore, #tpu.memory_space<semaphore_mem>>)
      %dma_wait3A = arith.constant 0 : i32
      %dma_wait3A_70 = tpu.memref_slice %arg5[%run_scoped3A_49, %dma_wait3A] : memref<5x128xi32, #tpu.memory_space<vmem>> -> memref<1x128xi32, #tpu.memory_space<vmem>>
      %dma_wait3A_71 = tpu.memref_squeeze %dma_wait3A_70 : memref<1x128xi32, #tpu.memory_space<vmem>> -> memref<128xi32, #tpu.memory_space<vmem>>
      %dma_wait3A_72 = arith.constant 0 : i32
      %dma_wait3A_73 = arith.constant 0 : i32
      %dma_wait3A_74 = tpu.memref_slice %arg7[%dma_wait3A_72, %dma_wait3A_73] : memref<10240x128xf32, #tpu.memory_space<vmem_shared>> -> memref<10240x128xf32, #tpu.memory_space<vmem_shared>>
      tpu.wait_indirect_dma semaphore(%run_scoped3A_64 : memref<!tpu.dma_semaphore, #tpu.memory_space<semaphore_mem>>) src(%dma_wait3A_74 : memref<10240x128xf32, #tpu.memory_space<vmem_shared>>) dst(%arg6 : memref<128x128xf32, #tpu.memory_space<vmem>>)
      tpu.yield
    }) : () -> ()
    %mul3A_50 = arith.constant 640 : i32
    %mul3A_51 = arith.muli %arg1, %mul3A_50 : i32
    %add3A_52 = arith.constant 256 : i32
    %add3A_53 = arith.addi %mul3A_51, %add3A_52 : i32
    "tpu.region"() ({
      %run_scoped3A_64 = tpu.sem_alloc : memref<!tpu.dma_semaphore, #tpu.memory_space<semaphore_mem>>
      %dma_start3A = arith.constant 0 : i32
      %dma_start3A_65 = tpu.memref_slice %arg3[%arg0, %add3A_53, %dma_start3A] : memref<2x10240x128xf32, #tpu.memory_space<hbm>> -> memref<1x128x128xf32, #tpu.memory_space<hbm>>
      %dma_start3A_66 = tpu.memref_squeeze %dma_start3A_65 : memref<1x128x128xf32, #tpu.memory_space<hbm>> -> memref<128x128xf32, #tpu.memory_space<hbm>>
      %dma_start3A_67 = arith.constant 0 : i32
      %dma_start3A_68 = tpu.memref_slice %arg3[%arg0, %add3A_53, %dma_start3A_67] : memref<2x10240x128xf32, #tpu.memory_space<hbm>> -> memref<1x128x128xf32, #tpu.memory_space<hbm>>
      %dma_start3A_69 = tpu.memref_squeeze %dma_start3A_68 : memref<1x128x128xf32, #tpu.memory_space<hbm>> -> memref<128x128xf32, #tpu.memory_space<hbm>>
      tpu.enqueue_dma source(%arg6 : memref<128x128xf32, #tpu.memory_space<vmem>>) target(%dma_start3A_69 : memref<128x128xf32, #tpu.memory_space<hbm>>) target_semaphore(%run_scoped3A_64 : memref<!tpu.dma_semaphore, #tpu.memory_space<semaphore_mem>>)
      %dma_wait3A = arith.constant 0 : i32
      %dma_wait3A_70 = tpu.memref_slice %arg3[%arg0, %add3A_53, %dma_wait3A] : memref<2x10240x128xf32, #tpu.memory_space<hbm>> -> memref<1x128x128xf32, #tpu.memory_space<hbm>>
      %dma_wait3A_71 = tpu.memref_squeeze %dma_wait3A_70 : memref<1x128x128xf32, #tpu.memory_space<hbm>> -> memref<128x128xf32, #tpu.memory_space<hbm>>
      %dma_wait3A_72 = arith.constant 0 : i32
      %dma_wait3A_73 = tpu.memref_slice %arg3[%arg0, %add3A_53, %dma_wait3A_72] : memref<2x10240x128xf32, #tpu.memory_space<hbm>> -> memref<1x128x128xf32, #tpu.memory_space<hbm>>
      %dma_wait3A_74 = tpu.memref_squeeze %dma_wait3A_73 : memref<1x128x128xf32, #tpu.memory_space<hbm>> -> memref<128x128xf32, #tpu.memory_space<hbm>>
      tpu.wait_dma2 semaphore(%run_scoped3A_64 : memref<!tpu.dma_semaphore, #tpu.memory_space<semaphore_mem>>) src(%arg6 : memref<128x128xf32, #tpu.memory_space<vmem>>) dst(%dma_wait3A_74 : memref<128x128xf32, #tpu.memory_space<hbm>>)
      tpu.yield
    }) : () -> ()
    %run_scoped3A_54 = arith.constant 3 : i32
    "tpu.region"() ({
      %run_scoped3A_64 = tpu.sem_alloc : memref<!tpu.dma_semaphore, #tpu.memory_space<semaphore_mem>>
      %dma_start3A = arith.constant 0 : i32
      %dma_start3A_65 = tpu.memref_slice %arg5[%run_scoped3A_54, %dma_start3A] : memref<5x128xi32, #tpu.memory_space<vmem>> -> memref<1x128xi32, #tpu.memory_space<vmem>>
      %dma_start3A_66 = tpu.memref_squeeze %dma_start3A_65 : memref<1x128xi32, #tpu.memory_space<vmem>> -> memref<128xi32, #tpu.memory_space<vmem>>
      %dma_start3A_67 = arith.constant 0 : i32
      %dma_start3A_68 = arith.constant 0 : i32
      %dma_start3A_69 = tpu.memref_slice %arg7[%dma_start3A_67, %dma_start3A_68] : memref<10240x128xf32, #tpu.memory_space<vmem_shared>> -> memref<10240x128xf32, #tpu.memory_space<vmem_shared>>
      tpu.enqueue_indirect_dma source(%dma_start3A_69 : memref<10240x128xf32, #tpu.memory_space<vmem_shared>>) target(%arg6 : memref<128x128xf32, #tpu.memory_space<vmem>>) offsets(%dma_start3A_66 : memref<128xi32, #tpu.memory_space<vmem>>) semaphore(%run_scoped3A_64 : memref<!tpu.dma_semaphore, #tpu.memory_space<semaphore_mem>>)
      %dma_wait3A = arith.constant 0 : i32
      %dma_wait3A_70 = tpu.memref_slice %arg5[%run_scoped3A_54, %dma_wait3A] : memref<5x128xi32, #tpu.memory_space<vmem>> -> memref<1x128xi32, #tpu.memory_space<vmem>>
      %dma_wait3A_71 = tpu.memref_squeeze %dma_wait3A_70 : memref<1x128xi32, #tpu.memory_space<vmem>> -> memref<128xi32, #tpu.memory_space<vmem>>
      %dma_wait3A_72 = arith.constant 0 : i32
      %dma_wait3A_73 = arith.constant 0 : i32
      %dma_wait3A_74 = tpu.memref_slice %arg7[%dma_wait3A_72, %dma_wait3A_73] : memref<10240x128xf32, #tpu.memory_space<vmem_shared>> -> memref<10240x128xf32, #tpu.memory_space<vmem_shared>>
      tpu.wait_indirect_dma semaphore(%run_scoped3A_64 : memref<!tpu.dma_semaphore, #tpu.memory_space<semaphore_mem>>) src(%dma_wait3A_74 : memref<10240x128xf32, #tpu.memory_space<vmem_shared>>) dst(%arg6 : memref<128x128xf32, #tpu.memory_space<vmem>>)
      tpu.yield
    }) : () -> ()
    %mul3A_55 = arith.constant 640 : i32
    %mul3A_56 = arith.muli %arg1, %mul3A_55 : i32
    %add3A_57 = arith.constant 384 : i32
    %add3A_58 = arith.addi %mul3A_56, %add3A_57 : i32
    "tpu.region"() ({
      %run_scoped3A_64 = tpu.sem_alloc : memref<!tpu.dma_semaphore, #tpu.memory_space<semaphore_mem>>
      %dma_start3A = arith.constant 0 : i32
      %dma_start3A_65 = tpu.memref_slice %arg3[%arg0, %add3A_58, %dma_start3A] : memref<2x10240x128xf32, #tpu.memory_space<hbm>> -> memref<1x128x128xf32, #tpu.memory_space<hbm>>
      %dma_start3A_66 = tpu.memref_squeeze %dma_start3A_65 : memref<1x128x128xf32, #tpu.memory_space<hbm>> -> memref<128x128xf32, #tpu.memory_space<hbm>>
      %dma_start3A_67 = arith.constant 0 : i32
      %dma_start3A_68 = tpu.memref_slice %arg3[%arg0, %add3A_58, %dma_start3A_67] : memref<2x10240x128xf32, #tpu.memory_space<hbm>> -> memref<1x128x128xf32, #tpu.memory_space<hbm>>
      %dma_start3A_69 = tpu.memref_squeeze %dma_start3A_68 : memref<1x128x128xf32, #tpu.memory_space<hbm>> -> memref<128x128xf32, #tpu.memory_space<hbm>>
      tpu.enqueue_dma source(%arg6 : memref<128x128xf32, #tpu.memory_space<vmem>>) target(%dma_start3A_69 : memref<128x128xf32, #tpu.memory_space<hbm>>) target_semaphore(%run_scoped3A_64 : memref<!tpu.dma_semaphore, #tpu.memory_space<semaphore_mem>>)
      %dma_wait3A = arith.constant 0 : i32
      %dma_wait3A_70 = tpu.memref_slice %arg3[%arg0, %add3A_58, %dma_wait3A] : memref<2x10240x128xf32, #tpu.memory_space<hbm>> -> memref<1x128x128xf32, #tpu.memory_space<hbm>>
      %dma_wait3A_71 = tpu.memref_squeeze %dma_wait3A_70 : memref<1x128x128xf32, #tpu.memory_space<hbm>> -> memref<128x128xf32, #tpu.memory_space<hbm>>
      %dma_wait3A_72 = arith.constant 0 : i32
      %dma_wait3A_73 = tpu.memref_slice %arg3[%arg0, %add3A_58, %dma_wait3A_72] : memref<2x10240x128xf32, #tpu.memory_space<hbm>> -> memref<1x128x128xf32, #tpu.memory_space<hbm>>
      %dma_wait3A_74 = tpu.memref_squeeze %dma_wait3A_73 : memref<1x128x128xf32, #tpu.memory_space<hbm>> -> memref<128x128xf32, #tpu.memory_space<hbm>>
      tpu.wait_dma2 semaphore(%run_scoped3A_64 : memref<!tpu.dma_semaphore, #tpu.memory_space<semaphore_mem>>) src(%arg6 : memref<128x128xf32, #tpu.memory_space<vmem>>) dst(%dma_wait3A_74 : memref<128x128xf32, #tpu.memory_space<hbm>>)
      tpu.yield
    }) : () -> ()
    %run_scoped3A_59 = arith.constant 4 : i32
    "tpu.region"() ({
      %run_scoped3A_64 = tpu.sem_alloc : memref<!tpu.dma_semaphore, #tpu.memory_space<semaphore_mem>>
      %dma_start3A = arith.constant 0 : i32
      %dma_start3A_65 = tpu.memref_slice %arg5[%run_scoped3A_59, %dma_start3A] : memref<5x128xi32, #tpu.memory_space<vmem>> -> memref<1x128xi32, #tpu.memory_space<vmem>>
      %dma_start3A_66 = tpu.memref_squeeze %dma_start3A_65 : memref<1x128xi32, #tpu.memory_space<vmem>> -> memref<128xi32, #tpu.memory_space<vmem>>
      %dma_start3A_67 = arith.constant 0 : i32
      %dma_start3A_68 = arith.constant 0 : i32
      %dma_start3A_69 = tpu.memref_slice %arg7[%dma_start3A_67, %dma_start3A_68] : memref<10240x128xf32, #tpu.memory_space<vmem_shared>> -> memref<10240x128xf32, #tpu.memory_space<vmem_shared>>
      tpu.enqueue_indirect_dma source(%dma_start3A_69 : memref<10240x128xf32, #tpu.memory_space<vmem_shared>>) target(%arg6 : memref<128x128xf32, #tpu.memory_space<vmem>>) offsets(%dma_start3A_66 : memref<128xi32, #tpu.memory_space<vmem>>) semaphore(%run_scoped3A_64 : memref<!tpu.dma_semaphore, #tpu.memory_space<semaphore_mem>>)
      %dma_wait3A = arith.constant 0 : i32
      %dma_wait3A_70 = tpu.memref_slice %arg5[%run_scoped3A_59, %dma_wait3A] : memref<5x128xi32, #tpu.memory_space<vmem>> -> memref<1x128xi32, #tpu.memory_space<vmem>>
      %dma_wait3A_71 = tpu.memref_squeeze %dma_wait3A_70 : memref<1x128xi32, #tpu.memory_space<vmem>> -> memref<128xi32, #tpu.memory_space<vmem>>
      %dma_wait3A_72 = arith.constant 0 : i32
      %dma_wait3A_73 = arith.constant 0 : i32
      %dma_wait3A_74 = tpu.memref_slice %arg7[%dma_wait3A_72, %dma_wait3A_73] : memref<10240x128xf32, #tpu.memory_space<vmem_shared>> -> memref<10240x128xf32, #tpu.memory_space<vmem_shared>>
      tpu.wait_indirect_dma semaphore(%run_scoped3A_64 : memref<!tpu.dma_semaphore, #tpu.memory_space<semaphore_mem>>) src(%dma_wait3A_74 : memref<10240x128xf32, #tpu.memory_space<vmem_shared>>) dst(%arg6 : memref<128x128xf32, #tpu.memory_space<vmem>>)
      tpu.yield
    }) : () -> ()
    %mul3A_60 = arith.constant 640 : i32
    %mul3A_61 = arith.muli %arg1, %mul3A_60 : i32
    %add3A_62 = arith.constant 512 : i32
    %add3A_63 = arith.addi %mul3A_61, %add3A_62 : i32
    "tpu.region"() ({
      %run_scoped3A_64 = tpu.sem_alloc : memref<!tpu.dma_semaphore, #tpu.memory_space<semaphore_mem>>
      %dma_start3A = arith.constant 0 : i32
      %dma_start3A_65 = tpu.memref_slice %arg3[%arg0, %add3A_63, %dma_start3A] : memref<2x10240x128xf32, #tpu.memory_space<hbm>> -> memref<1x128x128xf32, #tpu.memory_space<hbm>>
      %dma_start3A_66 = tpu.memref_squeeze %dma_start3A_65 : memref<1x128x128xf32, #tpu.memory_space<hbm>> -> memref<128x128xf32, #tpu.memory_space<hbm>>
      %dma_start3A_67 = arith.constant 0 : i32
      %dma_start3A_68 = tpu.memref_slice %arg3[%arg0, %add3A_63, %dma_start3A_67] : memref<2x10240x128xf32, #tpu.memory_space<hbm>> -> memref<1x128x128xf32, #tpu.memory_space<hbm>>
      %dma_start3A_69 = tpu.memref_squeeze %dma_start3A_68 : memref<1x128x128xf32, #tpu.memory_space<hbm>> -> memref<128x128xf32, #tpu.memory_space<hbm>>
      tpu.enqueue_dma source(%arg6 : memref<128x128xf32, #tpu.memory_space<vmem>>) target(%dma_start3A_69 : memref<128x128xf32, #tpu.memory_space<hbm>>) target_semaphore(%run_scoped3A_64 : memref<!tpu.dma_semaphore, #tpu.memory_space<semaphore_mem>>)
      %dma_wait3A = arith.constant 0 : i32
      %dma_wait3A_70 = tpu.memref_slice %arg3[%arg0, %add3A_63, %dma_wait3A] : memref<2x10240x128xf32, #tpu.memory_space<hbm>> -> memref<1x128x128xf32, #tpu.memory_space<hbm>>
      %dma_wait3A_71 = tpu.memref_squeeze %dma_wait3A_70 : memref<1x128x128xf32, #tpu.memory_space<hbm>> -> memref<128x128xf32, #tpu.memory_space<hbm>>
      %dma_wait3A_72 = arith.constant 0 : i32
      %dma_wait3A_73 = tpu.memref_slice %arg3[%arg0, %add3A_63, %dma_wait3A_72] : memref<2x10240x128xf32, #tpu.memory_space<hbm>> -> memref<1x128x128xf32, #tpu.memory_space<hbm>>
      %dma_wait3A_74 = tpu.memref_squeeze %dma_wait3A_73 : memref<1x128x128xf32, #tpu.memory_space<hbm>> -> memref<128x128xf32, #tpu.memory_space<hbm>>
      tpu.wait_dma2 semaphore(%run_scoped3A_64 : memref<!tpu.dma_semaphore, #tpu.memory_space<semaphore_mem>>) src(%arg6 : memref<128x128xf32, #tpu.memory_space<vmem>>) dst(%dma_wait3A_74 : memref<128x128xf32, #tpu.memory_space<hbm>>)
      tpu.yield
    }) : () -> ()
    return
  }
}

#map = affine_map<(d0, d1) -> (0, 0)>
#map1 = affine_map<(d0, d1) -> (0, 0, 0)>
module attributes {stable_mosaic.version = 14 : i64} {
  func.func @_agg_body(%arg0: i32, %arg1: i32, %arg2: memref<10240x128xf32, #tpu.memory_space<hbm>>, %arg3: memref<32x158x64xi32, #tpu.memory_space<hbm>>, %arg4: memref<32x79x128xi32, #tpu.memory_space<hbm>>, %arg5: memref<2x10240x128xf32, #tpu.memory_space<hbm>>, %arg6: memref<158x64xi32, #tpu.memory_space<vmem>>, %arg7: memref<79x128xi32, #tpu.memory_space<vmem>>, %arg8: memref<5x128xi32, #tpu.memory_space<vmem>>, %arg9: memref<128x128xf32, #tpu.memory_space<vmem>>, %arg10: memref<!tpu.dma_semaphore, #tpu.memory_space<semaphore_mem>>, %arg11: memref<!tpu.dma_semaphore, #tpu.memory_space<semaphore_mem>>, %arg12: memref<10240x128xf32, #tpu.memory_space<vmem_shared>>) attributes {dimension_semantics = [#tpu.dimension_semantics<core_parallel>, #tpu.dimension_semantics<subcore_parallel>], iteration_bounds = array<i64: 2, 16>, scalar_prefetch = 0 : i64, scratch_operands = 7 : i64, tpu.core_type = #tpu.core_type<sc_vector_subcore>, window_params = [{transform_indices = #map}, {transform_indices = #map1}, {transform_indices = #map1}, {transform_indices = #map1}]} {
    %mul3A = arith.constant 16 : i32
    %mul3A_0 = arith.muli %arg0, %mul3A : i32
    %add3A = arith.addi %mul3A_0, %arg1 : i32
    %scan3A = arith.constant 0 : i32
    %scan3A_1 = arith.constant 0 : i32
    %scan3A_2 = arith.constant 128 : i32
    %scan3A_3 = arith.addi %scan3A_1, %scan3A_2 : i32
    %scan3A_4 = arith.constant 1 : i32
    %scan3A_5 = scf.for %scan3A_53 = %scan3A_1 to %scan3A_3 step %scan3A_4 iter_args(%scan3A_54 = %scan3A) -> (i32)  : i32 {
      %broadcast_in_dim3A = arith.constant 0.000000e+00 : f32
      %broadcast_in_dim3A_55 = vector.broadcast %broadcast_in_dim3A : f32 to vector<16xf32>
      %swap3A = arith.index_cast %scan3A_53 : i32 to index
      %swap3A_56 = arith.constant 0 : index
      %swap3A_57 = tpu.vector_load %arg9[%swap3A, %swap3A_56] {strides = array<i32>} : memref<128x128xf32, #tpu.memory_space<vmem>>, vector<1x16xf32>,
      %swap3A_58 = vector.shape_cast %swap3A_57 : vector<1x16xf32> to vector<16xf32>
      %swap3A_59 = vector.shape_cast %broadcast_in_dim3A_55 : vector<16xf32> to vector<1x16xf32>
      tpu.vector_store %arg9[%swap3A, %swap3A_56], %swap3A_59 {strides = array<i32>} : memref<128x128xf32, #tpu.memory_space<vmem>>, vector<1x16xf32>,
      %broadcast_in_dim3A_60 = arith.constant 0.000000e+00 : f32
      %broadcast_in_dim3A_61 = vector.broadcast %broadcast_in_dim3A_60 : f32 to vector<16xf32>
      %swap3A_62 = arith.index_cast %scan3A_53 : i32 to index
      %swap3A_63 = arith.constant 16 : index
      %swap3A_64 = tpu.vector_load %arg9[%swap3A_62, %swap3A_63] {strides = array<i32>} : memref<128x128xf32, #tpu.memory_space<vmem>>, vector<1x16xf32>,
      %swap3A_65 = vector.shape_cast %swap3A_64 : vector<1x16xf32> to vector<16xf32>
      %swap3A_66 = vector.shape_cast %broadcast_in_dim3A_61 : vector<16xf32> to vector<1x16xf32>
      tpu.vector_store %arg9[%swap3A_62, %swap3A_63], %swap3A_66 {strides = array<i32>} : memref<128x128xf32, #tpu.memory_space<vmem>>, vector<1x16xf32>,
      %broadcast_in_dim3A_67 = arith.constant 0.000000e+00 : f32
      %broadcast_in_dim3A_68 = vector.broadcast %broadcast_in_dim3A_67 : f32 to vector<16xf32>
      %swap3A_69 = arith.index_cast %scan3A_53 : i32 to index
      %swap3A_70 = arith.constant 32 : index
      %swap3A_71 = tpu.vector_load %arg9[%swap3A_69, %swap3A_70] {strides = array<i32>} : memref<128x128xf32, #tpu.memory_space<vmem>>, vector<1x16xf32>,
      %swap3A_72 = vector.shape_cast %swap3A_71 : vector<1x16xf32> to vector<16xf32>
      %swap3A_73 = vector.shape_cast %broadcast_in_dim3A_68 : vector<16xf32> to vector<1x16xf32>
      tpu.vector_store %arg9[%swap3A_69, %swap3A_70], %swap3A_73 {strides = array<i32>} : memref<128x128xf32, #tpu.memory_space<vmem>>, vector<1x16xf32>,
      %broadcast_in_dim3A_74 = arith.constant 0.000000e+00 : f32
      %broadcast_in_dim3A_75 = vector.broadcast %broadcast_in_dim3A_74 : f32 to vector<16xf32>
      %swap3A_76 = arith.index_cast %scan3A_53 : i32 to index
      %swap3A_77 = arith.constant 48 : index
      %swap3A_78 = tpu.vector_load %arg9[%swap3A_76, %swap3A_77] {strides = array<i32>} : memref<128x128xf32, #tpu.memory_space<vmem>>, vector<1x16xf32>,
      %swap3A_79 = vector.shape_cast %swap3A_78 : vector<1x16xf32> to vector<16xf32>
      %swap3A_80 = vector.shape_cast %broadcast_in_dim3A_75 : vector<16xf32> to vector<1x16xf32>
      tpu.vector_store %arg9[%swap3A_76, %swap3A_77], %swap3A_80 {strides = array<i32>} : memref<128x128xf32, #tpu.memory_space<vmem>>, vector<1x16xf32>,
      %broadcast_in_dim3A_81 = arith.constant 0.000000e+00 : f32
      %broadcast_in_dim3A_82 = vector.broadcast %broadcast_in_dim3A_81 : f32 to vector<16xf32>
      %swap3A_83 = arith.index_cast %scan3A_53 : i32 to index
      %swap3A_84 = arith.constant 64 : index
      %swap3A_85 = tpu.vector_load %arg9[%swap3A_83, %swap3A_84] {strides = array<i32>} : memref<128x128xf32, #tpu.memory_space<vmem>>, vector<1x16xf32>,
      %swap3A_86 = vector.shape_cast %swap3A_85 : vector<1x16xf32> to vector<16xf32>
      %swap3A_87 = vector.shape_cast %broadcast_in_dim3A_82 : vector<16xf32> to vector<1x16xf32>
      tpu.vector_store %arg9[%swap3A_83, %swap3A_84], %swap3A_87 {strides = array<i32>} : memref<128x128xf32, #tpu.memory_space<vmem>>, vector<1x16xf32>,
      %broadcast_in_dim3A_88 = arith.constant 0.000000e+00 : f32
      %broadcast_in_dim3A_89 = vector.broadcast %broadcast_in_dim3A_88 : f32 to vector<16xf32>
      %swap3A_90 = arith.index_cast %scan3A_53 : i32 to index
      %swap3A_91 = arith.constant 80 : index
      %swap3A_92 = tpu.vector_load %arg9[%swap3A_90, %swap3A_91] {strides = array<i32>} : memref<128x128xf32, #tpu.memory_space<vmem>>, vector<1x16xf32>,
      %swap3A_93 = vector.shape_cast %swap3A_92 : vector<1x16xf32> to vector<16xf32>
      %swap3A_94 = vector.shape_cast %broadcast_in_dim3A_89 : vector<16xf32> to vector<1x16xf32>
      tpu.vector_store %arg9[%swap3A_90, %swap3A_91], %swap3A_94 {strides = array<i32>} : memref<128x128xf32, #tpu.memory_space<vmem>>, vector<1x16xf32>,
      %broadcast_in_dim3A_95 = arith.constant 0.000000e+00 : f32
      %broadcast_in_dim3A_96 = vector.broadcast %broadcast_in_dim3A_95 : f32 to vector<16xf32>
      %swap3A_97 = arith.index_cast %scan3A_53 : i32 to index
      %swap3A_98 = arith.constant 96 : index
      %swap3A_99 = tpu.vector_load %arg9[%swap3A_97, %swap3A_98] {strides = array<i32>} : memref<128x128xf32, #tpu.memory_space<vmem>>, vector<1x16xf32>,
      %swap3A_100 = vector.shape_cast %swap3A_99 : vector<1x16xf32> to vector<16xf32>
      %swap3A_101 = vector.shape_cast %broadcast_in_dim3A_96 : vector<16xf32> to vector<1x16xf32>
      tpu.vector_store %arg9[%swap3A_97, %swap3A_98], %swap3A_101 {strides = array<i32>} : memref<128x128xf32, #tpu.memory_space<vmem>>, vector<1x16xf32>,
      %broadcast_in_dim3A_102 = arith.constant 0.000000e+00 : f32
      %broadcast_in_dim3A_103 = vector.broadcast %broadcast_in_dim3A_102 : f32 to vector<16xf32>
      %swap3A_104 = arith.index_cast %scan3A_53 : i32 to index
      %swap3A_105 = arith.constant 112 : index
      %swap3A_106 = tpu.vector_load %arg9[%swap3A_104, %swap3A_105] {strides = array<i32>} : memref<128x128xf32, #tpu.memory_space<vmem>>, vector<1x16xf32>,
      %swap3A_107 = vector.shape_cast %swap3A_106 : vector<1x16xf32> to vector<16xf32>
      %swap3A_108 = vector.shape_cast %broadcast_in_dim3A_103 : vector<16xf32> to vector<1x16xf32>
      tpu.vector_store %arg9[%swap3A_104, %swap3A_105], %swap3A_108 {strides = array<i32>} : memref<128x128xf32, #tpu.memory_space<vmem>>, vector<1x16xf32>,
      %scan3A_109 = arith.constant 0 : i32
      scf.yield %scan3A_109 : i32
    }
    %scan3A_6 = arith.constant 128 : i32
    %mul3A_7 = arith.constant 640 : i32
    %mul3A_8 = arith.muli %arg1, %mul3A_7 : i32
    %scan3A_9 = arith.constant 0 : i32
    %scan3A_10 = arith.constant 0 : i32
    %scan3A_11 = arith.constant 40 : i32
    %scan3A_12 = arith.addi %scan3A_10, %scan3A_11 : i32
    %scan3A_13 = arith.constant 1 : i32
    %scan3A_14 = scf.for %scan3A_53 = %scan3A_10 to %scan3A_12 step %scan3A_13 iter_args(%scan3A_54 = %scan3A_9) -> (i32)  : i32 {
      %jit3A = arith.constant 8 : i32
      %div3A = arith.divsi %scan3A_53, %jit3A : i32
      %sign3A = arith.constant 0 : i32
      %sign3A_55 = arith.cmpi sgt, %scan3A_53, %sign3A : i32
      %sign3A_56 = arith.extui %sign3A_55 : i1 to i32
      %sign3A_57 = arith.constant 0 : i32
      %sign3A_58 = arith.cmpi slt, %scan3A_53, %sign3A_57 : i32
      %sign3A_59 = arith.extui %sign3A_58 : i1 to i32
      %sign3A_60 = arith.subi %sign3A_56, %sign3A_59 : i32
      %sign3A_61 = arith.constant 0 : i32
      %sign3A_62 = arith.cmpi sgt, %jit3A, %sign3A_61 : i32
      %sign3A_63 = arith.extui %sign3A_62 : i1 to i32
      %sign3A_64 = arith.constant 0 : i32
      %sign3A_65 = arith.cmpi slt, %jit3A, %sign3A_64 : i32
      %sign3A_66 = arith.extui %sign3A_65 : i1 to i32
      %sign3A_67 = arith.subi %sign3A_63, %sign3A_66 : i32
      %ne3A = arith.cmpi ne, %sign3A_60, %sign3A_67 : i32
      %rem3A = arith.remsi %scan3A_53, %jit3A : i32
      %ne3A_68 = arith.constant 0 : i32
      %ne3A_69 = arith.cmpi ne, %rem3A, %ne3A_68 : i32
      %and3A = arith.andi %ne3A, %ne3A_69 : i1
      %sub3A = arith.constant 1 : i32
      %sub3A_70 = arith.subi %div3A, %sub3A : i32
      %select_n3A = arith.select %and3A, %sub3A_70, %div3A : i32
      %jit3A_71 = arith.constant 8 : i32
      %eq3A = arith.constant 0 : i32
      %eq3A_72 = arith.cmpi eq, %jit3A_71, %eq3A : i32
      %jit3A_73 = arith.constant 1 : i32
      %select_n3A_74 = arith.select %eq3A_72, %jit3A_73, %jit3A_71 : i32
      %rem3A_75 = arith.remsi %scan3A_53, %select_n3A_74 : i32
      %ne3A_76 = arith.constant 0 : i32
      %ne3A_77 = arith.cmpi ne, %rem3A_75, %ne3A_76 : i32
      %lt3A = arith.constant 0 : i32
      %lt3A_78 = arith.cmpi slt, %rem3A_75, %lt3A : i32
      %lt3A_79 = arith.constant 0 : i32
      %lt3A_80 = arith.cmpi slt, %select_n3A_74, %lt3A_79 : i32
      %ne3A_81 = arith.xori %lt3A_78, %lt3A_80 : i1
      %and3A_82 = arith.andi %ne3A_81, %ne3A_77 : i1
      %add3A_83 = arith.addi %rem3A_75, %select_n3A_74 : i32
      %select_n3A_84 = arith.select %and3A_82, %add3A_83, %rem3A_75 : i32
      %mul3A_85 = arith.constant 16 : i32
      %mul3A_86 = arith.muli %select_n3A_84, %mul3A_85 : i32
      %mul3A_87 = arith.constant 16 : i32
      %mul3A_88 = arith.muli %scan3A_53, %mul3A_87 : i32
      %add3A_89 = arith.addi %mul3A_8, %mul3A_88 : i32
      %iota3A = tpu.iota {dimensions = array<i32: 0>} : vector<16xi32>
      %add3A_90 = vector.broadcast %add3A_89 : i32 to vector<16xi32>
      %add3A_91 = arith.addi %add3A_90, %iota3A : vector<16xi32>
      %swap3A = arith.index_cast %select_n3A : i32 to index
      %swap3A_92 = arith.index_cast %mul3A_86 : i32 to index
      %swap3A_93 = tpu.vector_load %arg8[%swap3A, %swap3A_92] {strides = array<i32>} : memref<5x128xi32, #tpu.memory_space<vmem>>, vector<1x16xi32>,
      %swap3A_94 = vector.shape_cast %swap3A_93 : vector<1x16xi32> to vector<16xi32>
      %swap3A_95 = vector.shape_cast %add3A_91 : vector<16xi32> to vector<1x16xi32>
      tpu.vector_store %arg8[%swap3A, %swap3A_92], %swap3A_95 {strides = array<i32>} : memref<5x128xi32, #tpu.memory_space<vmem>>, vector<1x16xi32>,
      %scan3A_96 = arith.constant 0 : i32
      scf.yield %scan3A_96 : i32
    }
    %scan3A_15 = arith.constant 40 : i32
    %run_scoped3A = arith.constant 0 : i32
    "tpu.region"() ({
      %run_scoped3A_53 = tpu.sem_alloc : memref<!tpu.dma_semaphore, #tpu.memory_space<semaphore_mem>>
      %dma_start3A = arith.constant 0 : i32
      %dma_start3A_54 = tpu.memref_slice %arg8[%run_scoped3A, %dma_start3A] : memref<5x128xi32, #tpu.memory_space<vmem>> -> memref<1x128xi32, #tpu.memory_space<vmem>>
      %dma_start3A_55 = tpu.memref_squeeze %dma_start3A_54 : memref<1x128xi32, #tpu.memory_space<vmem>> -> memref<128xi32, #tpu.memory_space<vmem>>
      %dma_start3A_56 = arith.constant 0 : i32
      %dma_start3A_57 = arith.constant 0 : i32
      %dma_start3A_58 = tpu.memref_slice %arg12[%dma_start3A_56, %dma_start3A_57] : memref<10240x128xf32, #tpu.memory_space<vmem_shared>> -> memref<10240x128xf32, #tpu.memory_space<vmem_shared>>
      tpu.enqueue_indirect_dma source(%arg9 : memref<128x128xf32, #tpu.memory_space<vmem>>) target(%dma_start3A_58 : memref<10240x128xf32, #tpu.memory_space<vmem_shared>>) offsets(%dma_start3A_55 : memref<128xi32, #tpu.memory_space<vmem>>) semaphore(%run_scoped3A_53 : memref<!tpu.dma_semaphore, #tpu.memory_space<semaphore_mem>>)
      %dma_wait3A = arith.constant 0 : i32
      %dma_wait3A_59 = tpu.memref_slice %arg8[%run_scoped3A, %dma_wait3A] : memref<5x128xi32, #tpu.memory_space<vmem>> -> memref<1x128xi32, #tpu.memory_space<vmem>>
      %dma_wait3A_60 = tpu.memref_squeeze %dma_wait3A_59 : memref<1x128xi32, #tpu.memory_space<vmem>> -> memref<128xi32, #tpu.memory_space<vmem>>
      %dma_wait3A_61 = arith.constant 0 : i32
      %dma_wait3A_62 = arith.constant 0 : i32
      %dma_wait3A_63 = tpu.memref_slice %arg12[%dma_wait3A_61, %dma_wait3A_62] : memref<10240x128xf32, #tpu.memory_space<vmem_shared>> -> memref<10240x128xf32, #tpu.memory_space<vmem_shared>>
      tpu.wait_indirect_dma semaphore(%run_scoped3A_53 : memref<!tpu.dma_semaphore, #tpu.memory_space<semaphore_mem>>) src(%arg9 : memref<128x128xf32, #tpu.memory_space<vmem>>) dst(%dma_wait3A_63 : memref<10240x128xf32, #tpu.memory_space<vmem_shared>>)
      tpu.yield
    }) : () -> ()
    %run_scoped3A_16 = arith.constant 1 : i32
    "tpu.region"() ({
      %run_scoped3A_53 = tpu.sem_alloc : memref<!tpu.dma_semaphore, #tpu.memory_space<semaphore_mem>>
      %dma_start3A = arith.constant 0 : i32
      %dma_start3A_54 = tpu.memref_slice %arg8[%run_scoped3A_16, %dma_start3A] : memref<5x128xi32, #tpu.memory_space<vmem>> -> memref<1x128xi32, #tpu.memory_space<vmem>>
      %dma_start3A_55 = tpu.memref_squeeze %dma_start3A_54 : memref<1x128xi32, #tpu.memory_space<vmem>> -> memref<128xi32, #tpu.memory_space<vmem>>
      %dma_start3A_56 = arith.constant 0 : i32
      %dma_start3A_57 = arith.constant 0 : i32
      %dma_start3A_58 = tpu.memref_slice %arg12[%dma_start3A_56, %dma_start3A_57] : memref<10240x128xf32, #tpu.memory_space<vmem_shared>> -> memref<10240x128xf32, #tpu.memory_space<vmem_shared>>
      tpu.enqueue_indirect_dma source(%arg9 : memref<128x128xf32, #tpu.memory_space<vmem>>) target(%dma_start3A_58 : memref<10240x128xf32, #tpu.memory_space<vmem_shared>>) offsets(%dma_start3A_55 : memref<128xi32, #tpu.memory_space<vmem>>) semaphore(%run_scoped3A_53 : memref<!tpu.dma_semaphore, #tpu.memory_space<semaphore_mem>>)
      %dma_wait3A = arith.constant 0 : i32
      %dma_wait3A_59 = tpu.memref_slice %arg8[%run_scoped3A_16, %dma_wait3A] : memref<5x128xi32, #tpu.memory_space<vmem>> -> memref<1x128xi32, #tpu.memory_space<vmem>>
      %dma_wait3A_60 = tpu.memref_squeeze %dma_wait3A_59 : memref<1x128xi32, #tpu.memory_space<vmem>> -> memref<128xi32, #tpu.memory_space<vmem>>
      %dma_wait3A_61 = arith.constant 0 : i32
      %dma_wait3A_62 = arith.constant 0 : i32
      %dma_wait3A_63 = tpu.memref_slice %arg12[%dma_wait3A_61, %dma_wait3A_62] : memref<10240x128xf32, #tpu.memory_space<vmem_shared>> -> memref<10240x128xf32, #tpu.memory_space<vmem_shared>>
      tpu.wait_indirect_dma semaphore(%run_scoped3A_53 : memref<!tpu.dma_semaphore, #tpu.memory_space<semaphore_mem>>) src(%arg9 : memref<128x128xf32, #tpu.memory_space<vmem>>) dst(%dma_wait3A_63 : memref<10240x128xf32, #tpu.memory_space<vmem_shared>>)
      tpu.yield
    }) : () -> ()
    %run_scoped3A_17 = arith.constant 2 : i32
    "tpu.region"() ({
      %run_scoped3A_53 = tpu.sem_alloc : memref<!tpu.dma_semaphore, #tpu.memory_space<semaphore_mem>>
      %dma_start3A = arith.constant 0 : i32
      %dma_start3A_54 = tpu.memref_slice %arg8[%run_scoped3A_17, %dma_start3A] : memref<5x128xi32, #tpu.memory_space<vmem>> -> memref<1x128xi32, #tpu.memory_space<vmem>>
      %dma_start3A_55 = tpu.memref_squeeze %dma_start3A_54 : memref<1x128xi32, #tpu.memory_space<vmem>> -> memref<128xi32, #tpu.memory_space<vmem>>
      %dma_start3A_56 = arith.constant 0 : i32
      %dma_start3A_57 = arith.constant 0 : i32
      %dma_start3A_58 = tpu.memref_slice %arg12[%dma_start3A_56, %dma_start3A_57] : memref<10240x128xf32, #tpu.memory_space<vmem_shared>> -> memref<10240x128xf32, #tpu.memory_space<vmem_shared>>
      tpu.enqueue_indirect_dma source(%arg9 : memref<128x128xf32, #tpu.memory_space<vmem>>) target(%dma_start3A_58 : memref<10240x128xf32, #tpu.memory_space<vmem_shared>>) offsets(%dma_start3A_55 : memref<128xi32, #tpu.memory_space<vmem>>) semaphore(%run_scoped3A_53 : memref<!tpu.dma_semaphore, #tpu.memory_space<semaphore_mem>>)
      %dma_wait3A = arith.constant 0 : i32
      %dma_wait3A_59 = tpu.memref_slice %arg8[%run_scoped3A_17, %dma_wait3A] : memref<5x128xi32, #tpu.memory_space<vmem>> -> memref<1x128xi32, #tpu.memory_space<vmem>>
      %dma_wait3A_60 = tpu.memref_squeeze %dma_wait3A_59 : memref<1x128xi32, #tpu.memory_space<vmem>> -> memref<128xi32, #tpu.memory_space<vmem>>
      %dma_wait3A_61 = arith.constant 0 : i32
      %dma_wait3A_62 = arith.constant 0 : i32
      %dma_wait3A_63 = tpu.memref_slice %arg12[%dma_wait3A_61, %dma_wait3A_62] : memref<10240x128xf32, #tpu.memory_space<vmem_shared>> -> memref<10240x128xf32, #tpu.memory_space<vmem_shared>>
      tpu.wait_indirect_dma semaphore(%run_scoped3A_53 : memref<!tpu.dma_semaphore, #tpu.memory_space<semaphore_mem>>) src(%arg9 : memref<128x128xf32, #tpu.memory_space<vmem>>) dst(%dma_wait3A_63 : memref<10240x128xf32, #tpu.memory_space<vmem_shared>>)
      tpu.yield
    }) : () -> ()
    %run_scoped3A_18 = arith.constant 3 : i32
    "tpu.region"() ({
      %run_scoped3A_53 = tpu.sem_alloc : memref<!tpu.dma_semaphore, #tpu.memory_space<semaphore_mem>>
      %dma_start3A = arith.constant 0 : i32
      %dma_start3A_54 = tpu.memref_slice %arg8[%run_scoped3A_18, %dma_start3A] : memref<5x128xi32, #tpu.memory_space<vmem>> -> memref<1x128xi32, #tpu.memory_space<vmem>>
      %dma_start3A_55 = tpu.memref_squeeze %dma_start3A_54 : memref<1x128xi32, #tpu.memory_space<vmem>> -> memref<128xi32, #tpu.memory_space<vmem>>
      %dma_start3A_56 = arith.constant 0 : i32
      %dma_start3A_57 = arith.constant 0 : i32
      %dma_start3A_58 = tpu.memref_slice %arg12[%dma_start3A_56, %dma_start3A_57] : memref<10240x128xf32, #tpu.memory_space<vmem_shared>> -> memref<10240x128xf32, #tpu.memory_space<vmem_shared>>
      tpu.enqueue_indirect_dma source(%arg9 : memref<128x128xf32, #tpu.memory_space<vmem>>) target(%dma_start3A_58 : memref<10240x128xf32, #tpu.memory_space<vmem_shared>>) offsets(%dma_start3A_55 : memref<128xi32, #tpu.memory_space<vmem>>) semaphore(%run_scoped3A_53 : memref<!tpu.dma_semaphore, #tpu.memory_space<semaphore_mem>>)
      %dma_wait3A = arith.constant 0 : i32
      %dma_wait3A_59 = tpu.memref_slice %arg8[%run_scoped3A_18, %dma_wait3A] : memref<5x128xi32, #tpu.memory_space<vmem>> -> memref<1x128xi32, #tpu.memory_space<vmem>>
      %dma_wait3A_60 = tpu.memref_squeeze %dma_wait3A_59 : memref<1x128xi32, #tpu.memory_space<vmem>> -> memref<128xi32, #tpu.memory_space<vmem>>
      %dma_wait3A_61 = arith.constant 0 : i32
      %dma_wait3A_62 = arith.constant 0 : i32
      %dma_wait3A_63 = tpu.memref_slice %arg12[%dma_wait3A_61, %dma_wait3A_62] : memref<10240x128xf32, #tpu.memory_space<vmem_shared>> -> memref<10240x128xf32, #tpu.memory_space<vmem_shared>>
      tpu.wait_indirect_dma semaphore(%run_scoped3A_53 : memref<!tpu.dma_semaphore, #tpu.memory_space<semaphore_mem>>) src(%arg9 : memref<128x128xf32, #tpu.memory_space<vmem>>) dst(%dma_wait3A_63 : memref<10240x128xf32, #tpu.memory_space<vmem_shared>>)
      tpu.yield
    }) : () -> ()
    %run_scoped3A_19 = arith.constant 4 : i32
    "tpu.region"() ({
      %run_scoped3A_53 = tpu.sem_alloc : memref<!tpu.dma_semaphore, #tpu.memory_space<semaphore_mem>>
      %dma_start3A = arith.constant 0 : i32
      %dma_start3A_54 = tpu.memref_slice %arg8[%run_scoped3A_19, %dma_start3A] : memref<5x128xi32, #tpu.memory_space<vmem>> -> memref<1x128xi32, #tpu.memory_space<vmem>>
      %dma_start3A_55 = tpu.memref_squeeze %dma_start3A_54 : memref<1x128xi32, #tpu.memory_space<vmem>> -> memref<128xi32, #tpu.memory_space<vmem>>
      %dma_start3A_56 = arith.constant 0 : i32
      %dma_start3A_57 = arith.constant 0 : i32
      %dma_start3A_58 = tpu.memref_slice %arg12[%dma_start3A_56, %dma_start3A_57] : memref<10240x128xf32, #tpu.memory_space<vmem_shared>> -> memref<10240x128xf32, #tpu.memory_space<vmem_shared>>
      tpu.enqueue_indirect_dma source(%arg9 : memref<128x128xf32, #tpu.memory_space<vmem>>) target(%dma_start3A_58 : memref<10240x128xf32, #tpu.memory_space<vmem_shared>>) offsets(%dma_start3A_55 : memref<128xi32, #tpu.memory_space<vmem>>) semaphore(%run_scoped3A_53 : memref<!tpu.dma_semaphore, #tpu.memory_space<semaphore_mem>>)
      %dma_wait3A = arith.constant 0 : i32
      %dma_wait3A_59 = tpu.memref_slice %arg8[%run_scoped3A_19, %dma_wait3A] : memref<5x128xi32, #tpu.memory_space<vmem>> -> memref<1x128xi32, #tpu.memory_space<vmem>>
      %dma_wait3A_60 = tpu.memref_squeeze %dma_wait3A_59 : memref<1x128xi32, #tpu.memory_space<vmem>> -> memref<128xi32, #tpu.memory_space<vmem>>
      %dma_wait3A_61 = arith.constant 0 : i32
      %dma_wait3A_62 = arith.constant 0 : i32
      %dma_wait3A_63 = tpu.memref_slice %arg12[%dma_wait3A_61, %dma_wait3A_62] : memref<10240x128xf32, #tpu.memory_space<vmem_shared>> -> memref<10240x128xf32, #tpu.memory_space<vmem_shared>>
      tpu.wait_indirect_dma semaphore(%run_scoped3A_53 : memref<!tpu.dma_semaphore, #tpu.memory_space<semaphore_mem>>) src(%arg9 : memref<128x128xf32, #tpu.memory_space<vmem>>) dst(%dma_wait3A_63 : memref<10240x128xf32, #tpu.memory_space<vmem_shared>>)
      tpu.yield
    }) : () -> ()
    %barrier3A = arith.constant 0 : index
    tpu.barrier barrier_id(%barrier3A)
    "tpu.region"() ({
      %run_scoped3A_53 = tpu.sem_alloc : memref<!tpu.dma_semaphore, #tpu.memory_space<semaphore_mem>>
      %dma_start3A = arith.constant 0 : i32
      %dma_start3A_54 = arith.constant 0 : i32
      %dma_start3A_55 = tpu.memref_slice %arg3[%add3A, %dma_start3A, %dma_start3A_54] : memref<32x158x64xi32, #tpu.memory_space<hbm>> -> memref<1x158x64xi32, #tpu.memory_space<hbm>>
      %dma_start3A_56 = tpu.memref_squeeze %dma_start3A_55 : memref<1x158x64xi32, #tpu.memory_space<hbm>> -> memref<158x64xi32, #tpu.memory_space<hbm>>
      %dma_start3A_57 = arith.constant 0 : i32
      %dma_start3A_58 = arith.constant 0 : i32
      %dma_start3A_59 = tpu.memref_slice %arg3[%add3A, %dma_start3A_57, %dma_start3A_58] : memref<32x158x64xi32, #tpu.memory_space<hbm>> -> memref<1x158x64xi32, #tpu.memory_space<hbm>>
      %dma_start3A_60 = tpu.memref_squeeze %dma_start3A_59 : memref<1x158x64xi32, #tpu.memory_space<hbm>> -> memref<158x64xi32, #tpu.memory_space<hbm>>
      tpu.enqueue_dma source(%dma_start3A_60 : memref<158x64xi32, #tpu.memory_space<hbm>>) target(%arg6 : memref<158x64xi32, #tpu.memory_space<vmem>>) target_semaphore(%run_scoped3A_53 : memref<!tpu.dma_semaphore, #tpu.memory_space<semaphore_mem>>)
      %dma_wait3A = arith.constant 0 : i32
      %dma_wait3A_61 = arith.constant 0 : i32
      %dma_wait3A_62 = tpu.memref_slice %arg3[%add3A, %dma_wait3A, %dma_wait3A_61] : memref<32x158x64xi32, #tpu.memory_space<hbm>> -> memref<1x158x64xi32, #tpu.memory_space<hbm>>
      %dma_wait3A_63 = tpu.memref_squeeze %dma_wait3A_62 : memref<1x158x64xi32, #tpu.memory_space<hbm>> -> memref<158x64xi32, #tpu.memory_space<hbm>>
      %dma_wait3A_64 = arith.constant 0 : i32
      %dma_wait3A_65 = arith.constant 0 : i32
      %dma_wait3A_66 = tpu.memref_slice %arg3[%add3A, %dma_wait3A_64, %dma_wait3A_65] : memref<32x158x64xi32, #tpu.memory_space<hbm>> -> memref<1x158x64xi32, #tpu.memory_space<hbm>>
      %dma_wait3A_67 = tpu.memref_squeeze %dma_wait3A_66 : memref<1x158x64xi32, #tpu.memory_space<hbm>> -> memref<158x64xi32, #tpu.memory_space<hbm>>
      tpu.wait_dma2 semaphore(%run_scoped3A_53 : memref<!tpu.dma_semaphore, #tpu.memory_space<semaphore_mem>>) src(%dma_wait3A_67 : memref<158x64xi32, #tpu.memory_space<hbm>>) dst(%arg6 : memref<158x64xi32, #tpu.memory_space<vmem>>)
      tpu.yield
    }) : () -> ()
    "tpu.region"() ({
      %run_scoped3A_53 = tpu.sem_alloc : memref<!tpu.dma_semaphore, #tpu.memory_space<semaphore_mem>>
      %dma_start3A = arith.constant 0 : i32
      %dma_start3A_54 = arith.constant 0 : i32
      %dma_start3A_55 = tpu.memref_slice %arg4[%add3A, %dma_start3A, %dma_start3A_54] : memref<32x79x128xi32, #tpu.memory_space<hbm>> -> memref<1x79x128xi32, #tpu.memory_space<hbm>>
      %dma_start3A_56 = tpu.memref_squeeze %dma_start3A_55 : memref<1x79x128xi32, #tpu.memory_space<hbm>> -> memref<79x128xi32, #tpu.memory_space<hbm>>
      %dma_start3A_57 = arith.constant 0 : i32
      %dma_start3A_58 = arith.constant 0 : i32
      %dma_start3A_59 = tpu.memref_slice %arg4[%add3A, %dma_start3A_57, %dma_start3A_58] : memref<32x79x128xi32, #tpu.memory_space<hbm>> -> memref<1x79x128xi32, #tpu.memory_space<hbm>>
      %dma_start3A_60 = tpu.memref_squeeze %dma_start3A_59 : memref<1x79x128xi32, #tpu.memory_space<hbm>> -> memref<79x128xi32, #tpu.memory_space<hbm>>
      tpu.enqueue_dma source(%dma_start3A_60 : memref<79x128xi32, #tpu.memory_space<hbm>>) target(%arg7 : memref<79x128xi32, #tpu.memory_space<vmem>>) target_semaphore(%run_scoped3A_53 : memref<!tpu.dma_semaphore, #tpu.memory_space<semaphore_mem>>)
      %dma_wait3A = arith.constant 0 : i32
      %dma_wait3A_61 = arith.constant 0 : i32
      %dma_wait3A_62 = tpu.memref_slice %arg4[%add3A, %dma_wait3A, %dma_wait3A_61] : memref<32x79x128xi32, #tpu.memory_space<hbm>> -> memref<1x79x128xi32, #tpu.memory_space<hbm>>
      %dma_wait3A_63 = tpu.memref_squeeze %dma_wait3A_62 : memref<1x79x128xi32, #tpu.memory_space<hbm>> -> memref<79x128xi32, #tpu.memory_space<hbm>>
      %dma_wait3A_64 = arith.constant 0 : i32
      %dma_wait3A_65 = arith.constant 0 : i32
      %dma_wait3A_66 = tpu.memref_slice %arg4[%add3A, %dma_wait3A_64, %dma_wait3A_65] : memref<32x79x128xi32, #tpu.memory_space<hbm>> -> memref<1x79x128xi32, #tpu.memory_space<hbm>>
      %dma_wait3A_67 = tpu.memref_squeeze %dma_wait3A_66 : memref<1x79x128xi32, #tpu.memory_space<hbm>> -> memref<79x128xi32, #tpu.memory_space<hbm>>
      tpu.wait_dma2 semaphore(%run_scoped3A_53 : memref<!tpu.dma_semaphore, #tpu.memory_space<semaphore_mem>>) src(%dma_wait3A_67 : memref<79x128xi32, #tpu.memory_space<hbm>>) dst(%arg7 : memref<79x128xi32, #tpu.memory_space<vmem>>)
      tpu.yield
    }) : () -> ()
    %scan3A_20 = arith.constant 0 : i32
    %scan3A_21 = arith.constant 0 : i32
    %scan3A_22 = arith.constant 79 : i32
    %scan3A_23 = arith.addi %scan3A_21, %scan3A_22 : i32
    %scan3A_24 = arith.constant 1 : i32
    %scan3A_25 = scf.for %scan3A_53 = %scan3A_21 to %scan3A_23 step %scan3A_24 iter_args(%scan3A_54 = %scan3A_20) -> (i32)  : i32 {
      %mul3A_55 = arith.constant 2 : i32
      %mul3A_56 = arith.muli %mul3A_55, %scan3A_53 : i32
      %dma_start3A = arith.constant 0 : i32
      %dma_start3A_57 = arith.constant 0 : i32
      %dma_start3A_58 = tpu.memref_slice %arg9[%dma_start3A, %dma_start3A_57] : memref<128x128xf32, #tpu.memory_space<vmem>> -> memref<64x128xf32, #tpu.memory_space<vmem>>
      %dma_start3A_59 = arith.constant 0 : i32
      %dma_start3A_60 = tpu.memref_slice %arg6[%mul3A_56, %dma_start3A_59] : memref<158x64xi32, #tpu.memory_space<vmem>> -> memref<1x64xi32, #tpu.memory_space<vmem>>
      %dma_start3A_61 = tpu.memref_squeeze %dma_start3A_60 : memref<1x64xi32, #tpu.memory_space<vmem>> -> memref<64xi32, #tpu.memory_space<vmem>>
      %dma_start3A_62 = arith.constant 0 : i32
      %dma_start3A_63 = arith.constant 0 : i32
      %dma_start3A_64 = tpu.memref_slice %arg2[%dma_start3A_62, %dma_start3A_63] : memref<10240x128xf32, #tpu.memory_space<hbm>> -> memref<10240x128xf32, #tpu.memory_space<hbm>>
      tpu.enqueue_indirect_dma source(%dma_start3A_64 : memref<10240x128xf32, #tpu.memory_space<hbm>>) target(%dma_start3A_58 : memref<64x128xf32, #tpu.memory_space<vmem>>) offsets(%dma_start3A_61 : memref<64xi32, #tpu.memory_space<vmem>>) semaphore(%arg10 : memref<!tpu.dma_semaphore, #tpu.memory_space<semaphore_mem>>)
      %mul3A_65 = arith.constant 2 : i32
      %mul3A_66 = arith.muli %mul3A_65, %scan3A_53 : i32
      %add3A_67 = arith.constant 1 : i32
      %add3A_68 = arith.addi %mul3A_66, %add3A_67 : i32
      %dma_start3A_69 = arith.constant 64 : i32
      %dma_start3A_70 = arith.constant 0 : i32
      %dma_start3A_71 = tpu.memref_slice %arg9[%dma_start3A_69, %dma_start3A_70] : memref<128x128xf32, #tpu.memory_space<vmem>> -> memref<64x128xf32, #tpu.memory_space<vmem>>
      %dma_start3A_72 = arith.constant 0 : i32
      %dma_start3A_73 = tpu.memref_slice %arg6[%add3A_68, %dma_start3A_72] : memref<158x64xi32, #tpu.memory_space<vmem>> -> memref<1x64xi32, #tpu.memory_space<vmem>>
      %dma_start3A_74 = tpu.memref_squeeze %dma_start3A_73 : memref<1x64xi32, #tpu.memory_space<vmem>> -> memref<64xi32, #tpu.memory_space<vmem>>
      %dma_start3A_75 = arith.constant 0 : i32
      %dma_start3A_76 = arith.constant 0 : i32
      %dma_start3A_77 = tpu.memref_slice %arg2[%dma_start3A_75, %dma_start3A_76] : memref<10240x128xf32, #tpu.memory_space<hbm>> -> memref<10240x128xf32, #tpu.memory_space<hbm>>
      tpu.enqueue_indirect_dma source(%dma_start3A_77 : memref<10240x128xf32, #tpu.memory_space<hbm>>) target(%dma_start3A_71 : memref<64x128xf32, #tpu.memory_space<vmem>>) offsets(%dma_start3A_74 : memref<64xi32, #tpu.memory_space<vmem>>) semaphore(%arg11 : memref<!tpu.dma_semaphore, #tpu.memory_space<semaphore_mem>>)
      %dma_wait3A = arith.constant 0 : i32
      %dma_wait3A_78 = arith.constant 0 : i32
      %dma_wait3A_79 = tpu.memref_slice %arg9[%dma_wait3A, %dma_wait3A_78] : memref<128x128xf32, #tpu.memory_space<vmem>> -> memref<64x128xf32, #tpu.memory_space<vmem>>
      %dma_wait3A_80 = arith.constant 0 : i32
      %dma_wait3A_81 = tpu.memref_slice %arg6[%mul3A_56, %dma_wait3A_80] : memref<158x64xi32, #tpu.memory_space<vmem>> -> memref<1x64xi32, #tpu.memory_space<vmem>>
      %dma_wait3A_82 = tpu.memref_squeeze %dma_wait3A_81 : memref<1x64xi32, #tpu.memory_space<vmem>> -> memref<64xi32, #tpu.memory_space<vmem>>
      %dma_wait3A_83 = arith.constant 0 : i32
      %dma_wait3A_84 = arith.constant 0 : i32
      %dma_wait3A_85 = tpu.memref_slice %arg2[%dma_wait3A_83, %dma_wait3A_84] : memref<10240x128xf32, #tpu.memory_space<hbm>> -> memref<10240x128xf32, #tpu.memory_space<hbm>>
      tpu.wait_indirect_dma semaphore(%arg10 : memref<!tpu.dma_semaphore, #tpu.memory_space<semaphore_mem>>) src(%dma_wait3A_85 : memref<10240x128xf32, #tpu.memory_space<hbm>>) dst(%dma_wait3A_79 : memref<64x128xf32, #tpu.memory_space<vmem>>)
      %dma_wait3A_86 = arith.constant 64 : i32
      %dma_wait3A_87 = arith.constant 0 : i32
      %dma_wait3A_88 = tpu.memref_slice %arg9[%dma_wait3A_86, %dma_wait3A_87] : memref<128x128xf32, #tpu.memory_space<vmem>> -> memref<64x128xf32, #tpu.memory_space<vmem>>
      %dma_wait3A_89 = arith.constant 0 : i32
      %dma_wait3A_90 = tpu.memref_slice %arg6[%add3A_68, %dma_wait3A_89] : memref<158x64xi32, #tpu.memory_space<vmem>> -> memref<1x64xi32, #tpu.memory_space<vmem>>
      %dma_wait3A_91 = tpu.memref_squeeze %dma_wait3A_90 : memref<1x64xi32, #tpu.memory_space<vmem>> -> memref<64xi32, #tpu.memory_space<vmem>>
      %dma_wait3A_92 = arith.constant 0 : i32
      %dma_wait3A_93 = arith.constant 0 : i32
      %dma_wait3A_94 = tpu.memref_slice %arg2[%dma_wait3A_92, %dma_wait3A_93] : memref<10240x128xf32, #tpu.memory_space<hbm>> -> memref<10240x128xf32, #tpu.memory_space<hbm>>
      tpu.wait_indirect_dma semaphore(%arg11 : memref<!tpu.dma_semaphore, #tpu.memory_space<semaphore_mem>>) src(%dma_wait3A_94 : memref<10240x128xf32, #tpu.memory_space<hbm>>) dst(%dma_wait3A_88 : memref<64x128xf32, #tpu.memory_space<vmem>>)
      "tpu.region"() ({
        %run_scoped3A_96 = tpu.sem_alloc : memref<!tpu.dma_semaphore, #tpu.memory_space<semaphore_mem>>
        %dma_start3A_97 = arith.constant 0 : i32
        %dma_start3A_98 = tpu.memref_slice %arg7[%scan3A_53, %dma_start3A_97] : memref<79x128xi32, #tpu.memory_space<vmem>> -> memref<1x128xi32, #tpu.memory_space<vmem>>
        %dma_start3A_99 = tpu.memref_squeeze %dma_start3A_98 : memref<1x128xi32, #tpu.memory_space<vmem>> -> memref<128xi32, #tpu.memory_space<vmem>>
        %dma_start3A_100 = arith.constant 0 : i32
        %dma_start3A_101 = arith.constant 0 : i32
        %dma_start3A_102 = tpu.memref_slice %arg12[%dma_start3A_100, %dma_start3A_101] : memref<10240x128xf32, #tpu.memory_space<vmem_shared>> -> memref<10240x128xf32, #tpu.memory_space<vmem_shared>>
        tpu.enqueue_indirect_dma source(%arg9 : memref<128x128xf32, #tpu.memory_space<vmem>>) target(%dma_start3A_102 : memref<10240x128xf32, #tpu.memory_space<vmem_shared>>) offsets(%dma_start3A_99 : memref<128xi32, #tpu.memory_space<vmem>>) semaphore(%run_scoped3A_96 : memref<!tpu.dma_semaphore, #tpu.memory_space<semaphore_mem>>) {add = true}
        %dma_wait3A_103 = arith.constant 0 : i32
        %dma_wait3A_104 = tpu.memref_slice %arg7[%scan3A_53, %dma_wait3A_103] : memref<79x128xi32, #tpu.memory_space<vmem>> -> memref<1x128xi32, #tpu.memory_space<vmem>>
        %dma_wait3A_105 = tpu.memref_squeeze %dma_wait3A_104 : memref<1x128xi32, #tpu.memory_space<vmem>> -> memref<128xi32, #tpu.memory_space<vmem>>
        %dma_wait3A_106 = arith.constant 0 : i32
        %dma_wait3A_107 = arith.constant 0 : i32
        %dma_wait3A_108 = tpu.memref_slice %arg12[%dma_wait3A_106, %dma_wait3A_107] : memref<10240x128xf32, #tpu.memory_space<vmem_shared>> -> memref<10240x128xf32, #tpu.memory_space<vmem_shared>>
        tpu.wait_indirect_dma semaphore(%run_scoped3A_96 : memref<!tpu.dma_semaphore, #tpu.memory_space<semaphore_mem>>) src(%arg9 : memref<128x128xf32, #tpu.memory_space<vmem>>) dst(%dma_wait3A_108 : memref<10240x128xf32, #tpu.memory_space<vmem_shared>>)
        tpu.yield
      }) : () -> ()
      %scan3A_95 = arith.constant 0 : i32
      scf.yield %scan3A_95 : i32
    }
    %scan3A_26 = arith.constant 79 : i32
    %barrier3A_27 = arith.constant 0 : index
    tpu.barrier barrier_id(%barrier3A_27)
    %run_scoped3A_28 = arith.constant 0 : i32
    "tpu.region"() ({
      %run_scoped3A_53 = tpu.sem_alloc : memref<!tpu.dma_semaphore, #tpu.memory_space<semaphore_mem>>
      %dma_start3A = arith.constant 0 : i32
      %dma_start3A_54 = tpu.memref_slice %arg8[%run_scoped3A_28, %dma_start3A] : memref<5x128xi32, #tpu.memory_space<vmem>> -> memref<1x128xi32, #tpu.memory_space<vmem>>
      %dma_start3A_55 = tpu.memref_squeeze %dma_start3A_54 : memref<1x128xi32, #tpu.memory_space<vmem>> -> memref<128xi32, #tpu.memory_space<vmem>>
      %dma_start3A_56 = arith.constant 0 : i32
      %dma_start3A_57 = arith.constant 0 : i32
      %dma_start3A_58 = tpu.memref_slice %arg12[%dma_start3A_56, %dma_start3A_57] : memref<10240x128xf32, #tpu.memory_space<vmem_shared>> -> memref<10240x128xf32, #tpu.memory_space<vmem_shared>>
      tpu.enqueue_indirect_dma source(%dma_start3A_58 : memref<10240x128xf32, #tpu.memory_space<vmem_shared>>) target(%arg9 : memref<128x128xf32, #tpu.memory_space<vmem>>) offsets(%dma_start3A_55 : memref<128xi32, #tpu.memory_space<vmem>>) semaphore(%run_scoped3A_53 : memref<!tpu.dma_semaphore, #tpu.memory_space<semaphore_mem>>)
      %dma_wait3A = arith.constant 0 : i32
      %dma_wait3A_59 = tpu.memref_slice %arg8[%run_scoped3A_28, %dma_wait3A] : memref<5x128xi32, #tpu.memory_space<vmem>> -> memref<1x128xi32, #tpu.memory_space<vmem>>
      %dma_wait3A_60 = tpu.memref_squeeze %dma_wait3A_59 : memref<1x128xi32, #tpu.memory_space<vmem>> -> memref<128xi32, #tpu.memory_space<vmem>>
      %dma_wait3A_61 = arith.constant 0 : i32
      %dma_wait3A_62 = arith.constant 0 : i32
      %dma_wait3A_63 = tpu.memref_slice %arg12[%dma_wait3A_61, %dma_wait3A_62] : memref<10240x128xf32, #tpu.memory_space<vmem_shared>> -> memref<10240x128xf32, #tpu.memory_space<vmem_shared>>
      tpu.wait_indirect_dma semaphore(%run_scoped3A_53 : memref<!tpu.dma_semaphore, #tpu.memory_space<semaphore_mem>>) src(%dma_wait3A_63 : memref<10240x128xf32, #tpu.memory_space<vmem_shared>>) dst(%arg9 : memref<128x128xf32, #tpu.memory_space<vmem>>)
      tpu.yield
    }) : () -> ()
    %mul3A_29 = arith.constant 640 : i32
    %mul3A_30 = arith.muli %arg1, %mul3A_29 : i32
    %add3A_31 = arith.constant 0 : i32
    %add3A_32 = arith.addi %mul3A_30, %add3A_31 : i32
    "tpu.region"() ({
      %run_scoped3A_53 = tpu.sem_alloc : memref<!tpu.dma_semaphore, #tpu.memory_space<semaphore_mem>>
      %dma_start3A = arith.constant 0 : i32
      %dma_start3A_54 = tpu.memref_slice %arg5[%arg0, %add3A_32, %dma_start3A] : memref<2x10240x128xf32, #tpu.memory_space<hbm>> -> memref<1x128x128xf32, #tpu.memory_space<hbm>>
      %dma_start3A_55 = tpu.memref_squeeze %dma_start3A_54 : memref<1x128x128xf32, #tpu.memory_space<hbm>> -> memref<128x128xf32, #tpu.memory_space<hbm>>
      %dma_start3A_56 = arith.constant 0 : i32
      %dma_start3A_57 = tpu.memref_slice %arg5[%arg0, %add3A_32, %dma_start3A_56] : memref<2x10240x128xf32, #tpu.memory_space<hbm>> -> memref<1x128x128xf32, #tpu.memory_space<hbm>>
      %dma_start3A_58 = tpu.memref_squeeze %dma_start3A_57 : memref<1x128x128xf32, #tpu.memory_space<hbm>> -> memref<128x128xf32, #tpu.memory_space<hbm>>
      tpu.enqueue_dma source(%arg9 : memref<128x128xf32, #tpu.memory_space<vmem>>) target(%dma_start3A_58 : memref<128x128xf32, #tpu.memory_space<hbm>>) target_semaphore(%run_scoped3A_53 : memref<!tpu.dma_semaphore, #tpu.memory_space<semaphore_mem>>)
      %dma_wait3A = arith.constant 0 : i32
      %dma_wait3A_59 = tpu.memref_slice %arg5[%arg0, %add3A_32, %dma_wait3A] : memref<2x10240x128xf32, #tpu.memory_space<hbm>> -> memref<1x128x128xf32, #tpu.memory_space<hbm>>
      %dma_wait3A_60 = tpu.memref_squeeze %dma_wait3A_59 : memref<1x128x128xf32, #tpu.memory_space<hbm>> -> memref<128x128xf32, #tpu.memory_space<hbm>>
      %dma_wait3A_61 = arith.constant 0 : i32
      %dma_wait3A_62 = tpu.memref_slice %arg5[%arg0, %add3A_32, %dma_wait3A_61] : memref<2x10240x128xf32, #tpu.memory_space<hbm>> -> memref<1x128x128xf32, #tpu.memory_space<hbm>>
      %dma_wait3A_63 = tpu.memref_squeeze %dma_wait3A_62 : memref<1x128x128xf32, #tpu.memory_space<hbm>> -> memref<128x128xf32, #tpu.memory_space<hbm>>
      tpu.wait_dma2 semaphore(%run_scoped3A_53 : memref<!tpu.dma_semaphore, #tpu.memory_space<semaphore_mem>>) src(%arg9 : memref<128x128xf32, #tpu.memory_space<vmem>>) dst(%dma_wait3A_63 : memref<128x128xf32, #tpu.memory_space<hbm>>)
      tpu.yield
    }) : () -> ()
    %run_scoped3A_33 = arith.constant 1 : i32
    "tpu.region"() ({
      %run_scoped3A_53 = tpu.sem_alloc : memref<!tpu.dma_semaphore, #tpu.memory_space<semaphore_mem>>
      %dma_start3A = arith.constant 0 : i32
      %dma_start3A_54 = tpu.memref_slice %arg8[%run_scoped3A_33, %dma_start3A] : memref<5x128xi32, #tpu.memory_space<vmem>> -> memref<1x128xi32, #tpu.memory_space<vmem>>
      %dma_start3A_55 = tpu.memref_squeeze %dma_start3A_54 : memref<1x128xi32, #tpu.memory_space<vmem>> -> memref<128xi32, #tpu.memory_space<vmem>>
      %dma_start3A_56 = arith.constant 0 : i32
      %dma_start3A_57 = arith.constant 0 : i32
      %dma_start3A_58 = tpu.memref_slice %arg12[%dma_start3A_56, %dma_start3A_57] : memref<10240x128xf32, #tpu.memory_space<vmem_shared>> -> memref<10240x128xf32, #tpu.memory_space<vmem_shared>>
      tpu.enqueue_indirect_dma source(%dma_start3A_58 : memref<10240x128xf32, #tpu.memory_space<vmem_shared>>) target(%arg9 : memref<128x128xf32, #tpu.memory_space<vmem>>) offsets(%dma_start3A_55 : memref<128xi32, #tpu.memory_space<vmem>>) semaphore(%run_scoped3A_53 : memref<!tpu.dma_semaphore, #tpu.memory_space<semaphore_mem>>)
      %dma_wait3A = arith.constant 0 : i32
      %dma_wait3A_59 = tpu.memref_slice %arg8[%run_scoped3A_33, %dma_wait3A] : memref<5x128xi32, #tpu.memory_space<vmem>> -> memref<1x128xi32, #tpu.memory_space<vmem>>
      %dma_wait3A_60 = tpu.memref_squeeze %dma_wait3A_59 : memref<1x128xi32, #tpu.memory_space<vmem>> -> memref<128xi32, #tpu.memory_space<vmem>>
      %dma_wait3A_61 = arith.constant 0 : i32
      %dma_wait3A_62 = arith.constant 0 : i32
      %dma_wait3A_63 = tpu.memref_slice %arg12[%dma_wait3A_61, %dma_wait3A_62] : memref<10240x128xf32, #tpu.memory_space<vmem_shared>> -> memref<10240x128xf32, #tpu.memory_space<vmem_shared>>
      tpu.wait_indirect_dma semaphore(%run_scoped3A_53 : memref<!tpu.dma_semaphore, #tpu.memory_space<semaphore_mem>>) src(%dma_wait3A_63 : memref<10240x128xf32, #tpu.memory_space<vmem_shared>>) dst(%arg9 : memref<128x128xf32, #tpu.memory_space<vmem>>)
      tpu.yield
    }) : () -> ()
    %mul3A_34 = arith.constant 640 : i32
    %mul3A_35 = arith.muli %arg1, %mul3A_34 : i32
    %add3A_36 = arith.constant 128 : i32
    %add3A_37 = arith.addi %mul3A_35, %add3A_36 : i32
    "tpu.region"() ({
      %run_scoped3A_53 = tpu.sem_alloc : memref<!tpu.dma_semaphore, #tpu.memory_space<semaphore_mem>>
      %dma_start3A = arith.constant 0 : i32
      %dma_start3A_54 = tpu.memref_slice %arg5[%arg0, %add3A_37, %dma_start3A] : memref<2x10240x128xf32, #tpu.memory_space<hbm>> -> memref<1x128x128xf32, #tpu.memory_space<hbm>>
      %dma_start3A_55 = tpu.memref_squeeze %dma_start3A_54 : memref<1x128x128xf32, #tpu.memory_space<hbm>> -> memref<128x128xf32, #tpu.memory_space<hbm>>
      %dma_start3A_56 = arith.constant 0 : i32
      %dma_start3A_57 = tpu.memref_slice %arg5[%arg0, %add3A_37, %dma_start3A_56] : memref<2x10240x128xf32, #tpu.memory_space<hbm>> -> memref<1x128x128xf32, #tpu.memory_space<hbm>>
      %dma_start3A_58 = tpu.memref_squeeze %dma_start3A_57 : memref<1x128x128xf32, #tpu.memory_space<hbm>> -> memref<128x128xf32, #tpu.memory_space<hbm>>
      tpu.enqueue_dma source(%arg9 : memref<128x128xf32, #tpu.memory_space<vmem>>) target(%dma_start3A_58 : memref<128x128xf32, #tpu.memory_space<hbm>>) target_semaphore(%run_scoped3A_53 : memref<!tpu.dma_semaphore, #tpu.memory_space<semaphore_mem>>)
      %dma_wait3A = arith.constant 0 : i32
      %dma_wait3A_59 = tpu.memref_slice %arg5[%arg0, %add3A_37, %dma_wait3A] : memref<2x10240x128xf32, #tpu.memory_space<hbm>> -> memref<1x128x128xf32, #tpu.memory_space<hbm>>
      %dma_wait3A_60 = tpu.memref_squeeze %dma_wait3A_59 : memref<1x128x128xf32, #tpu.memory_space<hbm>> -> memref<128x128xf32, #tpu.memory_space<hbm>>
      %dma_wait3A_61 = arith.constant 0 : i32
      %dma_wait3A_62 = tpu.memref_slice %arg5[%arg0, %add3A_37, %dma_wait3A_61] : memref<2x10240x128xf32, #tpu.memory_space<hbm>> -> memref<1x128x128xf32, #tpu.memory_space<hbm>>
      %dma_wait3A_63 = tpu.memref_squeeze %dma_wait3A_62 : memref<1x128x128xf32, #tpu.memory_space<hbm>> -> memref<128x128xf32, #tpu.memory_space<hbm>>
      tpu.wait_dma2 semaphore(%run_scoped3A_53 : memref<!tpu.dma_semaphore, #tpu.memory_space<semaphore_mem>>) src(%arg9 : memref<128x128xf32, #tpu.memory_space<vmem>>) dst(%dma_wait3A_63 : memref<128x128xf32, #tpu.memory_space<hbm>>)
      tpu.yield
    }) : () -> ()
    %run_scoped3A_38 = arith.constant 2 : i32
    "tpu.region"() ({
      %run_scoped3A_53 = tpu.sem_alloc : memref<!tpu.dma_semaphore, #tpu.memory_space<semaphore_mem>>
      %dma_start3A = arith.constant 0 : i32
      %dma_start3A_54 = tpu.memref_slice %arg8[%run_scoped3A_38, %dma_start3A] : memref<5x128xi32, #tpu.memory_space<vmem>> -> memref<1x128xi32, #tpu.memory_space<vmem>>
      %dma_start3A_55 = tpu.memref_squeeze %dma_start3A_54 : memref<1x128xi32, #tpu.memory_space<vmem>> -> memref<128xi32, #tpu.memory_space<vmem>>
      %dma_start3A_56 = arith.constant 0 : i32
      %dma_start3A_57 = arith.constant 0 : i32
      %dma_start3A_58 = tpu.memref_slice %arg12[%dma_start3A_56, %dma_start3A_57] : memref<10240x128xf32, #tpu.memory_space<vmem_shared>> -> memref<10240x128xf32, #tpu.memory_space<vmem_shared>>
      tpu.enqueue_indirect_dma source(%dma_start3A_58 : memref<10240x128xf32, #tpu.memory_space<vmem_shared>>) target(%arg9 : memref<128x128xf32, #tpu.memory_space<vmem>>) offsets(%dma_start3A_55 : memref<128xi32, #tpu.memory_space<vmem>>) semaphore(%run_scoped3A_53 : memref<!tpu.dma_semaphore, #tpu.memory_space<semaphore_mem>>)
      %dma_wait3A = arith.constant 0 : i32
      %dma_wait3A_59 = tpu.memref_slice %arg8[%run_scoped3A_38, %dma_wait3A] : memref<5x128xi32, #tpu.memory_space<vmem>> -> memref<1x128xi32, #tpu.memory_space<vmem>>
      %dma_wait3A_60 = tpu.memref_squeeze %dma_wait3A_59 : memref<1x128xi32, #tpu.memory_space<vmem>> -> memref<128xi32, #tpu.memory_space<vmem>>
      %dma_wait3A_61 = arith.constant 0 : i32
      %dma_wait3A_62 = arith.constant 0 : i32
      %dma_wait3A_63 = tpu.memref_slice %arg12[%dma_wait3A_61, %dma_wait3A_62] : memref<10240x128xf32, #tpu.memory_space<vmem_shared>> -> memref<10240x128xf32, #tpu.memory_space<vmem_shared>>
      tpu.wait_indirect_dma semaphore(%run_scoped3A_53 : memref<!tpu.dma_semaphore, #tpu.memory_space<semaphore_mem>>) src(%dma_wait3A_63 : memref<10240x128xf32, #tpu.memory_space<vmem_shared>>) dst(%arg9 : memref<128x128xf32, #tpu.memory_space<vmem>>)
      tpu.yield
    }) : () -> ()
    %mul3A_39 = arith.constant 640 : i32
    %mul3A_40 = arith.muli %arg1, %mul3A_39 : i32
    %add3A_41 = arith.constant 256 : i32
    %add3A_42 = arith.addi %mul3A_40, %add3A_41 : i32
    "tpu.region"() ({
      %run_scoped3A_53 = tpu.sem_alloc : memref<!tpu.dma_semaphore, #tpu.memory_space<semaphore_mem>>
      %dma_start3A = arith.constant 0 : i32
      %dma_start3A_54 = tpu.memref_slice %arg5[%arg0, %add3A_42, %dma_start3A] : memref<2x10240x128xf32, #tpu.memory_space<hbm>> -> memref<1x128x128xf32, #tpu.memory_space<hbm>>
      %dma_start3A_55 = tpu.memref_squeeze %dma_start3A_54 : memref<1x128x128xf32, #tpu.memory_space<hbm>> -> memref<128x128xf32, #tpu.memory_space<hbm>>
      %dma_start3A_56 = arith.constant 0 : i32
      %dma_start3A_57 = tpu.memref_slice %arg5[%arg0, %add3A_42, %dma_start3A_56] : memref<2x10240x128xf32, #tpu.memory_space<hbm>> -> memref<1x128x128xf32, #tpu.memory_space<hbm>>
      %dma_start3A_58 = tpu.memref_squeeze %dma_start3A_57 : memref<1x128x128xf32, #tpu.memory_space<hbm>> -> memref<128x128xf32, #tpu.memory_space<hbm>>
      tpu.enqueue_dma source(%arg9 : memref<128x128xf32, #tpu.memory_space<vmem>>) target(%dma_start3A_58 : memref<128x128xf32, #tpu.memory_space<hbm>>) target_semaphore(%run_scoped3A_53 : memref<!tpu.dma_semaphore, #tpu.memory_space<semaphore_mem>>)
      %dma_wait3A = arith.constant 0 : i32
      %dma_wait3A_59 = tpu.memref_slice %arg5[%arg0, %add3A_42, %dma_wait3A] : memref<2x10240x128xf32, #tpu.memory_space<hbm>> -> memref<1x128x128xf32, #tpu.memory_space<hbm>>
      %dma_wait3A_60 = tpu.memref_squeeze %dma_wait3A_59 : memref<1x128x128xf32, #tpu.memory_space<hbm>> -> memref<128x128xf32, #tpu.memory_space<hbm>>
      %dma_wait3A_61 = arith.constant 0 : i32
      %dma_wait3A_62 = tpu.memref_slice %arg5[%arg0, %add3A_42, %dma_wait3A_61] : memref<2x10240x128xf32, #tpu.memory_space<hbm>> -> memref<1x128x128xf32, #tpu.memory_space<hbm>>
      %dma_wait3A_63 = tpu.memref_squeeze %dma_wait3A_62 : memref<1x128x128xf32, #tpu.memory_space<hbm>> -> memref<128x128xf32, #tpu.memory_space<hbm>>
      tpu.wait_dma2 semaphore(%run_scoped3A_53 : memref<!tpu.dma_semaphore, #tpu.memory_space<semaphore_mem>>) src(%arg9 : memref<128x128xf32, #tpu.memory_space<vmem>>) dst(%dma_wait3A_63 : memref<128x128xf32, #tpu.memory_space<hbm>>)
      tpu.yield
    }) : () -> ()
    %run_scoped3A_43 = arith.constant 3 : i32
    "tpu.region"() ({
      %run_scoped3A_53 = tpu.sem_alloc : memref<!tpu.dma_semaphore, #tpu.memory_space<semaphore_mem>>
      %dma_start3A = arith.constant 0 : i32
      %dma_start3A_54 = tpu.memref_slice %arg8[%run_scoped3A_43, %dma_start3A] : memref<5x128xi32, #tpu.memory_space<vmem>> -> memref<1x128xi32, #tpu.memory_space<vmem>>
      %dma_start3A_55 = tpu.memref_squeeze %dma_start3A_54 : memref<1x128xi32, #tpu.memory_space<vmem>> -> memref<128xi32, #tpu.memory_space<vmem>>
      %dma_start3A_56 = arith.constant 0 : i32
      %dma_start3A_57 = arith.constant 0 : i32
      %dma_start3A_58 = tpu.memref_slice %arg12[%dma_start3A_56, %dma_start3A_57] : memref<10240x128xf32, #tpu.memory_space<vmem_shared>> -> memref<10240x128xf32, #tpu.memory_space<vmem_shared>>
      tpu.enqueue_indirect_dma source(%dma_start3A_58 : memref<10240x128xf32, #tpu.memory_space<vmem_shared>>) target(%arg9 : memref<128x128xf32, #tpu.memory_space<vmem>>) offsets(%dma_start3A_55 : memref<128xi32, #tpu.memory_space<vmem>>) semaphore(%run_scoped3A_53 : memref<!tpu.dma_semaphore, #tpu.memory_space<semaphore_mem>>)
      %dma_wait3A = arith.constant 0 : i32
      %dma_wait3A_59 = tpu.memref_slice %arg8[%run_scoped3A_43, %dma_wait3A] : memref<5x128xi32, #tpu.memory_space<vmem>> -> memref<1x128xi32, #tpu.memory_space<vmem>>
      %dma_wait3A_60 = tpu.memref_squeeze %dma_wait3A_59 : memref<1x128xi32, #tpu.memory_space<vmem>> -> memref<128xi32, #tpu.memory_space<vmem>>
      %dma_wait3A_61 = arith.constant 0 : i32
      %dma_wait3A_62 = arith.constant 0 : i32
      %dma_wait3A_63 = tpu.memref_slice %arg12[%dma_wait3A_61, %dma_wait3A_62] : memref<10240x128xf32, #tpu.memory_space<vmem_shared>> -> memref<10240x128xf32, #tpu.memory_space<vmem_shared>>
      tpu.wait_indirect_dma semaphore(%run_scoped3A_53 : memref<!tpu.dma_semaphore, #tpu.memory_space<semaphore_mem>>) src(%dma_wait3A_63 : memref<10240x128xf32, #tpu.memory_space<vmem_shared>>) dst(%arg9 : memref<128x128xf32, #tpu.memory_space<vmem>>)
      tpu.yield
    }) : () -> ()
    %mul3A_44 = arith.constant 640 : i32
    %mul3A_45 = arith.muli %arg1, %mul3A_44 : i32
    %add3A_46 = arith.constant 384 : i32
    %add3A_47 = arith.addi %mul3A_45, %add3A_46 : i32
    "tpu.region"() ({
      %run_scoped3A_53 = tpu.sem_alloc : memref<!tpu.dma_semaphore, #tpu.memory_space<semaphore_mem>>
      %dma_start3A = arith.constant 0 : i32
      %dma_start3A_54 = tpu.memref_slice %arg5[%arg0, %add3A_47, %dma_start3A] : memref<2x10240x128xf32, #tpu.memory_space<hbm>> -> memref<1x128x128xf32, #tpu.memory_space<hbm>>
      %dma_start3A_55 = tpu.memref_squeeze %dma_start3A_54 : memref<1x128x128xf32, #tpu.memory_space<hbm>> -> memref<128x128xf32, #tpu.memory_space<hbm>>
      %dma_start3A_56 = arith.constant 0 : i32
      %dma_start3A_57 = tpu.memref_slice %arg5[%arg0, %add3A_47, %dma_start3A_56] : memref<2x10240x128xf32, #tpu.memory_space<hbm>> -> memref<1x128x128xf32, #tpu.memory_space<hbm>>
      %dma_start3A_58 = tpu.memref_squeeze %dma_start3A_57 : memref<1x128x128xf32, #tpu.memory_space<hbm>> -> memref<128x128xf32, #tpu.memory_space<hbm>>
      tpu.enqueue_dma source(%arg9 : memref<128x128xf32, #tpu.memory_space<vmem>>) target(%dma_start3A_58 : memref<128x128xf32, #tpu.memory_space<hbm>>) target_semaphore(%run_scoped3A_53 : memref<!tpu.dma_semaphore, #tpu.memory_space<semaphore_mem>>)
      %dma_wait3A = arith.constant 0 : i32
      %dma_wait3A_59 = tpu.memref_slice %arg5[%arg0, %add3A_47, %dma_wait3A] : memref<2x10240x128xf32, #tpu.memory_space<hbm>> -> memref<1x128x128xf32, #tpu.memory_space<hbm>>
      %dma_wait3A_60 = tpu.memref_squeeze %dma_wait3A_59 : memref<1x128x128xf32, #tpu.memory_space<hbm>> -> memref<128x128xf32, #tpu.memory_space<hbm>>
      %dma_wait3A_61 = arith.constant 0 : i32
      %dma_wait3A_62 = tpu.memref_slice %arg5[%arg0, %add3A_47, %dma_wait3A_61] : memref<2x10240x128xf32, #tpu.memory_space<hbm>> -> memref<1x128x128xf32, #tpu.memory_space<hbm>>
      %dma_wait3A_63 = tpu.memref_squeeze %dma_wait3A_62 : memref<1x128x128xf32, #tpu.memory_space<hbm>> -> memref<128x128xf32, #tpu.memory_space<hbm>>
      tpu.wait_dma2 semaphore(%run_scoped3A_53 : memref<!tpu.dma_semaphore, #tpu.memory_space<semaphore_mem>>) src(%arg9 : memref<128x128xf32, #tpu.memory_space<vmem>>) dst(%dma_wait3A_63 : memref<128x128xf32, #tpu.memory_space<hbm>>)
      tpu.yield
    }) : () -> ()
    %run_scoped3A_48 = arith.constant 4 : i32
    "tpu.region"() ({
      %run_scoped3A_53 = tpu.sem_alloc : memref<!tpu.dma_semaphore, #tpu.memory_space<semaphore_mem>>
      %dma_start3A = arith.constant 0 : i32
      %dma_start3A_54 = tpu.memref_slice %arg8[%run_scoped3A_48, %dma_start3A] : memref<5x128xi32, #tpu.memory_space<vmem>> -> memref<1x128xi32, #tpu.memory_space<vmem>>
      %dma_start3A_55 = tpu.memref_squeeze %dma_start3A_54 : memref<1x128xi32, #tpu.memory_space<vmem>> -> memref<128xi32, #tpu.memory_space<vmem>>
      %dma_start3A_56 = arith.constant 0 : i32
      %dma_start3A_57 = arith.constant 0 : i32
      %dma_start3A_58 = tpu.memref_slice %arg12[%dma_start3A_56, %dma_start3A_57] : memref<10240x128xf32, #tpu.memory_space<vmem_shared>> -> memref<10240x128xf32, #tpu.memory_space<vmem_shared>>
      tpu.enqueue_indirect_dma source(%dma_start3A_58 : memref<10240x128xf32, #tpu.memory_space<vmem_shared>>) target(%arg9 : memref<128x128xf32, #tpu.memory_space<vmem>>) offsets(%dma_start3A_55 : memref<128xi32, #tpu.memory_space<vmem>>) semaphore(%run_scoped3A_53 : memref<!tpu.dma_semaphore, #tpu.memory_space<semaphore_mem>>)
      %dma_wait3A = arith.constant 0 : i32
      %dma_wait3A_59 = tpu.memref_slice %arg8[%run_scoped3A_48, %dma_wait3A] : memref<5x128xi32, #tpu.memory_space<vmem>> -> memref<1x128xi32, #tpu.memory_space<vmem>>
      %dma_wait3A_60 = tpu.memref_squeeze %dma_wait3A_59 : memref<1x128xi32, #tpu.memory_space<vmem>> -> memref<128xi32, #tpu.memory_space<vmem>>
      %dma_wait3A_61 = arith.constant 0 : i32
      %dma_wait3A_62 = arith.constant 0 : i32
      %dma_wait3A_63 = tpu.memref_slice %arg12[%dma_wait3A_61, %dma_wait3A_62] : memref<10240x128xf32, #tpu.memory_space<vmem_shared>> -> memref<10240x128xf32, #tpu.memory_space<vmem_shared>>
      tpu.wait_indirect_dma semaphore(%run_scoped3A_53 : memref<!tpu.dma_semaphore, #tpu.memory_space<semaphore_mem>>) src(%dma_wait3A_63 : memref<10240x128xf32, #tpu.memory_space<vmem_shared>>) dst(%arg9 : memref<128x128xf32, #tpu.memory_space<vmem>>)
      tpu.yield
    }) : () -> ()
    %mul3A_49 = arith.constant 640 : i32
    %mul3A_50 = arith.muli %arg1, %mul3A_49 : i32
    %add3A_51 = arith.constant 512 : i32
    %add3A_52 = arith.addi %mul3A_50, %add3A_51 : i32
    "tpu.region"() ({
      %run_scoped3A_53 = tpu.sem_alloc : memref<!tpu.dma_semaphore, #tpu.memory_space<semaphore_mem>>
      %dma_start3A = arith.constant 0 : i32
      %dma_start3A_54 = tpu.memref_slice %arg5[%arg0, %add3A_52, %dma_start3A] : memref<2x10240x128xf32, #tpu.memory_space<hbm>> -> memref<1x128x128xf32, #tpu.memory_space<hbm>>
      %dma_start3A_55 = tpu.memref_squeeze %dma_start3A_54 : memref<1x128x128xf32, #tpu.memory_space<hbm>> -> memref<128x128xf32, #tpu.memory_space<hbm>>
      %dma_start3A_56 = arith.constant 0 : i32
      %dma_start3A_57 = tpu.memref_slice %arg5[%arg0, %add3A_52, %dma_start3A_56] : memref<2x10240x128xf32, #tpu.memory_space<hbm>> -> memref<1x128x128xf32, #tpu.memory_space<hbm>>
      %dma_start3A_58 = tpu.memref_squeeze %dma_start3A_57 : memref<1x128x128xf32, #tpu.memory_space<hbm>> -> memref<128x128xf32, #tpu.memory_space<hbm>>
      tpu.enqueue_dma source(%arg9 : memref<128x128xf32, #tpu.memory_space<vmem>>) target(%dma_start3A_58 : memref<128x128xf32, #tpu.memory_space<hbm>>) target_semaphore(%run_scoped3A_53 : memref<!tpu.dma_semaphore, #tpu.memory_space<semaphore_mem>>)
      %dma_wait3A = arith.constant 0 : i32
      %dma_wait3A_59 = tpu.memref_slice %arg5[%arg0, %add3A_52, %dma_wait3A] : memref<2x10240x128xf32, #tpu.memory_space<hbm>> -> memref<1x128x128xf32, #tpu.memory_space<hbm>>
      %dma_wait3A_60 = tpu.memref_squeeze %dma_wait3A_59 : memref<1x128x128xf32, #tpu.memory_space<hbm>> -> memref<128x128xf32, #tpu.memory_space<hbm>>
      %dma_wait3A_61 = arith.constant 0 : i32
      %dma_wait3A_62 = tpu.memref_slice %arg5[%arg0, %add3A_52, %dma_wait3A_61] : memref<2x10240x128xf32, #tpu.memory_space<hbm>> -> memref<1x128x128xf32, #tpu.memory_space<hbm>>
      %dma_wait3A_63 = tpu.memref_squeeze %dma_wait3A_62 : memref<1x128x128xf32, #tpu.memory_space<hbm>> -> memref<128x128xf32, #tpu.memory_space<hbm>>
      tpu.wait_dma2 semaphore(%run_scoped3A_53 : memref<!tpu.dma_semaphore, #tpu.memory_space<semaphore_mem>>) src(%arg9 : memref<128x128xf32, #tpu.memory_space<vmem>>) dst(%dma_wait3A_63 : memref<128x128xf32, #tpu.memory_space<hbm>>)
      tpu.yield
    }) : () -> ()
    return
  }
}

#map = affine_map<(d0, d1) -> (0, 0)>
#map1 = affine_map<(d0, d1) -> (0, 0, 0)>
module attributes {stable_mosaic.version = 14 : i64} {
  func.func @_agg_body(%arg0: i32, %arg1: i32, %arg2: memref<10240x128xf32, #tpu.memory_space<hbm>>, %arg3: memref<32x158x64xi32, #tpu.memory_space<hbm>>, %arg4: memref<32x79x128xi32, #tpu.memory_space<hbm>>, %arg5: memref<2x10240x128xf32, #tpu.memory_space<hbm>>, %arg6: memref<158x64xi32, #tpu.memory_space<vmem>>, %arg7: memref<79x128xi32, #tpu.memory_space<vmem>>, %arg8: memref<5x128xi32, #tpu.memory_space<vmem>>, %arg9: memref<128x128xf32, #tpu.memory_space<vmem>>, %arg10: memref<!tpu.dma_semaphore, #tpu.memory_space<semaphore_mem>>, %arg11: memref<!tpu.dma_semaphore, #tpu.memory_space<semaphore_mem>>, %arg12: memref<10240x128xf32, #tpu.memory_space<vmem_shared>>) attributes {dimension_semantics = [#tpu.dimension_semantics<core_parallel>, #tpu.dimension_semantics<subcore_parallel>], iteration_bounds = array<i64: 2, 16>, scalar_prefetch = 0 : i64, scratch_operands = 7 : i64, tpu.core_type = #tpu.core_type<sc_vector_subcore>, window_params = [{transform_indices = #map}, {transform_indices = #map1}, {transform_indices = #map1}, {transform_indices = #map1}]} {
    %mul3A = arith.constant 16 : i32
    %mul3A_0 = arith.muli %arg0, %mul3A : i32
    %add3A = arith.addi %mul3A_0, %arg1 : i32
    %scan3A = arith.constant 0 : i32
    %scan3A_1 = arith.constant 0 : i32
    %scan3A_2 = arith.constant 128 : i32
    %scan3A_3 = arith.addi %scan3A_1, %scan3A_2 : i32
    %scan3A_4 = arith.constant 1 : i32
    %scan3A_5 = scf.for %scan3A_53 = %scan3A_1 to %scan3A_3 step %scan3A_4 iter_args(%scan3A_54 = %scan3A) -> (i32)  : i32 {
      %broadcast_in_dim3A = arith.constant 0.000000e+00 : f32
      %broadcast_in_dim3A_55 = vector.broadcast %broadcast_in_dim3A : f32 to vector<16xf32>
      %swap3A = arith.index_cast %scan3A_53 : i32 to index
      %swap3A_56 = arith.constant 0 : index
      %swap3A_57 = tpu.vector_load %arg9[%swap3A, %swap3A_56] {strides = array<i32>} : memref<128x128xf32, #tpu.memory_space<vmem>>, vector<1x16xf32>,
      %swap3A_58 = vector.shape_cast %swap3A_57 : vector<1x16xf32> to vector<16xf32>
      %swap3A_59 = vector.shape_cast %broadcast_in_dim3A_55 : vector<16xf32> to vector<1x16xf32>
      tpu.vector_store %arg9[%swap3A, %swap3A_56], %swap3A_59 {strides = array<i32>} : memref<128x128xf32, #tpu.memory_space<vmem>>, vector<1x16xf32>,
      %broadcast_in_dim3A_60 = arith.constant 0.000000e+00 : f32
      %broadcast_in_dim3A_61 = vector.broadcast %broadcast_in_dim3A_60 : f32 to vector<16xf32>
      %swap3A_62 = arith.index_cast %scan3A_53 : i32 to index
      %swap3A_63 = arith.constant 16 : index
      %swap3A_64 = tpu.vector_load %arg9[%swap3A_62, %swap3A_63] {strides = array<i32>} : memref<128x128xf32, #tpu.memory_space<vmem>>, vector<1x16xf32>,
      %swap3A_65 = vector.shape_cast %swap3A_64 : vector<1x16xf32> to vector<16xf32>
      %swap3A_66 = vector.shape_cast %broadcast_in_dim3A_61 : vector<16xf32> to vector<1x16xf32>
      tpu.vector_store %arg9[%swap3A_62, %swap3A_63], %swap3A_66 {strides = array<i32>} : memref<128x128xf32, #tpu.memory_space<vmem>>, vector<1x16xf32>,
      %broadcast_in_dim3A_67 = arith.constant 0.000000e+00 : f32
      %broadcast_in_dim3A_68 = vector.broadcast %broadcast_in_dim3A_67 : f32 to vector<16xf32>
      %swap3A_69 = arith.index_cast %scan3A_53 : i32 to index
      %swap3A_70 = arith.constant 32 : index
      %swap3A_71 = tpu.vector_load %arg9[%swap3A_69, %swap3A_70] {strides = array<i32>} : memref<128x128xf32, #tpu.memory_space<vmem>>, vector<1x16xf32>,
      %swap3A_72 = vector.shape_cast %swap3A_71 : vector<1x16xf32> to vector<16xf32>
      %swap3A_73 = vector.shape_cast %broadcast_in_dim3A_68 : vector<16xf32> to vector<1x16xf32>
      tpu.vector_store %arg9[%swap3A_69, %swap3A_70], %swap3A_73 {strides = array<i32>} : memref<128x128xf32, #tpu.memory_space<vmem>>, vector<1x16xf32>,
      %broadcast_in_dim3A_74 = arith.constant 0.000000e+00 : f32
      %broadcast_in_dim3A_75 = vector.broadcast %broadcast_in_dim3A_74 : f32 to vector<16xf32>
      %swap3A_76 = arith.index_cast %scan3A_53 : i32 to index
      %swap3A_77 = arith.constant 48 : index
      %swap3A_78 = tpu.vector_load %arg9[%swap3A_76, %swap3A_77] {strides = array<i32>} : memref<128x128xf32, #tpu.memory_space<vmem>>, vector<1x16xf32>,
      %swap3A_79 = vector.shape_cast %swap3A_78 : vector<1x16xf32> to vector<16xf32>
      %swap3A_80 = vector.shape_cast %broadcast_in_dim3A_75 : vector<16xf32> to vector<1x16xf32>
      tpu.vector_store %arg9[%swap3A_76, %swap3A_77], %swap3A_80 {strides = array<i32>} : memref<128x128xf32, #tpu.memory_space<vmem>>, vector<1x16xf32>,
      %broadcast_in_dim3A_81 = arith.constant 0.000000e+00 : f32
      %broadcast_in_dim3A_82 = vector.broadcast %broadcast_in_dim3A_81 : f32 to vector<16xf32>
      %swap3A_83 = arith.index_cast %scan3A_53 : i32 to index
      %swap3A_84 = arith.constant 64 : index
      %swap3A_85 = tpu.vector_load %arg9[%swap3A_83, %swap3A_84] {strides = array<i32>} : memref<128x128xf32, #tpu.memory_space<vmem>>, vector<1x16xf32>,
      %swap3A_86 = vector.shape_cast %swap3A_85 : vector<1x16xf32> to vector<16xf32>
      %swap3A_87 = vector.shape_cast %broadcast_in_dim3A_82 : vector<16xf32> to vector<1x16xf32>
      tpu.vector_store %arg9[%swap3A_83, %swap3A_84], %swap3A_87 {strides = array<i32>} : memref<128x128xf32, #tpu.memory_space<vmem>>, vector<1x16xf32>,
      %broadcast_in_dim3A_88 = arith.constant 0.000000e+00 : f32
      %broadcast_in_dim3A_89 = vector.broadcast %broadcast_in_dim3A_88 : f32 to vector<16xf32>
      %swap3A_90 = arith.index_cast %scan3A_53 : i32 to index
      %swap3A_91 = arith.constant 80 : index
      %swap3A_92 = tpu.vector_load %arg9[%swap3A_90, %swap3A_91] {strides = array<i32>} : memref<128x128xf32, #tpu.memory_space<vmem>>, vector<1x16xf32>,
      %swap3A_93 = vector.shape_cast %swap3A_92 : vector<1x16xf32> to vector<16xf32>
      %swap3A_94 = vector.shape_cast %broadcast_in_dim3A_89 : vector<16xf32> to vector<1x16xf32>
      tpu.vector_store %arg9[%swap3A_90, %swap3A_91], %swap3A_94 {strides = array<i32>} : memref<128x128xf32, #tpu.memory_space<vmem>>, vector<1x16xf32>,
      %broadcast_in_dim3A_95 = arith.constant 0.000000e+00 : f32
      %broadcast_in_dim3A_96 = vector.broadcast %broadcast_in_dim3A_95 : f32 to vector<16xf32>
      %swap3A_97 = arith.index_cast %scan3A_53 : i32 to index
      %swap3A_98 = arith.constant 96 : index
      %swap3A_99 = tpu.vector_load %arg9[%swap3A_97, %swap3A_98] {strides = array<i32>} : memref<128x128xf32, #tpu.memory_space<vmem>>, vector<1x16xf32>,
      %swap3A_100 = vector.shape_cast %swap3A_99 : vector<1x16xf32> to vector<16xf32>
      %swap3A_101 = vector.shape_cast %broadcast_in_dim3A_96 : vector<16xf32> to vector<1x16xf32>
      tpu.vector_store %arg9[%swap3A_97, %swap3A_98], %swap3A_101 {strides = array<i32>} : memref<128x128xf32, #tpu.memory_space<vmem>>, vector<1x16xf32>,
      %broadcast_in_dim3A_102 = arith.constant 0.000000e+00 : f32
      %broadcast_in_dim3A_103 = vector.broadcast %broadcast_in_dim3A_102 : f32 to vector<16xf32>
      %swap3A_104 = arith.index_cast %scan3A_53 : i32 to index
      %swap3A_105 = arith.constant 112 : index
      %swap3A_106 = tpu.vector_load %arg9[%swap3A_104, %swap3A_105] {strides = array<i32>} : memref<128x128xf32, #tpu.memory_space<vmem>>, vector<1x16xf32>,
      %swap3A_107 = vector.shape_cast %swap3A_106 : vector<1x16xf32> to vector<16xf32>
      %swap3A_108 = vector.shape_cast %broadcast_in_dim3A_103 : vector<16xf32> to vector<1x16xf32>
      tpu.vector_store %arg9[%swap3A_104, %swap3A_105], %swap3A_108 {strides = array<i32>} : memref<128x128xf32, #tpu.memory_space<vmem>>, vector<1x16xf32>,
      %scan3A_109 = arith.constant 0 : i32
      scf.yield %scan3A_109 : i32
    }
    %scan3A_6 = arith.constant 128 : i32
    %mul3A_7 = arith.constant 640 : i32
    %mul3A_8 = arith.muli %arg1, %mul3A_7 : i32
    %scan3A_9 = arith.constant 0 : i32
    %scan3A_10 = arith.constant 0 : i32
    %scan3A_11 = arith.constant 40 : i32
    %scan3A_12 = arith.addi %scan3A_10, %scan3A_11 : i32
    %scan3A_13 = arith.constant 1 : i32
    %scan3A_14 = scf.for %scan3A_53 = %scan3A_10 to %scan3A_12 step %scan3A_13 iter_args(%scan3A_54 = %scan3A_9) -> (i32)  : i32 {
      %jit3A = arith.constant 8 : i32
      %div3A = arith.divsi %scan3A_53, %jit3A : i32
      %sign3A = arith.constant 0 : i32
      %sign3A_55 = arith.cmpi sgt, %scan3A_53, %sign3A : i32
      %sign3A_56 = arith.extui %sign3A_55 : i1 to i32
      %sign3A_57 = arith.constant 0 : i32
      %sign3A_58 = arith.cmpi slt, %scan3A_53, %sign3A_57 : i32
      %sign3A_59 = arith.extui %sign3A_58 : i1 to i32
      %sign3A_60 = arith.subi %sign3A_56, %sign3A_59 : i32
      %sign3A_61 = arith.constant 0 : i32
      %sign3A_62 = arith.cmpi sgt, %jit3A, %sign3A_61 : i32
      %sign3A_63 = arith.extui %sign3A_62 : i1 to i32
      %sign3A_64 = arith.constant 0 : i32
      %sign3A_65 = arith.cmpi slt, %jit3A, %sign3A_64 : i32
      %sign3A_66 = arith.extui %sign3A_65 : i1 to i32
      %sign3A_67 = arith.subi %sign3A_63, %sign3A_66 : i32
      %ne3A = arith.cmpi ne, %sign3A_60, %sign3A_67 : i32
      %rem3A = arith.remsi %scan3A_53, %jit3A : i32
      %ne3A_68 = arith.constant 0 : i32
      %ne3A_69 = arith.cmpi ne, %rem3A, %ne3A_68 : i32
      %and3A = arith.andi %ne3A, %ne3A_69 : i1
      %sub3A = arith.constant 1 : i32
      %sub3A_70 = arith.subi %div3A, %sub3A : i32
      %select_n3A = arith.select %and3A, %sub3A_70, %div3A : i32
      %jit3A_71 = arith.constant 8 : i32
      %eq3A = arith.constant 0 : i32
      %eq3A_72 = arith.cmpi eq, %jit3A_71, %eq3A : i32
      %jit3A_73 = arith.constant 1 : i32
      %select_n3A_74 = arith.select %eq3A_72, %jit3A_73, %jit3A_71 : i32
      %rem3A_75 = arith.remsi %scan3A_53, %select_n3A_74 : i32
      %ne3A_76 = arith.constant 0 : i32
      %ne3A_77 = arith.cmpi ne, %rem3A_75, %ne3A_76 : i32
      %lt3A = arith.constant 0 : i32
      %lt3A_78 = arith.cmpi slt, %rem3A_75, %lt3A : i32
      %lt3A_79 = arith.constant 0 : i32
      %lt3A_80 = arith.cmpi slt, %select_n3A_74, %lt3A_79 : i32
      %ne3A_81 = arith.xori %lt3A_78, %lt3A_80 : i1
      %and3A_82 = arith.andi %ne3A_81, %ne3A_77 : i1
      %add3A_83 = arith.addi %rem3A_75, %select_n3A_74 : i32
      %select_n3A_84 = arith.select %and3A_82, %add3A_83, %rem3A_75 : i32
      %mul3A_85 = arith.constant 16 : i32
      %mul3A_86 = arith.muli %select_n3A_84, %mul3A_85 : i32
      %mul3A_87 = arith.constant 16 : i32
      %mul3A_88 = arith.muli %scan3A_53, %mul3A_87 : i32
      %add3A_89 = arith.addi %mul3A_8, %mul3A_88 : i32
      %iota3A = tpu.iota {dimensions = array<i32: 0>} : vector<16xi32>
      %add3A_90 = vector.broadcast %add3A_89 : i32 to vector<16xi32>
      %add3A_91 = arith.addi %add3A_90, %iota3A : vector<16xi32>
      %swap3A = arith.index_cast %select_n3A : i32 to index
      %swap3A_92 = arith.index_cast %mul3A_86 : i32 to index
      %swap3A_93 = tpu.vector_load %arg8[%swap3A, %swap3A_92] {strides = array<i32>} : memref<5x128xi32, #tpu.memory_space<vmem>>, vector<1x16xi32>,
      %swap3A_94 = vector.shape_cast %swap3A_93 : vector<1x16xi32> to vector<16xi32>
      %swap3A_95 = vector.shape_cast %add3A_91 : vector<16xi32> to vector<1x16xi32>
      tpu.vector_store %arg8[%swap3A, %swap3A_92], %swap3A_95 {strides = array<i32>} : memref<5x128xi32, #tpu.memory_space<vmem>>, vector<1x16xi32>,
      %scan3A_96 = arith.constant 0 : i32
      scf.yield %scan3A_96 : i32
    }
    %scan3A_15 = arith.constant 40 : i32
    %run_scoped3A = arith.constant 0 : i32
    "tpu.region"() ({
      %run_scoped3A_53 = tpu.sem_alloc : memref<!tpu.dma_semaphore, #tpu.memory_space<semaphore_mem>>
      %dma_start3A = arith.constant 0 : i32
      %dma_start3A_54 = tpu.memref_slice %arg8[%run_scoped3A, %dma_start3A] : memref<5x128xi32, #tpu.memory_space<vmem>> -> memref<1x128xi32, #tpu.memory_space<vmem>>
      %dma_start3A_55 = tpu.memref_squeeze %dma_start3A_54 : memref<1x128xi32, #tpu.memory_space<vmem>> -> memref<128xi32, #tpu.memory_space<vmem>>
      %dma_start3A_56 = arith.constant 0 : i32
      %dma_start3A_57 = arith.constant 0 : i32
      %dma_start3A_58 = tpu.memref_slice %arg12[%dma_start3A_56, %dma_start3A_57] : memref<10240x128xf32, #tpu.memory_space<vmem_shared>> -> memref<10240x128xf32, #tpu.memory_space<vmem_shared>>
      tpu.enqueue_indirect_dma source(%arg9 : memref<128x128xf32, #tpu.memory_space<vmem>>) target(%dma_start3A_58 : memref<10240x128xf32, #tpu.memory_space<vmem_shared>>) offsets(%dma_start3A_55 : memref<128xi32, #tpu.memory_space<vmem>>) semaphore(%run_scoped3A_53 : memref<!tpu.dma_semaphore, #tpu.memory_space<semaphore_mem>>)
      %dma_wait3A = arith.constant 0 : i32
      %dma_wait3A_59 = tpu.memref_slice %arg8[%run_scoped3A, %dma_wait3A] : memref<5x128xi32, #tpu.memory_space<vmem>> -> memref<1x128xi32, #tpu.memory_space<vmem>>
      %dma_wait3A_60 = tpu.memref_squeeze %dma_wait3A_59 : memref<1x128xi32, #tpu.memory_space<vmem>> -> memref<128xi32, #tpu.memory_space<vmem>>
      %dma_wait3A_61 = arith.constant 0 : i32
      %dma_wait3A_62 = arith.constant 0 : i32
      %dma_wait3A_63 = tpu.memref_slice %arg12[%dma_wait3A_61, %dma_wait3A_62] : memref<10240x128xf32, #tpu.memory_space<vmem_shared>> -> memref<10240x128xf32, #tpu.memory_space<vmem_shared>>
      tpu.wait_indirect_dma semaphore(%run_scoped3A_53 : memref<!tpu.dma_semaphore, #tpu.memory_space<semaphore_mem>>) src(%arg9 : memref<128x128xf32, #tpu.memory_space<vmem>>) dst(%dma_wait3A_63 : memref<10240x128xf32, #tpu.memory_space<vmem_shared>>)
      tpu.yield
    }) : () -> ()
    %run_scoped3A_16 = arith.constant 1 : i32
    "tpu.region"() ({
      %run_scoped3A_53 = tpu.sem_alloc : memref<!tpu.dma_semaphore, #tpu.memory_space<semaphore_mem>>
      %dma_start3A = arith.constant 0 : i32
      %dma_start3A_54 = tpu.memref_slice %arg8[%run_scoped3A_16, %dma_start3A] : memref<5x128xi32, #tpu.memory_space<vmem>> -> memref<1x128xi32, #tpu.memory_space<vmem>>
      %dma_start3A_55 = tpu.memref_squeeze %dma_start3A_54 : memref<1x128xi32, #tpu.memory_space<vmem>> -> memref<128xi32, #tpu.memory_space<vmem>>
      %dma_start3A_56 = arith.constant 0 : i32
      %dma_start3A_57 = arith.constant 0 : i32
      %dma_start3A_58 = tpu.memref_slice %arg12[%dma_start3A_56, %dma_start3A_57] : memref<10240x128xf32, #tpu.memory_space<vmem_shared>> -> memref<10240x128xf32, #tpu.memory_space<vmem_shared>>
      tpu.enqueue_indirect_dma source(%arg9 : memref<128x128xf32, #tpu.memory_space<vmem>>) target(%dma_start3A_58 : memref<10240x128xf32, #tpu.memory_space<vmem_shared>>) offsets(%dma_start3A_55 : memref<128xi32, #tpu.memory_space<vmem>>) semaphore(%run_scoped3A_53 : memref<!tpu.dma_semaphore, #tpu.memory_space<semaphore_mem>>)
      %dma_wait3A = arith.constant 0 : i32
      %dma_wait3A_59 = tpu.memref_slice %arg8[%run_scoped3A_16, %dma_wait3A] : memref<5x128xi32, #tpu.memory_space<vmem>> -> memref<1x128xi32, #tpu.memory_space<vmem>>
      %dma_wait3A_60 = tpu.memref_squeeze %dma_wait3A_59 : memref<1x128xi32, #tpu.memory_space<vmem>> -> memref<128xi32, #tpu.memory_space<vmem>>
      %dma_wait3A_61 = arith.constant 0 : i32
      %dma_wait3A_62 = arith.constant 0 : i32
      %dma_wait3A_63 = tpu.memref_slice %arg12[%dma_wait3A_61, %dma_wait3A_62] : memref<10240x128xf32, #tpu.memory_space<vmem_shared>> -> memref<10240x128xf32, #tpu.memory_space<vmem_shared>>
      tpu.wait_indirect_dma semaphore(%run_scoped3A_53 : memref<!tpu.dma_semaphore, #tpu.memory_space<semaphore_mem>>) src(%arg9 : memref<128x128xf32, #tpu.memory_space<vmem>>) dst(%dma_wait3A_63 : memref<10240x128xf32, #tpu.memory_space<vmem_shared>>)
      tpu.yield
    }) : () -> ()
    %run_scoped3A_17 = arith.constant 2 : i32
    "tpu.region"() ({
      %run_scoped3A_53 = tpu.sem_alloc : memref<!tpu.dma_semaphore, #tpu.memory_space<semaphore_mem>>
      %dma_start3A = arith.constant 0 : i32
      %dma_start3A_54 = tpu.memref_slice %arg8[%run_scoped3A_17, %dma_start3A] : memref<5x128xi32, #tpu.memory_space<vmem>> -> memref<1x128xi32, #tpu.memory_space<vmem>>
      %dma_start3A_55 = tpu.memref_squeeze %dma_start3A_54 : memref<1x128xi32, #tpu.memory_space<vmem>> -> memref<128xi32, #tpu.memory_space<vmem>>
      %dma_start3A_56 = arith.constant 0 : i32
      %dma_start3A_57 = arith.constant 0 : i32
      %dma_start3A_58 = tpu.memref_slice %arg12[%dma_start3A_56, %dma_start3A_57] : memref<10240x128xf32, #tpu.memory_space<vmem_shared>> -> memref<10240x128xf32, #tpu.memory_space<vmem_shared>>
      tpu.enqueue_indirect_dma source(%arg9 : memref<128x128xf32, #tpu.memory_space<vmem>>) target(%dma_start3A_58 : memref<10240x128xf32, #tpu.memory_space<vmem_shared>>) offsets(%dma_start3A_55 : memref<128xi32, #tpu.memory_space<vmem>>) semaphore(%run_scoped3A_53 : memref<!tpu.dma_semaphore, #tpu.memory_space<semaphore_mem>>)
      %dma_wait3A = arith.constant 0 : i32
      %dma_wait3A_59 = tpu.memref_slice %arg8[%run_scoped3A_17, %dma_wait3A] : memref<5x128xi32, #tpu.memory_space<vmem>> -> memref<1x128xi32, #tpu.memory_space<vmem>>
      %dma_wait3A_60 = tpu.memref_squeeze %dma_wait3A_59 : memref<1x128xi32, #tpu.memory_space<vmem>> -> memref<128xi32, #tpu.memory_space<vmem>>
      %dma_wait3A_61 = arith.constant 0 : i32
      %dma_wait3A_62 = arith.constant 0 : i32
      %dma_wait3A_63 = tpu.memref_slice %arg12[%dma_wait3A_61, %dma_wait3A_62] : memref<10240x128xf32, #tpu.memory_space<vmem_shared>> -> memref<10240x128xf32, #tpu.memory_space<vmem_shared>>
      tpu.wait_indirect_dma semaphore(%run_scoped3A_53 : memref<!tpu.dma_semaphore, #tpu.memory_space<semaphore_mem>>) src(%arg9 : memref<128x128xf32, #tpu.memory_space<vmem>>) dst(%dma_wait3A_63 : memref<10240x128xf32, #tpu.memory_space<vmem_shared>>)
      tpu.yield
    }) : () -> ()
    %run_scoped3A_18 = arith.constant 3 : i32
    "tpu.region"() ({
      %run_scoped3A_53 = tpu.sem_alloc : memref<!tpu.dma_semaphore, #tpu.memory_space<semaphore_mem>>
      %dma_start3A = arith.constant 0 : i32
      %dma_start3A_54 = tpu.memref_slice %arg8[%run_scoped3A_18, %dma_start3A] : memref<5x128xi32, #tpu.memory_space<vmem>> -> memref<1x128xi32, #tpu.memory_space<vmem>>
      %dma_start3A_55 = tpu.memref_squeeze %dma_start3A_54 : memref<1x128xi32, #tpu.memory_space<vmem>> -> memref<128xi32, #tpu.memory_space<vmem>>
      %dma_start3A_56 = arith.constant 0 : i32
      %dma_start3A_57 = arith.constant 0 : i32
      %dma_start3A_58 = tpu.memref_slice %arg12[%dma_start3A_56, %dma_start3A_57] : memref<10240x128xf32, #tpu.memory_space<vmem_shared>> -> memref<10240x128xf32, #tpu.memory_space<vmem_shared>>
      tpu.enqueue_indirect_dma source(%arg9 : memref<128x128xf32, #tpu.memory_space<vmem>>) target(%dma_start3A_58 : memref<10240x128xf32, #tpu.memory_space<vmem_shared>>) offsets(%dma_start3A_55 : memref<128xi32, #tpu.memory_space<vmem>>) semaphore(%run_scoped3A_53 : memref<!tpu.dma_semaphore, #tpu.memory_space<semaphore_mem>>)
      %dma_wait3A = arith.constant 0 : i32
      %dma_wait3A_59 = tpu.memref_slice %arg8[%run_scoped3A_18, %dma_wait3A] : memref<5x128xi32, #tpu.memory_space<vmem>> -> memref<1x128xi32, #tpu.memory_space<vmem>>
      %dma_wait3A_60 = tpu.memref_squeeze %dma_wait3A_59 : memref<1x128xi32, #tpu.memory_space<vmem>> -> memref<128xi32, #tpu.memory_space<vmem>>
      %dma_wait3A_61 = arith.constant 0 : i32
      %dma_wait3A_62 = arith.constant 0 : i32
      %dma_wait3A_63 = tpu.memref_slice %arg12[%dma_wait3A_61, %dma_wait3A_62] : memref<10240x128xf32, #tpu.memory_space<vmem_shared>> -> memref<10240x128xf32, #tpu.memory_space<vmem_shared>>
      tpu.wait_indirect_dma semaphore(%run_scoped3A_53 : memref<!tpu.dma_semaphore, #tpu.memory_space<semaphore_mem>>) src(%arg9 : memref<128x128xf32, #tpu.memory_space<vmem>>) dst(%dma_wait3A_63 : memref<10240x128xf32, #tpu.memory_space<vmem_shared>>)
      tpu.yield
    }) : () -> ()
    %run_scoped3A_19 = arith.constant 4 : i32
    "tpu.region"() ({
      %run_scoped3A_53 = tpu.sem_alloc : memref<!tpu.dma_semaphore, #tpu.memory_space<semaphore_mem>>
      %dma_start3A = arith.constant 0 : i32
      %dma_start3A_54 = tpu.memref_slice %arg8[%run_scoped3A_19, %dma_start3A] : memref<5x128xi32, #tpu.memory_space<vmem>> -> memref<1x128xi32, #tpu.memory_space<vmem>>
      %dma_start3A_55 = tpu.memref_squeeze %dma_start3A_54 : memref<1x128xi32, #tpu.memory_space<vmem>> -> memref<128xi32, #tpu.memory_space<vmem>>
      %dma_start3A_56 = arith.constant 0 : i32
      %dma_start3A_57 = arith.constant 0 : i32
      %dma_start3A_58 = tpu.memref_slice %arg12[%dma_start3A_56, %dma_start3A_57] : memref<10240x128xf32, #tpu.memory_space<vmem_shared>> -> memref<10240x128xf32, #tpu.memory_space<vmem_shared>>
      tpu.enqueue_indirect_dma source(%arg9 : memref<128x128xf32, #tpu.memory_space<vmem>>) target(%dma_start3A_58 : memref<10240x128xf32, #tpu.memory_space<vmem_shared>>) offsets(%dma_start3A_55 : memref<128xi32, #tpu.memory_space<vmem>>) semaphore(%run_scoped3A_53 : memref<!tpu.dma_semaphore, #tpu.memory_space<semaphore_mem>>)
      %dma_wait3A = arith.constant 0 : i32
      %dma_wait3A_59 = tpu.memref_slice %arg8[%run_scoped3A_19, %dma_wait3A] : memref<5x128xi32, #tpu.memory_space<vmem>> -> memref<1x128xi32, #tpu.memory_space<vmem>>
      %dma_wait3A_60 = tpu.memref_squeeze %dma_wait3A_59 : memref<1x128xi32, #tpu.memory_space<vmem>> -> memref<128xi32, #tpu.memory_space<vmem>>
      %dma_wait3A_61 = arith.constant 0 : i32
      %dma_wait3A_62 = arith.constant 0 : i32
      %dma_wait3A_63 = tpu.memref_slice %arg12[%dma_wait3A_61, %dma_wait3A_62] : memref<10240x128xf32, #tpu.memory_space<vmem_shared>> -> memref<10240x128xf32, #tpu.memory_space<vmem_shared>>
      tpu.wait_indirect_dma semaphore(%run_scoped3A_53 : memref<!tpu.dma_semaphore, #tpu.memory_space<semaphore_mem>>) src(%arg9 : memref<128x128xf32, #tpu.memory_space<vmem>>) dst(%dma_wait3A_63 : memref<10240x128xf32, #tpu.memory_space<vmem_shared>>)
      tpu.yield
    }) : () -> ()
    %barrier3A = arith.constant 0 : index
    tpu.barrier barrier_id(%barrier3A)
    "tpu.region"() ({
      %run_scoped3A_53 = tpu.sem_alloc : memref<!tpu.dma_semaphore, #tpu.memory_space<semaphore_mem>>
      %dma_start3A = arith.constant 0 : i32
      %dma_start3A_54 = arith.constant 0 : i32
      %dma_start3A_55 = tpu.memref_slice %arg3[%add3A, %dma_start3A, %dma_start3A_54] : memref<32x158x64xi32, #tpu.memory_space<hbm>> -> memref<1x158x64xi32, #tpu.memory_space<hbm>>
      %dma_start3A_56 = tpu.memref_squeeze %dma_start3A_55 : memref<1x158x64xi32, #tpu.memory_space<hbm>> -> memref<158x64xi32, #tpu.memory_space<hbm>>
      %dma_start3A_57 = arith.constant 0 : i32
      %dma_start3A_58 = arith.constant 0 : i32
      %dma_start3A_59 = tpu.memref_slice %arg3[%add3A, %dma_start3A_57, %dma_start3A_58] : memref<32x158x64xi32, #tpu.memory_space<hbm>> -> memref<1x158x64xi32, #tpu.memory_space<hbm>>
      %dma_start3A_60 = tpu.memref_squeeze %dma_start3A_59 : memref<1x158x64xi32, #tpu.memory_space<hbm>> -> memref<158x64xi32, #tpu.memory_space<hbm>>
      tpu.enqueue_dma source(%dma_start3A_60 : memref<158x64xi32, #tpu.memory_space<hbm>>) target(%arg6 : memref<158x64xi32, #tpu.memory_space<vmem>>) target_semaphore(%run_scoped3A_53 : memref<!tpu.dma_semaphore, #tpu.memory_space<semaphore_mem>>)
      %dma_wait3A = arith.constant 0 : i32
      %dma_wait3A_61 = arith.constant 0 : i32
      %dma_wait3A_62 = tpu.memref_slice %arg3[%add3A, %dma_wait3A, %dma_wait3A_61] : memref<32x158x64xi32, #tpu.memory_space<hbm>> -> memref<1x158x64xi32, #tpu.memory_space<hbm>>
      %dma_wait3A_63 = tpu.memref_squeeze %dma_wait3A_62 : memref<1x158x64xi32, #tpu.memory_space<hbm>> -> memref<158x64xi32, #tpu.memory_space<hbm>>
      %dma_wait3A_64 = arith.constant 0 : i32
      %dma_wait3A_65 = arith.constant 0 : i32
      %dma_wait3A_66 = tpu.memref_slice %arg3[%add3A, %dma_wait3A_64, %dma_wait3A_65] : memref<32x158x64xi32, #tpu.memory_space<hbm>> -> memref<1x158x64xi32, #tpu.memory_space<hbm>>
      %dma_wait3A_67 = tpu.memref_squeeze %dma_wait3A_66 : memref<1x158x64xi32, #tpu.memory_space<hbm>> -> memref<158x64xi32, #tpu.memory_space<hbm>>
      tpu.wait_dma2 semaphore(%run_scoped3A_53 : memref<!tpu.dma_semaphore, #tpu.memory_space<semaphore_mem>>) src(%dma_wait3A_67 : memref<158x64xi32, #tpu.memory_space<hbm>>) dst(%arg6 : memref<158x64xi32, #tpu.memory_space<vmem>>)
      tpu.yield
    }) : () -> ()
    "tpu.region"() ({
      %run_scoped3A_53 = tpu.sem_alloc : memref<!tpu.dma_semaphore, #tpu.memory_space<semaphore_mem>>
      %dma_start3A = arith.constant 0 : i32
      %dma_start3A_54 = arith.constant 0 : i32
      %dma_start3A_55 = tpu.memref_slice %arg4[%add3A, %dma_start3A, %dma_start3A_54] : memref<32x79x128xi32, #tpu.memory_space<hbm>> -> memref<1x79x128xi32, #tpu.memory_space<hbm>>
      %dma_start3A_56 = tpu.memref_squeeze %dma_start3A_55 : memref<1x79x128xi32, #tpu.memory_space<hbm>> -> memref<79x128xi32, #tpu.memory_space<hbm>>
      %dma_start3A_57 = arith.constant 0 : i32
      %dma_start3A_58 = arith.constant 0 : i32
      %dma_start3A_59 = tpu.memref_slice %arg4[%add3A, %dma_start3A_57, %dma_start3A_58] : memref<32x79x128xi32, #tpu.memory_space<hbm>> -> memref<1x79x128xi32, #tpu.memory_space<hbm>>
      %dma_start3A_60 = tpu.memref_squeeze %dma_start3A_59 : memref<1x79x128xi32, #tpu.memory_space<hbm>> -> memref<79x128xi32, #tpu.memory_space<hbm>>
      tpu.enqueue_dma source(%dma_start3A_60 : memref<79x128xi32, #tpu.memory_space<hbm>>) target(%arg7 : memref<79x128xi32, #tpu.memory_space<vmem>>) target_semaphore(%run_scoped3A_53 : memref<!tpu.dma_semaphore, #tpu.memory_space<semaphore_mem>>)
      %dma_wait3A = arith.constant 0 : i32
      %dma_wait3A_61 = arith.constant 0 : i32
      %dma_wait3A_62 = tpu.memref_slice %arg4[%add3A, %dma_wait3A, %dma_wait3A_61] : memref<32x79x128xi32, #tpu.memory_space<hbm>> -> memref<1x79x128xi32, #tpu.memory_space<hbm>>
      %dma_wait3A_63 = tpu.memref_squeeze %dma_wait3A_62 : memref<1x79x128xi32, #tpu.memory_space<hbm>> -> memref<79x128xi32, #tpu.memory_space<hbm>>
      %dma_wait3A_64 = arith.constant 0 : i32
      %dma_wait3A_65 = arith.constant 0 : i32
      %dma_wait3A_66 = tpu.memref_slice %arg4[%add3A, %dma_wait3A_64, %dma_wait3A_65] : memref<32x79x128xi32, #tpu.memory_space<hbm>> -> memref<1x79x128xi32, #tpu.memory_space<hbm>>
      %dma_wait3A_67 = tpu.memref_squeeze %dma_wait3A_66 : memref<1x79x128xi32, #tpu.memory_space<hbm>> -> memref<79x128xi32, #tpu.memory_space<hbm>>
      tpu.wait_dma2 semaphore(%run_scoped3A_53 : memref<!tpu.dma_semaphore, #tpu.memory_space<semaphore_mem>>) src(%dma_wait3A_67 : memref<79x128xi32, #tpu.memory_space<hbm>>) dst(%arg7 : memref<79x128xi32, #tpu.memory_space<vmem>>)
      tpu.yield
    }) : () -> ()
    %scan3A_20 = arith.constant 0 : i32
    %scan3A_21 = arith.constant 0 : i32
    %scan3A_22 = arith.constant 79 : i32
    %scan3A_23 = arith.addi %scan3A_21, %scan3A_22 : i32
    %scan3A_24 = arith.constant 1 : i32
    %scan3A_25 = scf.for %scan3A_53 = %scan3A_21 to %scan3A_23 step %scan3A_24 iter_args(%scan3A_54 = %scan3A_20) -> (i32)  : i32 {
      %mul3A_55 = arith.constant 2 : i32
      %mul3A_56 = arith.muli %mul3A_55, %scan3A_53 : i32
      %dma_start3A = arith.constant 0 : i32
      %dma_start3A_57 = arith.constant 0 : i32
      %dma_start3A_58 = tpu.memref_slice %arg9[%dma_start3A, %dma_start3A_57] : memref<128x128xf32, #tpu.memory_space<vmem>> -> memref<64x128xf32, #tpu.memory_space<vmem>>
      %dma_start3A_59 = arith.constant 0 : i32
      %dma_start3A_60 = tpu.memref_slice %arg6[%mul3A_56, %dma_start3A_59] : memref<158x64xi32, #tpu.memory_space<vmem>> -> memref<1x64xi32, #tpu.memory_space<vmem>>
      %dma_start3A_61 = tpu.memref_squeeze %dma_start3A_60 : memref<1x64xi32, #tpu.memory_space<vmem>> -> memref<64xi32, #tpu.memory_space<vmem>>
      %dma_start3A_62 = arith.constant 0 : i32
      %dma_start3A_63 = arith.constant 0 : i32
      %dma_start3A_64 = tpu.memref_slice %arg2[%dma_start3A_62, %dma_start3A_63] : memref<10240x128xf32, #tpu.memory_space<hbm>> -> memref<10240x128xf32, #tpu.memory_space<hbm>>
      tpu.enqueue_indirect_dma source(%dma_start3A_64 : memref<10240x128xf32, #tpu.memory_space<hbm>>) target(%dma_start3A_58 : memref<64x128xf32, #tpu.memory_space<vmem>>) offsets(%dma_start3A_61 : memref<64xi32, #tpu.memory_space<vmem>>) semaphore(%arg10 : memref<!tpu.dma_semaphore, #tpu.memory_space<semaphore_mem>>)
      %mul3A_65 = arith.constant 2 : i32
      %mul3A_66 = arith.muli %mul3A_65, %scan3A_53 : i32
      %add3A_67 = arith.constant 1 : i32
      %add3A_68 = arith.addi %mul3A_66, %add3A_67 : i32
      %dma_start3A_69 = arith.constant 64 : i32
      %dma_start3A_70 = arith.constant 0 : i32
      %dma_start3A_71 = tpu.memref_slice %arg9[%dma_start3A_69, %dma_start3A_70] : memref<128x128xf32, #tpu.memory_space<vmem>> -> memref<64x128xf32, #tpu.memory_space<vmem>>
      %dma_start3A_72 = arith.constant 0 : i32
      %dma_start3A_73 = tpu.memref_slice %arg6[%add3A_68, %dma_start3A_72] : memref<158x64xi32, #tpu.memory_space<vmem>> -> memref<1x64xi32, #tpu.memory_space<vmem>>
      %dma_start3A_74 = tpu.memref_squeeze %dma_start3A_73 : memref<1x64xi32, #tpu.memory_space<vmem>> -> memref<64xi32, #tpu.memory_space<vmem>>
      %dma_start3A_75 = arith.constant 0 : i32
      %dma_start3A_76 = arith.constant 0 : i32
      %dma_start3A_77 = tpu.memref_slice %arg2[%dma_start3A_75, %dma_start3A_76] : memref<10240x128xf32, #tpu.memory_space<hbm>> -> memref<10240x128xf32, #tpu.memory_space<hbm>>
      tpu.enqueue_indirect_dma source(%dma_start3A_77 : memref<10240x128xf32, #tpu.memory_space<hbm>>) target(%dma_start3A_71 : memref<64x128xf32, #tpu.memory_space<vmem>>) offsets(%dma_start3A_74 : memref<64xi32, #tpu.memory_space<vmem>>) semaphore(%arg11 : memref<!tpu.dma_semaphore, #tpu.memory_space<semaphore_mem>>)
      %dma_wait3A = arith.constant 0 : i32
      %dma_wait3A_78 = arith.constant 0 : i32
      %dma_wait3A_79 = tpu.memref_slice %arg9[%dma_wait3A, %dma_wait3A_78] : memref<128x128xf32, #tpu.memory_space<vmem>> -> memref<64x128xf32, #tpu.memory_space<vmem>>
      %dma_wait3A_80 = arith.constant 0 : i32
      %dma_wait3A_81 = tpu.memref_slice %arg6[%mul3A_56, %dma_wait3A_80] : memref<158x64xi32, #tpu.memory_space<vmem>> -> memref<1x64xi32, #tpu.memory_space<vmem>>
      %dma_wait3A_82 = tpu.memref_squeeze %dma_wait3A_81 : memref<1x64xi32, #tpu.memory_space<vmem>> -> memref<64xi32, #tpu.memory_space<vmem>>
      %dma_wait3A_83 = arith.constant 0 : i32
      %dma_wait3A_84 = arith.constant 0 : i32
      %dma_wait3A_85 = tpu.memref_slice %arg2[%dma_wait3A_83, %dma_wait3A_84] : memref<10240x128xf32, #tpu.memory_space<hbm>> -> memref<10240x128xf32, #tpu.memory_space<hbm>>
      tpu.wait_indirect_dma semaphore(%arg10 : memref<!tpu.dma_semaphore, #tpu.memory_space<semaphore_mem>>) src(%dma_wait3A_85 : memref<10240x128xf32, #tpu.memory_space<hbm>>) dst(%dma_wait3A_79 : memref<64x128xf32, #tpu.memory_space<vmem>>)
      %dma_wait3A_86 = arith.constant 64 : i32
      %dma_wait3A_87 = arith.constant 0 : i32
      %dma_wait3A_88 = tpu.memref_slice %arg9[%dma_wait3A_86, %dma_wait3A_87] : memref<128x128xf32, #tpu.memory_space<vmem>> -> memref<64x128xf32, #tpu.memory_space<vmem>>
      %dma_wait3A_89 = arith.constant 0 : i32
      %dma_wait3A_90 = tpu.memref_slice %arg6[%add3A_68, %dma_wait3A_89] : memref<158x64xi32, #tpu.memory_space<vmem>> -> memref<1x64xi32, #tpu.memory_space<vmem>>
      %dma_wait3A_91 = tpu.memref_squeeze %dma_wait3A_90 : memref<1x64xi32, #tpu.memory_space<vmem>> -> memref<64xi32, #tpu.memory_space<vmem>>
      %dma_wait3A_92 = arith.constant 0 : i32
      %dma_wait3A_93 = arith.constant 0 : i32
      %dma_wait3A_94 = tpu.memref_slice %arg2[%dma_wait3A_92, %dma_wait3A_93] : memref<10240x128xf32, #tpu.memory_space<hbm>> -> memref<10240x128xf32, #tpu.memory_space<hbm>>
      tpu.wait_indirect_dma semaphore(%arg11 : memref<!tpu.dma_semaphore, #tpu.memory_space<semaphore_mem>>) src(%dma_wait3A_94 : memref<10240x128xf32, #tpu.memory_space<hbm>>) dst(%dma_wait3A_88 : memref<64x128xf32, #tpu.memory_space<vmem>>)
      "tpu.region"() ({
        %run_scoped3A_96 = tpu.sem_alloc : memref<!tpu.dma_semaphore, #tpu.memory_space<semaphore_mem>>
        %dma_start3A_97 = arith.constant 0 : i32
        %dma_start3A_98 = tpu.memref_slice %arg7[%scan3A_53, %dma_start3A_97] : memref<79x128xi32, #tpu.memory_space<vmem>> -> memref<1x128xi32, #tpu.memory_space<vmem>>
        %dma_start3A_99 = tpu.memref_squeeze %dma_start3A_98 : memref<1x128xi32, #tpu.memory_space<vmem>> -> memref<128xi32, #tpu.memory_space<vmem>>
        %dma_start3A_100 = arith.constant 0 : i32
        %dma_start3A_101 = arith.constant 0 : i32
        %dma_start3A_102 = tpu.memref_slice %arg12[%dma_start3A_100, %dma_start3A_101] : memref<10240x128xf32, #tpu.memory_space<vmem_shared>> -> memref<10240x128xf32, #tpu.memory_space<vmem_shared>>
        tpu.enqueue_indirect_dma source(%arg9 : memref<128x128xf32, #tpu.memory_space<vmem>>) target(%dma_start3A_102 : memref<10240x128xf32, #tpu.memory_space<vmem_shared>>) offsets(%dma_start3A_99 : memref<128xi32, #tpu.memory_space<vmem>>) semaphore(%run_scoped3A_96 : memref<!tpu.dma_semaphore, #tpu.memory_space<semaphore_mem>>) {add = true}
        %dma_wait3A_103 = arith.constant 0 : i32
        %dma_wait3A_104 = tpu.memref_slice %arg7[%scan3A_53, %dma_wait3A_103] : memref<79x128xi32, #tpu.memory_space<vmem>> -> memref<1x128xi32, #tpu.memory_space<vmem>>
        %dma_wait3A_105 = tpu.memref_squeeze %dma_wait3A_104 : memref<1x128xi32, #tpu.memory_space<vmem>> -> memref<128xi32, #tpu.memory_space<vmem>>
        %dma_wait3A_106 = arith.constant 0 : i32
        %dma_wait3A_107 = arith.constant 0 : i32
        %dma_wait3A_108 = tpu.memref_slice %arg12[%dma_wait3A_106, %dma_wait3A_107] : memref<10240x128xf32, #tpu.memory_space<vmem_shared>> -> memref<10240x128xf32, #tpu.memory_space<vmem_shared>>
        tpu.wait_indirect_dma semaphore(%run_scoped3A_96 : memref<!tpu.dma_semaphore, #tpu.memory_space<semaphore_mem>>) src(%arg9 : memref<128x128xf32, #tpu.memory_space<vmem>>) dst(%dma_wait3A_108 : memref<10240x128xf32, #tpu.memory_space<vmem_shared>>)
        tpu.yield
      }) : () -> ()
      %scan3A_95 = arith.constant 0 : i32
      scf.yield %scan3A_95 : i32
    }
    %scan3A_26 = arith.constant 79 : i32
    %barrier3A_27 = arith.constant 0 : index
    tpu.barrier barrier_id(%barrier3A_27)
    %run_scoped3A_28 = arith.constant 0 : i32
    "tpu.region"() ({
      %run_scoped3A_53 = tpu.sem_alloc : memref<!tpu.dma_semaphore, #tpu.memory_space<semaphore_mem>>
      %dma_start3A = arith.constant 0 : i32
      %dma_start3A_54 = tpu.memref_slice %arg8[%run_scoped3A_28, %dma_start3A] : memref<5x128xi32, #tpu.memory_space<vmem>> -> memref<1x128xi32, #tpu.memory_space<vmem>>
      %dma_start3A_55 = tpu.memref_squeeze %dma_start3A_54 : memref<1x128xi32, #tpu.memory_space<vmem>> -> memref<128xi32, #tpu.memory_space<vmem>>
      %dma_start3A_56 = arith.constant 0 : i32
      %dma_start3A_57 = arith.constant 0 : i32
      %dma_start3A_58 = tpu.memref_slice %arg12[%dma_start3A_56, %dma_start3A_57] : memref<10240x128xf32, #tpu.memory_space<vmem_shared>> -> memref<10240x128xf32, #tpu.memory_space<vmem_shared>>
      tpu.enqueue_indirect_dma source(%dma_start3A_58 : memref<10240x128xf32, #tpu.memory_space<vmem_shared>>) target(%arg9 : memref<128x128xf32, #tpu.memory_space<vmem>>) offsets(%dma_start3A_55 : memref<128xi32, #tpu.memory_space<vmem>>) semaphore(%run_scoped3A_53 : memref<!tpu.dma_semaphore, #tpu.memory_space<semaphore_mem>>)
      %dma_wait3A = arith.constant 0 : i32
      %dma_wait3A_59 = tpu.memref_slice %arg8[%run_scoped3A_28, %dma_wait3A] : memref<5x128xi32, #tpu.memory_space<vmem>> -> memref<1x128xi32, #tpu.memory_space<vmem>>
      %dma_wait3A_60 = tpu.memref_squeeze %dma_wait3A_59 : memref<1x128xi32, #tpu.memory_space<vmem>> -> memref<128xi32, #tpu.memory_space<vmem>>
      %dma_wait3A_61 = arith.constant 0 : i32
      %dma_wait3A_62 = arith.constant 0 : i32
      %dma_wait3A_63 = tpu.memref_slice %arg12[%dma_wait3A_61, %dma_wait3A_62] : memref<10240x128xf32, #tpu.memory_space<vmem_shared>> -> memref<10240x128xf32, #tpu.memory_space<vmem_shared>>
      tpu.wait_indirect_dma semaphore(%run_scoped3A_53 : memref<!tpu.dma_semaphore, #tpu.memory_space<semaphore_mem>>) src(%dma_wait3A_63 : memref<10240x128xf32, #tpu.memory_space<vmem_shared>>) dst(%arg9 : memref<128x128xf32, #tpu.memory_space<vmem>>)
      tpu.yield
    }) : () -> ()
    %mul3A_29 = arith.constant 640 : i32
    %mul3A_30 = arith.muli %arg1, %mul3A_29 : i32
    %add3A_31 = arith.constant 0 : i32
    %add3A_32 = arith.addi %mul3A_30, %add3A_31 : i32
    "tpu.region"() ({
      %run_scoped3A_53 = tpu.sem_alloc : memref<!tpu.dma_semaphore, #tpu.memory_space<semaphore_mem>>
      %dma_start3A = arith.constant 0 : i32
      %dma_start3A_54 = tpu.memref_slice %arg5[%arg0, %add3A_32, %dma_start3A] : memref<2x10240x128xf32, #tpu.memory_space<hbm>> -> memref<1x128x128xf32, #tpu.memory_space<hbm>>
      %dma_start3A_55 = tpu.memref_squeeze %dma_start3A_54 : memref<1x128x128xf32, #tpu.memory_space<hbm>> -> memref<128x128xf32, #tpu.memory_space<hbm>>
      %dma_start3A_56 = arith.constant 0 : i32
      %dma_start3A_57 = tpu.memref_slice %arg5[%arg0, %add3A_32, %dma_start3A_56] : memref<2x10240x128xf32, #tpu.memory_space<hbm>> -> memref<1x128x128xf32, #tpu.memory_space<hbm>>
      %dma_start3A_58 = tpu.memref_squeeze %dma_start3A_57 : memref<1x128x128xf32, #tpu.memory_space<hbm>> -> memref<128x128xf32, #tpu.memory_space<hbm>>
      tpu.enqueue_dma source(%arg9 : memref<128x128xf32, #tpu.memory_space<vmem>>) target(%dma_start3A_58 : memref<128x128xf32, #tpu.memory_space<hbm>>) target_semaphore(%run_scoped3A_53 : memref<!tpu.dma_semaphore, #tpu.memory_space<semaphore_mem>>)
      %dma_wait3A = arith.constant 0 : i32
      %dma_wait3A_59 = tpu.memref_slice %arg5[%arg0, %add3A_32, %dma_wait3A] : memref<2x10240x128xf32, #tpu.memory_space<hbm>> -> memref<1x128x128xf32, #tpu.memory_space<hbm>>
      %dma_wait3A_60 = tpu.memref_squeeze %dma_wait3A_59 : memref<1x128x128xf32, #tpu.memory_space<hbm>> -> memref<128x128xf32, #tpu.memory_space<hbm>>
      %dma_wait3A_61 = arith.constant 0 : i32
      %dma_wait3A_62 = tpu.memref_slice %arg5[%arg0, %add3A_32, %dma_wait3A_61] : memref<2x10240x128xf32, #tpu.memory_space<hbm>> -> memref<1x128x128xf32, #tpu.memory_space<hbm>>
      %dma_wait3A_63 = tpu.memref_squeeze %dma_wait3A_62 : memref<1x128x128xf32, #tpu.memory_space<hbm>> -> memref<128x128xf32, #tpu.memory_space<hbm>>
      tpu.wait_dma2 semaphore(%run_scoped3A_53 : memref<!tpu.dma_semaphore, #tpu.memory_space<semaphore_mem>>) src(%arg9 : memref<128x128xf32, #tpu.memory_space<vmem>>) dst(%dma_wait3A_63 : memref<128x128xf32, #tpu.memory_space<hbm>>)
      tpu.yield
    }) : () -> ()
    %run_scoped3A_33 = arith.constant 1 : i32
    "tpu.region"() ({
      %run_scoped3A_53 = tpu.sem_alloc : memref<!tpu.dma_semaphore, #tpu.memory_space<semaphore_mem>>
      %dma_start3A = arith.constant 0 : i32
      %dma_start3A_54 = tpu.memref_slice %arg8[%run_scoped3A_33, %dma_start3A] : memref<5x128xi32, #tpu.memory_space<vmem>> -> memref<1x128xi32, #tpu.memory_space<vmem>>
      %dma_start3A_55 = tpu.memref_squeeze %dma_start3A_54 : memref<1x128xi32, #tpu.memory_space<vmem>> -> memref<128xi32, #tpu.memory_space<vmem>>
      %dma_start3A_56 = arith.constant 0 : i32
      %dma_start3A_57 = arith.constant 0 : i32
      %dma_start3A_58 = tpu.memref_slice %arg12[%dma_start3A_56, %dma_start3A_57] : memref<10240x128xf32, #tpu.memory_space<vmem_shared>> -> memref<10240x128xf32, #tpu.memory_space<vmem_shared>>
      tpu.enqueue_indirect_dma source(%dma_start3A_58 : memref<10240x128xf32, #tpu.memory_space<vmem_shared>>) target(%arg9 : memref<128x128xf32, #tpu.memory_space<vmem>>) offsets(%dma_start3A_55 : memref<128xi32, #tpu.memory_space<vmem>>) semaphore(%run_scoped3A_53 : memref<!tpu.dma_semaphore, #tpu.memory_space<semaphore_mem>>)
      %dma_wait3A = arith.constant 0 : i32
      %dma_wait3A_59 = tpu.memref_slice %arg8[%run_scoped3A_33, %dma_wait3A] : memref<5x128xi32, #tpu.memory_space<vmem>> -> memref<1x128xi32, #tpu.memory_space<vmem>>
      %dma_wait3A_60 = tpu.memref_squeeze %dma_wait3A_59 : memref<1x128xi32, #tpu.memory_space<vmem>> -> memref<128xi32, #tpu.memory_space<vmem>>
      %dma_wait3A_61 = arith.constant 0 : i32
      %dma_wait3A_62 = arith.constant 0 : i32
      %dma_wait3A_63 = tpu.memref_slice %arg12[%dma_wait3A_61, %dma_wait3A_62] : memref<10240x128xf32, #tpu.memory_space<vmem_shared>> -> memref<10240x128xf32, #tpu.memory_space<vmem_shared>>
      tpu.wait_indirect_dma semaphore(%run_scoped3A_53 : memref<!tpu.dma_semaphore, #tpu.memory_space<semaphore_mem>>) src(%dma_wait3A_63 : memref<10240x128xf32, #tpu.memory_space<vmem_shared>>) dst(%arg9 : memref<128x128xf32, #tpu.memory_space<vmem>>)
      tpu.yield
    }) : () -> ()
    %mul3A_34 = arith.constant 640 : i32
    %mul3A_35 = arith.muli %arg1, %mul3A_34 : i32
    %add3A_36 = arith.constant 128 : i32
    %add3A_37 = arith.addi %mul3A_35, %add3A_36 : i32
    "tpu.region"() ({
      %run_scoped3A_53 = tpu.sem_alloc : memref<!tpu.dma_semaphore, #tpu.memory_space<semaphore_mem>>
      %dma_start3A = arith.constant 0 : i32
      %dma_start3A_54 = tpu.memref_slice %arg5[%arg0, %add3A_37, %dma_start3A] : memref<2x10240x128xf32, #tpu.memory_space<hbm>> -> memref<1x128x128xf32, #tpu.memory_space<hbm>>
      %dma_start3A_55 = tpu.memref_squeeze %dma_start3A_54 : memref<1x128x128xf32, #tpu.memory_space<hbm>> -> memref<128x128xf32, #tpu.memory_space<hbm>>
      %dma_start3A_56 = arith.constant 0 : i32
      %dma_start3A_57 = tpu.memref_slice %arg5[%arg0, %add3A_37, %dma_start3A_56] : memref<2x10240x128xf32, #tpu.memory_space<hbm>> -> memref<1x128x128xf32, #tpu.memory_space<hbm>>
      %dma_start3A_58 = tpu.memref_squeeze %dma_start3A_57 : memref<1x128x128xf32, #tpu.memory_space<hbm>> -> memref<128x128xf32, #tpu.memory_space<hbm>>
      tpu.enqueue_dma source(%arg9 : memref<128x128xf32, #tpu.memory_space<vmem>>) target(%dma_start3A_58 : memref<128x128xf32, #tpu.memory_space<hbm>>) target_semaphore(%run_scoped3A_53 : memref<!tpu.dma_semaphore, #tpu.memory_space<semaphore_mem>>)
      %dma_wait3A = arith.constant 0 : i32
      %dma_wait3A_59 = tpu.memref_slice %arg5[%arg0, %add3A_37, %dma_wait3A] : memref<2x10240x128xf32, #tpu.memory_space<hbm>> -> memref<1x128x128xf32, #tpu.memory_space<hbm>>
      %dma_wait3A_60 = tpu.memref_squeeze %dma_wait3A_59 : memref<1x128x128xf32, #tpu.memory_space<hbm>> -> memref<128x128xf32, #tpu.memory_space<hbm>>
      %dma_wait3A_61 = arith.constant 0 : i32
      %dma_wait3A_62 = tpu.memref_slice %arg5[%arg0, %add3A_37, %dma_wait3A_61] : memref<2x10240x128xf32, #tpu.memory_space<hbm>> -> memref<1x128x128xf32, #tpu.memory_space<hbm>>
      %dma_wait3A_63 = tpu.memref_squeeze %dma_wait3A_62 : memref<1x128x128xf32, #tpu.memory_space<hbm>> -> memref<128x128xf32, #tpu.memory_space<hbm>>
      tpu.wait_dma2 semaphore(%run_scoped3A_53 : memref<!tpu.dma_semaphore, #tpu.memory_space<semaphore_mem>>) src(%arg9 : memref<128x128xf32, #tpu.memory_space<vmem>>) dst(%dma_wait3A_63 : memref<128x128xf32, #tpu.memory_space<hbm>>)
      tpu.yield
    }) : () -> ()
    %run_scoped3A_38 = arith.constant 2 : i32
    "tpu.region"() ({
      %run_scoped3A_53 = tpu.sem_alloc : memref<!tpu.dma_semaphore, #tpu.memory_space<semaphore_mem>>
      %dma_start3A = arith.constant 0 : i32
      %dma_start3A_54 = tpu.memref_slice %arg8[%run_scoped3A_38, %dma_start3A] : memref<5x128xi32, #tpu.memory_space<vmem>> -> memref<1x128xi32, #tpu.memory_space<vmem>>
      %dma_start3A_55 = tpu.memref_squeeze %dma_start3A_54 : memref<1x128xi32, #tpu.memory_space<vmem>> -> memref<128xi32, #tpu.memory_space<vmem>>
      %dma_start3A_56 = arith.constant 0 : i32
      %dma_start3A_57 = arith.constant 0 : i32
      %dma_start3A_58 = tpu.memref_slice %arg12[%dma_start3A_56, %dma_start3A_57] : memref<10240x128xf32, #tpu.memory_space<vmem_shared>> -> memref<10240x128xf32, #tpu.memory_space<vmem_shared>>
      tpu.enqueue_indirect_dma source(%dma_start3A_58 : memref<10240x128xf32, #tpu.memory_space<vmem_shared>>) target(%arg9 : memref<128x128xf32, #tpu.memory_space<vmem>>) offsets(%dma_start3A_55 : memref<128xi32, #tpu.memory_space<vmem>>) semaphore(%run_scoped3A_53 : memref<!tpu.dma_semaphore, #tpu.memory_space<semaphore_mem>>)
      %dma_wait3A = arith.constant 0 : i32
      %dma_wait3A_59 = tpu.memref_slice %arg8[%run_scoped3A_38, %dma_wait3A] : memref<5x128xi32, #tpu.memory_space<vmem>> -> memref<1x128xi32, #tpu.memory_space<vmem>>
      %dma_wait3A_60 = tpu.memref_squeeze %dma_wait3A_59 : memref<1x128xi32, #tpu.memory_space<vmem>> -> memref<128xi32, #tpu.memory_space<vmem>>
      %dma_wait3A_61 = arith.constant 0 : i32
      %dma_wait3A_62 = arith.constant 0 : i32
      %dma_wait3A_63 = tpu.memref_slice %arg12[%dma_wait3A_61, %dma_wait3A_62] : memref<10240x128xf32, #tpu.memory_space<vmem_shared>> -> memref<10240x128xf32, #tpu.memory_space<vmem_shared>>
      tpu.wait_indirect_dma semaphore(%run_scoped3A_53 : memref<!tpu.dma_semaphore, #tpu.memory_space<semaphore_mem>>) src(%dma_wait3A_63 : memref<10240x128xf32, #tpu.memory_space<vmem_shared>>) dst(%arg9 : memref<128x128xf32, #tpu.memory_space<vmem>>)
      tpu.yield
    }) : () -> ()
    %mul3A_39 = arith.constant 640 : i32
    %mul3A_40 = arith.muli %arg1, %mul3A_39 : i32
    %add3A_41 = arith.constant 256 : i32
    %add3A_42 = arith.addi %mul3A_40, %add3A_41 : i32
    "tpu.region"() ({
      %run_scoped3A_53 = tpu.sem_alloc : memref<!tpu.dma_semaphore, #tpu.memory_space<semaphore_mem>>
      %dma_start3A = arith.constant 0 : i32
      %dma_start3A_54 = tpu.memref_slice %arg5[%arg0, %add3A_42, %dma_start3A] : memref<2x10240x128xf32, #tpu.memory_space<hbm>> -> memref<1x128x128xf32, #tpu.memory_space<hbm>>
      %dma_start3A_55 = tpu.memref_squeeze %dma_start3A_54 : memref<1x128x128xf32, #tpu.memory_space<hbm>> -> memref<128x128xf32, #tpu.memory_space<hbm>>
      %dma_start3A_56 = arith.constant 0 : i32
      %dma_start3A_57 = tpu.memref_slice %arg5[%arg0, %add3A_42, %dma_start3A_56] : memref<2x10240x128xf32, #tpu.memory_space<hbm>> -> memref<1x128x128xf32, #tpu.memory_space<hbm>>
      %dma_start3A_58 = tpu.memref_squeeze %dma_start3A_57 : memref<1x128x128xf32, #tpu.memory_space<hbm>> -> memref<128x128xf32, #tpu.memory_space<hbm>>
      tpu.enqueue_dma source(%arg9 : memref<128x128xf32, #tpu.memory_space<vmem>>) target(%dma_start3A_58 : memref<128x128xf32, #tpu.memory_space<hbm>>) target_semaphore(%run_scoped3A_53 : memref<!tpu.dma_semaphore, #tpu.memory_space<semaphore_mem>>)
      %dma_wait3A = arith.constant 0 : i32
      %dma_wait3A_59 = tpu.memref_slice %arg5[%arg0, %add3A_42, %dma_wait3A] : memref<2x10240x128xf32, #tpu.memory_space<hbm>> -> memref<1x128x128xf32, #tpu.memory_space<hbm>>
      %dma_wait3A_60 = tpu.memref_squeeze %dma_wait3A_59 : memref<1x128x128xf32, #tpu.memory_space<hbm>> -> memref<128x128xf32, #tpu.memory_space<hbm>>
      %dma_wait3A_61 = arith.constant 0 : i32
      %dma_wait3A_62 = tpu.memref_slice %arg5[%arg0, %add3A_42, %dma_wait3A_61] : memref<2x10240x128xf32, #tpu.memory_space<hbm>> -> memref<1x128x128xf32, #tpu.memory_space<hbm>>
      %dma_wait3A_63 = tpu.memref_squeeze %dma_wait3A_62 : memref<1x128x128xf32, #tpu.memory_space<hbm>> -> memref<128x128xf32, #tpu.memory_space<hbm>>
      tpu.wait_dma2 semaphore(%run_scoped3A_53 : memref<!tpu.dma_semaphore, #tpu.memory_space<semaphore_mem>>) src(%arg9 : memref<128x128xf32, #tpu.memory_space<vmem>>) dst(%dma_wait3A_63 : memref<128x128xf32, #tpu.memory_space<hbm>>)
      tpu.yield
    }) : () -> ()
    %run_scoped3A_43 = arith.constant 3 : i32
    "tpu.region"() ({
      %run_scoped3A_53 = tpu.sem_alloc : memref<!tpu.dma_semaphore, #tpu.memory_space<semaphore_mem>>
      %dma_start3A = arith.constant 0 : i32
      %dma_start3A_54 = tpu.memref_slice %arg8[%run_scoped3A_43, %dma_start3A] : memref<5x128xi32, #tpu.memory_space<vmem>> -> memref<1x128xi32, #tpu.memory_space<vmem>>
      %dma_start3A_55 = tpu.memref_squeeze %dma_start3A_54 : memref<1x128xi32, #tpu.memory_space<vmem>> -> memref<128xi32, #tpu.memory_space<vmem>>
      %dma_start3A_56 = arith.constant 0 : i32
      %dma_start3A_57 = arith.constant 0 : i32
      %dma_start3A_58 = tpu.memref_slice %arg12[%dma_start3A_56, %dma_start3A_57] : memref<10240x128xf32, #tpu.memory_space<vmem_shared>> -> memref<10240x128xf32, #tpu.memory_space<vmem_shared>>
      tpu.enqueue_indirect_dma source(%dma_start3A_58 : memref<10240x128xf32, #tpu.memory_space<vmem_shared>>) target(%arg9 : memref<128x128xf32, #tpu.memory_space<vmem>>) offsets(%dma_start3A_55 : memref<128xi32, #tpu.memory_space<vmem>>) semaphore(%run_scoped3A_53 : memref<!tpu.dma_semaphore, #tpu.memory_space<semaphore_mem>>)
      %dma_wait3A = arith.constant 0 : i32
      %dma_wait3A_59 = tpu.memref_slice %arg8[%run_scoped3A_43, %dma_wait3A] : memref<5x128xi32, #tpu.memory_space<vmem>> -> memref<1x128xi32, #tpu.memory_space<vmem>>
      %dma_wait3A_60 = tpu.memref_squeeze %dma_wait3A_59 : memref<1x128xi32, #tpu.memory_space<vmem>> -> memref<128xi32, #tpu.memory_space<vmem>>
      %dma_wait3A_61 = arith.constant 0 : i32
      %dma_wait3A_62 = arith.constant 0 : i32
      %dma_wait3A_63 = tpu.memref_slice %arg12[%dma_wait3A_61, %dma_wait3A_62] : memref<10240x128xf32, #tpu.memory_space<vmem_shared>> -> memref<10240x128xf32, #tpu.memory_space<vmem_shared>>
      tpu.wait_indirect_dma semaphore(%run_scoped3A_53 : memref<!tpu.dma_semaphore, #tpu.memory_space<semaphore_mem>>) src(%dma_wait3A_63 : memref<10240x128xf32, #tpu.memory_space<vmem_shared>>) dst(%arg9 : memref<128x128xf32, #tpu.memory_space<vmem>>)
      tpu.yield
    }) : () -> ()
    %mul3A_44 = arith.constant 640 : i32
    %mul3A_45 = arith.muli %arg1, %mul3A_44 : i32
    %add3A_46 = arith.constant 384 : i32
    %add3A_47 = arith.addi %mul3A_45, %add3A_46 : i32
    "tpu.region"() ({
      %run_scoped3A_53 = tpu.sem_alloc : memref<!tpu.dma_semaphore, #tpu.memory_space<semaphore_mem>>
      %dma_start3A = arith.constant 0 : i32
      %dma_start3A_54 = tpu.memref_slice %arg5[%arg0, %add3A_47, %dma_start3A] : memref<2x10240x128xf32, #tpu.memory_space<hbm>> -> memref<1x128x128xf32, #tpu.memory_space<hbm>>
      %dma_start3A_55 = tpu.memref_squeeze %dma_start3A_54 : memref<1x128x128xf32, #tpu.memory_space<hbm>> -> memref<128x128xf32, #tpu.memory_space<hbm>>
      %dma_start3A_56 = arith.constant 0 : i32
      %dma_start3A_57 = tpu.memref_slice %arg5[%arg0, %add3A_47, %dma_start3A_56] : memref<2x10240x128xf32, #tpu.memory_space<hbm>> -> memref<1x128x128xf32, #tpu.memory_space<hbm>>
      %dma_start3A_58 = tpu.memref_squeeze %dma_start3A_57 : memref<1x128x128xf32, #tpu.memory_space<hbm>> -> memref<128x128xf32, #tpu.memory_space<hbm>>
      tpu.enqueue_dma source(%arg9 : memref<128x128xf32, #tpu.memory_space<vmem>>) target(%dma_start3A_58 : memref<128x128xf32, #tpu.memory_space<hbm>>) target_semaphore(%run_scoped3A_53 : memref<!tpu.dma_semaphore, #tpu.memory_space<semaphore_mem>>)
      %dma_wait3A = arith.constant 0 : i32
      %dma_wait3A_59 = tpu.memref_slice %arg5[%arg0, %add3A_47, %dma_wait3A] : memref<2x10240x128xf32, #tpu.memory_space<hbm>> -> memref<1x128x128xf32, #tpu.memory_space<hbm>>
      %dma_wait3A_60 = tpu.memref_squeeze %dma_wait3A_59 : memref<1x128x128xf32, #tpu.memory_space<hbm>> -> memref<128x128xf32, #tpu.memory_space<hbm>>
      %dma_wait3A_61 = arith.constant 0 : i32
      %dma_wait3A_62 = tpu.memref_slice %arg5[%arg0, %add3A_47, %dma_wait3A_61] : memref<2x10240x128xf32, #tpu.memory_space<hbm>> -> memref<1x128x128xf32, #tpu.memory_space<hbm>>
      %dma_wait3A_63 = tpu.memref_squeeze %dma_wait3A_62 : memref<1x128x128xf32, #tpu.memory_space<hbm>> -> memref<128x128xf32, #tpu.memory_space<hbm>>
      tpu.wait_dma2 semaphore(%run_scoped3A_53 : memref<!tpu.dma_semaphore, #tpu.memory_space<semaphore_mem>>) src(%arg9 : memref<128x128xf32, #tpu.memory_space<vmem>>) dst(%dma_wait3A_63 : memref<128x128xf32, #tpu.memory_space<hbm>>)
      tpu.yield
    }) : () -> ()
    %run_scoped3A_48 = arith.constant 4 : i32
    "tpu.region"() ({
      %run_scoped3A_53 = tpu.sem_alloc : memref<!tpu.dma_semaphore, #tpu.memory_space<semaphore_mem>>
      %dma_start3A = arith.constant 0 : i32
      %dma_start3A_54 = tpu.memref_slice %arg8[%run_scoped3A_48, %dma_start3A] : memref<5x128xi32, #tpu.memory_space<vmem>> -> memref<1x128xi32, #tpu.memory_space<vmem>>
      %dma_start3A_55 = tpu.memref_squeeze %dma_start3A_54 : memref<1x128xi32, #tpu.memory_space<vmem>> -> memref<128xi32, #tpu.memory_space<vmem>>
      %dma_start3A_56 = arith.constant 0 : i32
      %dma_start3A_57 = arith.constant 0 : i32
      %dma_start3A_58 = tpu.memref_slice %arg12[%dma_start3A_56, %dma_start3A_57] : memref<10240x128xf32, #tpu.memory_space<vmem_shared>> -> memref<10240x128xf32, #tpu.memory_space<vmem_shared>>
      tpu.enqueue_indirect_dma source(%dma_start3A_58 : memref<10240x128xf32, #tpu.memory_space<vmem_shared>>) target(%arg9 : memref<128x128xf32, #tpu.memory_space<vmem>>) offsets(%dma_start3A_55 : memref<128xi32, #tpu.memory_space<vmem>>) semaphore(%run_scoped3A_53 : memref<!tpu.dma_semaphore, #tpu.memory_space<semaphore_mem>>)
      %dma_wait3A = arith.constant 0 : i32
      %dma_wait3A_59 = tpu.memref_slice %arg8[%run_scoped3A_48, %dma_wait3A] : memref<5x128xi32, #tpu.memory_space<vmem>> -> memref<1x128xi32, #tpu.memory_space<vmem>>
      %dma_wait3A_60 = tpu.memref_squeeze %dma_wait3A_59 : memref<1x128xi32, #tpu.memory_space<vmem>> -> memref<128xi32, #tpu.memory_space<vmem>>
      %dma_wait3A_61 = arith.constant 0 : i32
      %dma_wait3A_62 = arith.constant 0 : i32
      %dma_wait3A_63 = tpu.memref_slice %arg12[%dma_wait3A_61, %dma_wait3A_62] : memref<10240x128xf32, #tpu.memory_space<vmem_shared>> -> memref<10240x128xf32, #tpu.memory_space<vmem_shared>>
      tpu.wait_indirect_dma semaphore(%run_scoped3A_53 : memref<!tpu.dma_semaphore, #tpu.memory_space<semaphore_mem>>) src(%dma_wait3A_63 : memref<10240x128xf32, #tpu.memory_space<vmem_shared>>) dst(%arg9 : memref<128x128xf32, #tpu.memory_space<vmem>>)
      tpu.yield
    }) : () -> ()
    %mul3A_49 = arith.constant 640 : i32
    %mul3A_50 = arith.muli %arg1, %mul3A_49 : i32
    %add3A_51 = arith.constant 512 : i32
    %add3A_52 = arith.addi %mul3A_50, %add3A_51 : i32
    "tpu.region"() ({
      %run_scoped3A_53 = tpu.sem_alloc : memref<!tpu.dma_semaphore, #tpu.memory_space<semaphore_mem>>
      %dma_start3A = arith.constant 0 : i32
      %dma_start3A_54 = tpu.memref_slice %arg5[%arg0, %add3A_52, %dma_start3A] : memref<2x10240x128xf32, #tpu.memory_space<hbm>> -> memref<1x128x128xf32, #tpu.memory_space<hbm>>
      %dma_start3A_55 = tpu.memref_squeeze %dma_start3A_54 : memref<1x128x128xf32, #tpu.memory_space<hbm>> -> memref<128x128xf32, #tpu.memory_space<hbm>>
      %dma_start3A_56 = arith.constant 0 : i32
      %dma_start3A_57 = tpu.memref_slice %arg5[%arg0, %add3A_52, %dma_start3A_56] : memref<2x10240x128xf32, #tpu.memory_space<hbm>> -> memref<1x128x128xf32, #tpu.memory_space<hbm>>
      %dma_start3A_58 = tpu.memref_squeeze %dma_start3A_57 : memref<1x128x128xf32, #tpu.memory_space<hbm>> -> memref<128x128xf32, #tpu.memory_space<hbm>>
      tpu.enqueue_dma source(%arg9 : memref<128x128xf32, #tpu.memory_space<vmem>>) target(%dma_start3A_58 : memref<128x128xf32, #tpu.memory_space<hbm>>) target_semaphore(%run_scoped3A_53 : memref<!tpu.dma_semaphore, #tpu.memory_space<semaphore_mem>>)
      %dma_wait3A = arith.constant 0 : i32
      %dma_wait3A_59 = tpu.memref_slice %arg5[%arg0, %add3A_52, %dma_wait3A] : memref<2x10240x128xf32, #tpu.memory_space<hbm>> -> memref<1x128x128xf32, #tpu.memory_space<hbm>>
      %dma_wait3A_60 = tpu.memref_squeeze %dma_wait3A_59 : memref<1x128x128xf32, #tpu.memory_space<hbm>> -> memref<128x128xf32, #tpu.memory_space<hbm>>
      %dma_wait3A_61 = arith.constant 0 : i32
      %dma_wait3A_62 = tpu.memref_slice %arg5[%arg0, %add3A_52, %dma_wait3A_61] : memref<2x10240x128xf32, #tpu.memory_space<hbm>> -> memref<1x128x128xf32, #tpu.memory_space<hbm>>
      %dma_wait3A_63 = tpu.memref_squeeze %dma_wait3A_62 : memref<1x128x128xf32, #tpu.memory_space<hbm>> -> memref<128x128xf32, #tpu.memory_space<hbm>>
      tpu.wait_dma2 semaphore(%run_scoped3A_53 : memref<!tpu.dma_semaphore, #tpu.memory_space<semaphore_mem>>) src(%arg9 : memref<128x128xf32, #tpu.memory_space<vmem>>) dst(%dma_wait3A_63 : memref<128x128xf32, #tpu.memory_space<hbm>>)
      tpu.yield
    }) : () -> ()
    return
  }
}

module attributes {stable_mosaic.version = 14 : i64} {
  func.func @_dense1_body(%arg0: i32, %arg1: memref<2x1024x128xf32, #tpu.memory_space<vmem>>, %arg2: memref<1024x128xf32, #tpu.memory_space<vmem>>, %arg3: memref<128x128xf32, #tpu.memory_space<vmem>>, %arg4: memref<1024x128xf32, #tpu.memory_space<vmem>>) attributes {dimension_semantics = [#tpu.dimension_semantics<arbitrary>], iteration_bounds = array<i64: 10>, scalar_prefetch = 0 : i64, scratch_operands = 0 : i64, tpu.core_type = #tpu.core_type<tc>, window_params = [{transform_indices = @transform_0, window_bounds = array<i64: 2, 1024, 128>}, {transform_indices = @transform_1, window_bounds = array<i64: 1024, 128>}, {pipeline_mode = #tpu.pipeline_mode<synchronous>, transform_indices = @transform_2, window_bounds = array<i64: 128, 128>}, {transform_indices = @transform_3, window_bounds = array<i64: 1024, 128>}]} {
    %get3A = arith.constant 0 : index
    %get3A_0 = arith.constant 0 : index
    %get3A_1 = arith.constant 0 : index
    %get3A_2 = vector.load %arg1[%get3A, %get3A_0, %get3A_1] : memref<2x1024x128xf32, #tpu.memory_space<vmem>>, vector<2x1024x128xf32>
    %slice3A = vector.extract_strided_slice %get3A_2 {offsets = [0, 0, 0], sizes = [1, 1024, 1], strides = [1, 1, 1]} : vector<2x1024x128xf32> to vector<1x1024x1xf32>
    %squeeze3A = vector.shape_cast %slice3A : vector<1x1024x1xf32> to vector<1024xf32>
    %slice3A_3 = vector.extract_strided_slice %get3A_2 {offsets = [1, 0, 0], sizes = [1, 1024, 1], strides = [1, 1, 1]} : vector<2x1024x128xf32> to vector<1x1024x1xf32>
    %squeeze3A_4 = vector.shape_cast %slice3A_3 : vector<1x1024x1xf32> to vector<1024xf32>
    %add3A = arith.addf %squeeze3A, %squeeze3A_4 : vector<1024xf32>
    %add3A_5 = arith.constant 1.000000e+00 : f32
    %add3A_6 = vector.broadcast %add3A_5 : f32 to vector<1024xf32>
    %add3A_7 = arith.addf %add3A, %add3A_6 : vector<1024xf32>
    %rsqrt3A = math.rsqrt %add3A_7 : vector<1024xf32>
    %get3A_8 = arith.constant 0 : index
    %get3A_9 = arith.constant 0 : index
    %get3A_10 = vector.load %arg2[%get3A_8, %get3A_9] : memref<1024x128xf32, #tpu.memory_space<vmem>>, vector<1024x128xf32>
    %get3A_11 = arith.constant 0 : index
    %get3A_12 = arith.constant 0 : index
    %get3A_13 = vector.load %arg3[%get3A_11, %get3A_12] : memref<128x128xf32, #tpu.memory_space<vmem>>, vector<128x128xf32>
    %dot_general3A = arith.constant dense<0.000000e+00> : vector<1024x128xf32>
    %dot_general3A_14 = tpu.matmul %get3A_10, %get3A_13, %dot_general3A {dimension_numbers = #tpu.dot_dimension_numbers<[1], [0], [0], [1], [0, 0, 1, 1], [], []>, transpose_lhs_hint = false} : vector<1024x128xf32>, vector<128x128xf32>, vector<1024x128xf32> -> vector<1024x128xf32>
    %broadcast_in_dim3A = vector.shape_cast %rsqrt3A : vector<1024xf32> to vector<1024x1xf32>
    %mul3A = vector.broadcast %broadcast_in_dim3A : vector<1024x1xf32> to vector<1024x128xf32>
    %mul3A_15 = arith.mulf %dot_general3A_14, %mul3A : vector<1024x128xf32>
    %swap3A = arith.constant 0 : index
    %swap3A_16 = arith.constant 0 : index
    %swap3A_17 = vector.load %arg4[%swap3A, %swap3A_16] : memref<1024x128xf32, #tpu.memory_space<vmem>>, vector<1024x128xf32>
    tpu.vector_store %arg4[%swap3A, %swap3A_16], %mul3A_15 {strides = array<i32>} : memref<1024x128xf32, #tpu.memory_space<vmem>>, vector<1024x128xf32>,
    return
  }
  func.func @transform_0(%arg0: i32) -> (i32, i32, i32) {
    %c0_i32 = arith.constant 0 : i32
    %c0_i32_0 = arith.constant 0 : i32
    %c0_i32_1 = arith.constant 0 : i32
    return %c0_i32, %arg0, %c0_i32_0 : i32, i32, i32
  }
  func.func @transform_1(%arg0: i32) -> (i32, i32) {
    %c0_i32 = arith.constant 0 : i32
    %c0_i32_0 = arith.constant 0 : i32
    return %arg0, %c0_i32 : i32, i32
  }
  func.func @transform_2(%arg0: i32) -> (i32, i32) {
    %c0_i32 = arith.constant 0 : i32
    %c0_i32_0 = arith.constant 0 : i32
    %c0_i32_1 = arith.constant 0 : i32
    return %c0_i32, %c0_i32_0 : i32, i32
  }
  func.func @transform_3(%arg0: i32) -> (i32, i32) {
    %c0_i32 = arith.constant 0 : i32
    %c0_i32_0 = arith.constant 0 : i32
    return %arg0, %c0_i32 : i32, i32
  }
}

module attributes {stable_mosaic.version = 14 : i64} {
  func.func @_dense2_body(%arg0: i32, %arg1: memref<2x1024x128xf32, #tpu.memory_space<vmem>>, %arg2: memref<2x1024x128xf32, #tpu.memory_space<vmem>>, %arg3: memref<1024x128xf32, #tpu.memory_space<vmem>>, %arg4: memref<128x128xf32, #tpu.memory_space<vmem>>, %arg5: memref<1x128xf32, #tpu.memory_space<vmem>>, %arg6: memref<1024x128xf32, #tpu.memory_space<vmem>>) attributes {dimension_semantics = [#tpu.dimension_semantics<arbitrary>], iteration_bounds = array<i64: 10>, scalar_prefetch = 0 : i64, scratch_operands = 0 : i64, tpu.core_type = #tpu.core_type<tc>, window_params = [{transform_indices = @transform_0, window_bounds = array<i64: 2, 1024, 128>}, {transform_indices = @transform_1, window_bounds = array<i64: 2, 1024, 128>}, {transform_indices = @transform_2, window_bounds = array<i64: 1024, 128>}, {pipeline_mode = #tpu.pipeline_mode<synchronous>, transform_indices = @transform_3, window_bounds = array<i64: 128, 128>}, {pipeline_mode = #tpu.pipeline_mode<synchronous>, transform_indices = @transform_4, window_bounds = array<i64: 1, 128>}, {transform_indices = @transform_5, window_bounds = array<i64: 1024, 128>}]} {
    %get3A = arith.constant 0 : index
    %get3A_0 = arith.constant 0 : index
    %get3A_1 = arith.constant 0 : index
    %get3A_2 = vector.load %arg1[%get3A, %get3A_0, %get3A_1] : memref<2x1024x128xf32, #tpu.memory_space<vmem>>, vector<2x1024x128xf32>
    %slice3A = vector.extract_strided_slice %get3A_2 {offsets = [0, 0, 0], sizes = [1, 1024, 1], strides = [1, 1, 1]} : vector<2x1024x128xf32> to vector<1x1024x1xf32>
    %squeeze3A = vector.shape_cast %slice3A : vector<1x1024x1xf32> to vector<1024xf32>
    %slice3A_3 = vector.extract_strided_slice %get3A_2 {offsets = [1, 0, 0], sizes = [1, 1024, 1], strides = [1, 1, 1]} : vector<2x1024x128xf32> to vector<1x1024x1xf32>
    %squeeze3A_4 = vector.shape_cast %slice3A_3 : vector<1x1024x1xf32> to vector<1024xf32>
    %add3A = arith.addf %squeeze3A, %squeeze3A_4 : vector<1024xf32>
    %add3A_5 = arith.constant 1.000000e+00 : f32
    %add3A_6 = vector.broadcast %add3A_5 : f32 to vector<1024xf32>
    %add3A_7 = arith.addf %add3A, %add3A_6 : vector<1024xf32>
    %rsqrt3A = math.rsqrt %add3A_7 : vector<1024xf32>
    %get3A_8 = arith.constant 0 : index
    %get3A_9 = arith.constant 0 : index
    %get3A_10 = arith.constant 0 : index
    %get3A_11 = vector.load %arg2[%get3A_8, %get3A_9, %get3A_10] : memref<2x1024x128xf32, #tpu.memory_space<vmem>>, vector<1x1024x128xf32>
    %get3A_12 = vector.shape_cast %get3A_11 : vector<1x1024x128xf32> to vector<1024x128xf32>
    %get3A_13 = arith.constant 1 : index
    %get3A_14 = arith.constant 0 : index
    %get3A_15 = arith.constant 0 : index
    %get3A_16 = vector.load %arg2[%get3A_13, %get3A_14, %get3A_15] : memref<2x1024x128xf32, #tpu.memory_space<vmem>>, vector<1x1024x128xf32>
    %get3A_17 = vector.shape_cast %get3A_16 : vector<1x1024x128xf32> to vector<1024x128xf32>
    %add3A_18 = arith.addf %get3A_12, %get3A_17 : vector<1024x128xf32>
    %get3A_19 = arith.constant 0 : index
    %get3A_20 = arith.constant 0 : index
    %get3A_21 = vector.load %arg3[%get3A_19, %get3A_20] : memref<1024x128xf32, #tpu.memory_space<vmem>>, vector<1024x128xf32>
    %add3A_22 = arith.addf %add3A_18, %get3A_21 : vector<1024x128xf32>
    %broadcast_in_dim3A = vector.shape_cast %rsqrt3A : vector<1024xf32> to vector<1024x1xf32>
    %mul3A = vector.broadcast %broadcast_in_dim3A : vector<1024x1xf32> to vector<1024x128xf32>
    %mul3A_23 = arith.mulf %add3A_22, %mul3A : vector<1024x128xf32>
    %get3A_24 = arith.constant 0 : index
    %get3A_25 = arith.constant 0 : index
    %get3A_26 = vector.load %arg5[%get3A_24, %get3A_25] : memref<1x128xf32, #tpu.memory_space<vmem>>, vector<1x128xf32>
    %add3A_27 = vector.broadcast %get3A_26 : vector<1x128xf32> to vector<1024x128xf32>
    %add3A_28 = arith.addf %mul3A_23, %add3A_27 : vector<1024x128xf32>
    %max3A = arith.constant 0.000000e+00 : f32
    %max3A_29 = vector.broadcast %max3A : f32 to vector<1024x128xf32>
    %max3A_30 = arith.maximumf %add3A_28, %max3A_29 : vector<1024x128xf32>
    %get3A_31 = arith.constant 0 : index
    %get3A_32 = arith.constant 0 : index
    %get3A_33 = vector.load %arg4[%get3A_31, %get3A_32] : memref<128x128xf32, #tpu.memory_space<vmem>>, vector<128x128xf32>
    %dot_general3A = arith.constant dense<0.000000e+00> : vector<1024x128xf32>
    %dot_general3A_34 = tpu.matmul %max3A_30, %get3A_33, %dot_general3A {dimension_numbers = #tpu.dot_dimension_numbers<[1], [0], [0], [1], [0, 0, 1, 1], [], []>, transpose_lhs_hint = false} : vector<1024x128xf32>, vector<128x128xf32>, vector<1024x128xf32> -> vector<1024x128xf32>
    %broadcast_in_dim3A_35 = vector.shape_cast %rsqrt3A : vector<1024xf32> to vector<1024x1xf32>
    %mul3A_36 = vector.broadcast %broadcast_in_dim3A_35 : vector<1024x1xf32> to vector<1024x128xf32>
    %mul3A_37 = arith.mulf %dot_general3A_34, %mul3A_36 : vector<1024x128xf32>
    %swap3A = arith.constant 0 : index
    %swap3A_38 = arith.constant 0 : index
    %swap3A_39 = vector.load %arg6[%swap3A, %swap3A_38] : memref<1024x128xf32, #tpu.memory_space<vmem>>, vector<1024x128xf32>
    tpu.vector_store %arg6[%swap3A, %swap3A_38], %mul3A_37 {strides = array<i32>} : memref<1024x128xf32, #tpu.memory_space<vmem>>, vector<1024x128xf32>,
    return
  }
  func.func @transform_0(%arg0: i32) -> (i32, i32, i32) {
    %c0_i32 = arith.constant 0 : i32
    %c0_i32_0 = arith.constant 0 : i32
    %c0_i32_1 = arith.constant 0 : i32
    return %c0_i32, %arg0, %c0_i32_0 : i32, i32, i32
  }
  func.func @transform_1(%arg0: i32) -> (i32, i32, i32) {
    %c0_i32 = arith.constant 0 : i32
    %c0_i32_0 = arith.constant 0 : i32
    %c0_i32_1 = arith.constant 0 : i32
    return %c0_i32, %arg0, %c0_i32_0 : i32, i32, i32
  }
  func.func @transform_2(%arg0: i32) -> (i32, i32) {
    %c0_i32 = arith.constant 0 : i32
    %c0_i32_0 = arith.constant 0 : i32
    return %arg0, %c0_i32 : i32, i32
  }
  func.func @transform_3(%arg0: i32) -> (i32, i32) {
    %c0_i32 = arith.constant 0 : i32
    %c0_i32_0 = arith.constant 0 : i32
    %c0_i32_1 = arith.constant 0 : i32
    return %c0_i32, %c0_i32_0 : i32, i32
  }
  func.func @transform_4(%arg0: i32) -> (i32, i32) {
    %c0_i32 = arith.constant 0 : i32
    %c0_i32_0 = arith.constant 0 : i32
    %c0_i32_1 = arith.constant 0 : i32
    return %c0_i32, %c0_i32_0 : i32, i32
  }
  func.func @transform_5(%arg0: i32) -> (i32, i32) {
    %c0_i32 = arith.constant 0 : i32
    %c0_i32_0 = arith.constant 0 : i32
    return %arg0, %c0_i32 : i32, i32
  }
}

module attributes {stable_mosaic.version = 14 : i64} {
  func.func @_final_body(%arg0: i32, %arg1: memref<2x1000x128xf32, #tpu.memory_space<vmem>>, %arg2: memref<2x1000x128xf32, #tpu.memory_space<vmem>>, %arg3: memref<1000x128xf32, #tpu.memory_space<vmem>>, %arg4: memref<1x128xf32, #tpu.memory_space<vmem>>, %arg5: memref<1000x128xf32, #tpu.memory_space<vmem>>) attributes {dimension_semantics = [#tpu.dimension_semantics<arbitrary>], iteration_bounds = array<i64: 10>, scalar_prefetch = 0 : i64, scratch_operands = 0 : i64, tpu.core_type = #tpu.core_type<tc>, window_params = [{transform_indices = @transform_0, window_bounds = array<i64: 2, 1000, 128>}, {transform_indices = @transform_1, window_bounds = array<i64: 2, 1000, 128>}, {transform_indices = @transform_2, window_bounds = array<i64: 1000, 128>}, {pipeline_mode = #tpu.pipeline_mode<synchronous>, transform_indices = @transform_3, window_bounds = array<i64: 1, 128>}, {transform_indices = @transform_4, window_bounds = array<i64: 1000, 128>}]} {
    %get3A = arith.constant 0 : index
    %get3A_0 = arith.constant 0 : index
    %get3A_1 = arith.constant 0 : index
    %get3A_2 = vector.load %arg1[%get3A, %get3A_0, %get3A_1] : memref<2x1000x128xf32, #tpu.memory_space<vmem>>, vector<2x1000x128xf32>
    %slice3A = vector.extract_strided_slice %get3A_2 {offsets = [0, 0, 0], sizes = [1, 1000, 1], strides = [1, 1, 1]} : vector<2x1000x128xf32> to vector<1x1000x1xf32>
    %squeeze3A = vector.shape_cast %slice3A : vector<1x1000x1xf32> to vector<1000xf32>
    %slice3A_3 = vector.extract_strided_slice %get3A_2 {offsets = [1, 0, 0], sizes = [1, 1000, 1], strides = [1, 1, 1]} : vector<2x1000x128xf32> to vector<1x1000x1xf32>
    %squeeze3A_4 = vector.shape_cast %slice3A_3 : vector<1x1000x1xf32> to vector<1000xf32>
    %add3A = arith.addf %squeeze3A, %squeeze3A_4 : vector<1000xf32>
    %add3A_5 = arith.constant 1.000000e+00 : f32
    %add3A_6 = vector.broadcast %add3A_5 : f32 to vector<1000xf32>
    %add3A_7 = arith.addf %add3A, %add3A_6 : vector<1000xf32>
    %rsqrt3A = math.rsqrt %add3A_7 : vector<1000xf32>
    %get3A_8 = arith.constant 0 : index
    %get3A_9 = arith.constant 0 : index
    %get3A_10 = arith.constant 0 : index
    %get3A_11 = vector.load %arg2[%get3A_8, %get3A_9, %get3A_10] : memref<2x1000x128xf32, #tpu.memory_space<vmem>>, vector<1x1000x128xf32>
    %get3A_12 = vector.shape_cast %get3A_11 : vector<1x1000x128xf32> to vector<1000x128xf32>
    %get3A_13 = arith.constant 1 : index
    %get3A_14 = arith.constant 0 : index
    %get3A_15 = arith.constant 0 : index
    %get3A_16 = vector.load %arg2[%get3A_13, %get3A_14, %get3A_15] : memref<2x1000x128xf32, #tpu.memory_space<vmem>>, vector<1x1000x128xf32>
    %get3A_17 = vector.shape_cast %get3A_16 : vector<1x1000x128xf32> to vector<1000x128xf32>
    %add3A_18 = arith.addf %get3A_12, %get3A_17 : vector<1000x128xf32>
    %get3A_19 = arith.constant 0 : index
    %get3A_20 = arith.constant 0 : index
    %get3A_21 = vector.load %arg3[%get3A_19, %get3A_20] : memref<1000x128xf32, #tpu.memory_space<vmem>>, vector<1000x128xf32>
    %add3A_22 = arith.addf %add3A_18, %get3A_21 : vector<1000x128xf32>
    %broadcast_in_dim3A = vector.shape_cast %rsqrt3A : vector<1000xf32> to vector<1000x1xf32>
    %mul3A = vector.broadcast %broadcast_in_dim3A : vector<1000x1xf32> to vector<1000x128xf32>
    %mul3A_23 = arith.mulf %add3A_22, %mul3A : vector<1000x128xf32>
    %get3A_24 = arith.constant 0 : index
    %get3A_25 = arith.constant 0 : index
    %get3A_26 = vector.load %arg4[%get3A_24, %get3A_25] : memref<1x128xf32, #tpu.memory_space<vmem>>, vector<1x128xf32>
    %add3A_27 = vector.broadcast %get3A_26 : vector<1x128xf32> to vector<1000x128xf32>
    %add3A_28 = arith.addf %mul3A_23, %add3A_27 : vector<1000x128xf32>
    %swap3A = arith.constant 0 : index
    %swap3A_29 = arith.constant 0 : index
    %swap3A_30 = vector.load %arg5[%swap3A, %swap3A_29] : memref<1000x128xf32, #tpu.memory_space<vmem>>, vector<1000x128xf32>
    tpu.vector_store %arg5[%swap3A, %swap3A_29], %add3A_28 {strides = array<i32>} : memref<1000x128xf32, #tpu.memory_space<vmem>>, vector<1000x128xf32>,
    return
  }
  func.func @transform_0(%arg0: i32) -> (i32, i32, i32) {
    %c0_i32 = arith.constant 0 : i32
    %c0_i32_0 = arith.constant 0 : i32
    %c0_i32_1 = arith.constant 0 : i32
    return %c0_i32, %arg0, %c0_i32_0 : i32, i32, i32
  }
  func.func @transform_1(%arg0: i32) -> (i32, i32, i32) {
    %c0_i32 = arith.constant 0 : i32
    %c0_i32_0 = arith.constant 0 : i32
    %c0_i32_1 = arith.constant 0 : i32
    return %c0_i32, %arg0, %c0_i32_0 : i32, i32, i32
  }
  func.func @transform_2(%arg0: i32) -> (i32, i32) {
    %c0_i32 = arith.constant 0 : i32
    %c0_i32_0 = arith.constant 0 : i32
    return %arg0, %c0_i32 : i32, i32
  }
  func.func @transform_3(%arg0: i32) -> (i32, i32) {
    %c0_i32 = arith.constant 0 : i32
    %c0_i32_0 = arith.constant 0 : i32
    %c0_i32_1 = arith.constant 0 : i32
    return %c0_i32, %c0_i32_0 : i32, i32
  }
  func.func @transform_4(%arg0: i32) -> (i32, i32) {
    %c0_i32 = arith.constant 0 : i32
    %c0_i32_0 = arith.constant 0 : i32
    return %arg0, %c0_i32 : i32, i32
  }
}

</mosaic_0001>

<sc_bundles>
// kernel: kernel.11.cloned.1.call-start
scs
__scs_entry_jumppad:
0x0: {  	(pc) =	sbr.rel $0x88, $3  }
0x1: {  	(tag) =	ssettag $0x0;
	lr =	simm.s32 $0x1  }
0x2: {  	[smem:$0x3F9B] =	sst lr;
	_ =	strace $0xD0000000  }
0x3: {  	_ = 	snop  }
0x4: {  	_ = 	snop  }
0x5: {  	_ = 	snop  }
0x6: {  	_ = 	snop  }
0x7: {  	_ = 	snop  }
__scs_overlays_trampoline_lowered:
0x8: {  	[smem:$0x3FAA] =	sst s0  }
0x9: {  	[smem:$0x3FAB] =	sst s1  }
0xa: {  	[smem:$0x3FAC] =	sst s2  }
0xb: {  	[smem:$0x3FAD] =	sst s3  }
0xc: {  	[smem:$0x3FAE] =	sst s4  }
0xd: {  	[smem:$0x3FAF] =	sst s5  }
0xe: {  	[smem:$0x3FB0] =	sst s6  }
0xf: {  	[smem:$0x3FB1] =	sst s7  }
0x10: {  	[smem:$0x3FB2] =	sst s8  }
0x11: {  	[smem:$0x3FB3] =	sst s9;
	s0 =	simm.s32 @!p0 $0x0  }
0x12: {  	s1 =	sld [smem:$0x3F99];
	s0 =	simm.s32 @p0 $0x1  }
0x13: {  	[smem:$0x3FB4] =	sst s0;
	s0 =	simm.s32 @!p1 $0x0  }
0x14: {  	s2 =	sld [smem:$0x3F98];
	s0 =	simm.s32 @p1 $0x1  }
0x15: {  	[smem:$0x3FB5] =	sst s0;
	s0 =	simm.s32 @!p2 $0x0  }
0x16: {  	s3 =	sld [smem:$0x3FDB];
	s0 =	simm.s32 @p2 $0x1  }
0x17: {  	s4 =	simm.s32 $0x1BF5;
	[smem:$0x3FB7] =	sst s0  }
0x18: {  	s0 =	sld [smem:$0x3F9A];
	_ =	swait.ge [sflag:s4], $0x0  }
0x19: {  	s7 =	sld [smem:$0x3F9B]  }
0x1a: {  	s8 =	sadd.s32 $0xFFFFE003, lr  }
0x1b: {  	s9 =	sadd.s32 $0xFFFFFEF7, lr;
	s5 =	simm.s32 $0xFFFFFFFF;
	p2 =	slt.u32 s8, $0xFFFFF086  }
0x1c: {  	p1 =	slt.u32 s9, $0xF7A;
	s5 =	simm.s32 @!p2 $0x0  }
0x1d: {  	s5 =	simm.s32 @p1 $0x1;
	p0 =	seq.s32 s7, s2  }
0x1e: {  	s7 =	smul.u32 @!p0 $0xF7A, s2;
	p2 =	seq.s32 @!p0 s5, $0x0  }
0x1f: {  	s9 =	smul.u32 $0xF7A, s1;
	s8 =	simm.s32 @!p0 $0x1BF5;
	p2 =	por !p2, p0  }
0x20: {  	[sflag:s8] =	ssyncset.s32 @!p0 $0xFFFFF086;
	s6 =	sadd.s32 @!p0 s3, s7;
	s7 =	simm.s32 @!p0 $0x108  }
0x21: {  	s3 =	sadd.s32 s3, s9;
	s6 =	sadd.s32 @!p0 $0x88, s6;
	s7 =	simm.s32 @p2 $0x1082  }
0x22: {  	[simem:s7], [sflag:s8] =	dma.local @!p0 [hbm:s6], $0xF7A  }
0x23: {  	s9 =	sor.u32 $0xD0000000, s2;
	s6 =	simm.s32 $0x108;
	_ =	swait.ge @!p0 [sflag:s8], $0x0  }
0x24: {  	s3 =	sadd.s32 $0x88, s3;
	s6 =	simm.s32 @!p1 $0x1082;
	[sflag:s4] =	ssyncset.s32 $0xFFFFF086  }
0x25: {  	[simem:s6], [sflag:s4] =	dma.local [hbm:s3], $0xF7A  }
0x26: {  	[smem:$0x3F9B] =	sst s1;
	(tag) =	ssettag s2;
	_ =	strace s9  }
0x27: {  	s1 =	sld [smem:$0x3FAB]  }
0x28: {  	s2 =	sld [smem:$0x3FAC]  }
0x29: {  	s4 =	sld [smem:$0x3FAE]  }
0x2a: {  	p0 =	seq.s32 s5, $0x0;
	s5 =	sld [smem:$0x3FAF]  }
0x2b: {  	s6 =	sld [smem:$0x3FB0]  }
0x2c: {  	s7 =	sld [smem:$0x3FB1]  }
0x2d: {  	s3 =	simm.s32 $0x108;
	s8 =	sld [smem:$0x3FB2]  }
0x2e: {  	s3 =	simm.s32 @!p0 $0x1082;
	s9 =	sld [smem:$0x3FB3]  }
0x2f: {  	lr =	sadd.s32 s0, s3;
	s0 =	sld [smem:$0x3FAA]  }
0x30: {  	s3 =	sld [smem:$0x3FAD]  }
0x31: {  	[smem:$0x3FB6] =	sst s10  }
0x32: {  	s10 =	sld [smem:$0x3FB4];
	_ =	sdelay $0x3  }
0x33: {  	p0 =	seq.s32 s10, $0x1;
	s10 =	sld [smem:$0x3FB6];
	_ =	sdelay $0x3  }
0x34: {  	[smem:$0x3FB6] =	sst s10  }
0x35: {  	s10 =	sld [smem:$0x3FB5];
	_ =	sdelay $0x3  }
0x36: {  	p1 =	seq.s32 s10, $0x1;
	s10 =	sld [smem:$0x3FB6];
	_ =	sdelay $0x3  }
0x37: {  	[smem:$0x3FB6] =	sst s10  }
0x38: {  	s10 =	sld [smem:$0x3FB7]  }
0x39: {  	_ = 	snop;
	(pc) =	sbr.ind lr, $3  }
0x3a: {  	_ = 	snop  }
0x3b: {  	_ = 	snop  }
0x3c: {  	p2 =	seq.s32 s10, $0x1;
	s10 =	sld [smem:$0x3FB6]  }
0x3d: {  	_ =	shalt  }
0x3e: {  	_ =	shalt  }
0x3f: {  	_ =	shalt  }
0x40: {  	_ =	shalt  }
0x41: {  	_ =	shalt  }
0x42: {  	_ =	shalt  }
0x43: {  	_ =	shalt  }
0x44: {  	_ =	shalt  }
0x45: {  	_ =	shalt  }
0x46: {  	_ =	shalt  }
0x47: {  	_ =	shalt  }
0x48: {  	_ =	shalt  }
0x49: {  	_ =	shalt  }
0x4a: {  	_ =	shalt  }
0x4b: {  	_ =	shalt  }
0x4c: {  	_ =	shalt  }
0x4d: {  	_ =	shalt  }
0x4e: {  	_ =	shalt  }
0x4f: {  	_ =	shalt  }
0x50: {  	_ =	shalt  }
0x51: {  	_ =	shalt  }
0x52: {  	_ =	shalt  }
0x53: {  	_ =	shalt  }
0x54: {  	_ =	shalt  }
0x55: {  	_ =	shalt  }
0x56: {  	_ =	shalt  }
0x57: {  	_ =	shalt  }
0x58: {  	_ =	shalt  }
0x59: {  	_ =	shalt  }
0x5a: {  	_ =	shalt  }
0x5b: {  	_ =	shalt  }
0x5c: {  	_ =	shalt  }
0x5d: {  	_ =	shalt  }
0x5e: {  	_ =	shalt  }
0x5f: {  	_ =	shalt  }
0x60: {  	_ =	shalt  }
0x61: {  	_ =	shalt  }
0x62: {  	_ =	shalt  }
0x63: {  	_ =	shalt  }
0x64: {  	_ =	shalt  }
0x65: {  	_ =	shalt  }
0x66: {  	_ =	shalt  }
0x67: {  	_ =	shalt  }
0x68: {  	_ =	shalt  }
0x69: {  	_ =	shalt  }
0x6a: {  	_ =	shalt  }
0x6b: {  	_ =	shalt  }
0x6c: {  	_ =	shalt  }
0x6d: {  	_ =	shalt  }
0x6e: {  	_ =	shalt  }
0x6f: {  	_ =	shalt  }
0x70: {  	_ =	shalt  }
0x71: {  	_ =	shalt  }
0x72: {  	_ =	shalt  }
0x73: {  	_ =	shalt  }
0x74: {  	_ =	shalt  }
0x75: {  	_ =	shalt  }
0x76: {  	_ =	shalt  }
0x77: {  	_ =	shalt  }
0x78: {  	_ =	shalt  }
0x79: {  	_ =	shalt  }
0x7a: {  	_ =	shalt  }
0x7b: {  	_ =	shalt  }
0x7c: {  	_ =	shalt  }
0x7d: {  	_ =	shalt  }
0x7e: {  	_ =	shalt  }
0x7f: {  	_ =	shalt  }
0x80: {  	_ =	shalt  }
0x81: {  	_ =	shalt  }
0x82: {  	_ =	shalt  }
0x83: {  	_ =	shalt  }
0x84: {  	_ =	shalt  }
0x85: {  	_ =	shalt  }
0x86: {  	_ =	shalt  }
0x87: {  	_ =	shalt  }
.Lfunc_end0:
.L_simem_size_0:
called_computation.1_lowered:
.L_overlay_start_0:
0x88: {  	s2 =	sld [smem:$0x3FD9]  }
0x89: {  	s3 =	sld [smem:$0x3FFE];
	_ =	sdelay $0x1  }
0x8a: {  	s1 =	srdreg.scid  }
0x8b: {  	s0 =	sand.u32 $0x1, s1  }
0x8c: {  	s17 =	sshll.u32 s0, $0xA;
	s2 =	sadd.s32 s3, s2  }
0x8d: {  	s2 =	sadd.s32 s2, s17  }
0x8e: {  	[smem:$0x3FC2] =	sst s2  }
0x8f: {  	_ = 	snop  }
0x90: {  	s2 =	sld [smem:$0x3FD0];
	(tm) =	ssettm $0x1  }
0x91: {  	s18 =	sld [smem:$0x3FFB];
	_ =	sdelay $0x3  }
0x92: {  	_ =	strace s18  }
0x93: {  	s3 =	sld [smem:$0x3FFC];
	_ =	sdelay $0x3  }
0x94: {  	_ =	strace s3  }
0x95: {  	s3 =	sld [smem:$0x3FFD];
	_ =	sdelay $0x3  }
0x96: {  	_ =	strace s3  }
0x97: {  	_ =	strace $0x8FFFFFFF  }
0x98: {  	s19 =	sld [smem:$0x3FDB];
	_ =	sdelay $0x1  }
0x99: {  	s4 =	simm.s32 $_scs_section_size  }
0x9a: {  	s5 =	simm.s32 $_size__tile_overlayer_lowered;
	s6 =	simm.s32 $_tile_overlayer_lowered  }
0x9b: {  	s22 =	simm.s32 $0x1BFF;
	s21 =	sshll.u32 s6, $0x1;
	s3 =	sadd.s32 s4, s19  }
0x9c: {  	s7 =	simm.s32 $0x0;
	s20 =	sshll.u32 s5, $0x1;
	s5 =	sadd.s32 s21, s3  }
0x9d: {  	[timem:s7], [sflag:s22] =	dma.local [hbm:s5], s20  }
0x9e: {  	_ =	swait.ge [sflag:s22], s20  }
0x9f: {  	s4 =	ssub.s32 $0x0, s20;
	[sflag:s22] =	ssyncset.done $0x0  }
0xa0: {  	[sflag:s22] =	ssyncadd.s32 s4;
	_ =	sdelay $0x1  }
0xa1: {  	s23 =	simm.s32 $0x1B8B  }
0xa2: {  	_ =	swait.ge [sflag:s23], $0x1  }
0xa3: {  	[sflag:s23] =	ssyncset.done $0x0  }
0xa4: {  	s25 =	simm.s32 $0x1B8E;
	s24 =	sld [smem:$0x3FFE];
	[sflag:s23] =	ssyncadd.s32 $0xFFFFFFFF  }
0xa5: {  	s26 =	simm.s32 $execute0_lowered;
	[smem:$0x3FD2] =	sst s25  }
0xa6: {  	s5 =	sshll.u32 s26, $0x1;
	_ =	strace $0x80000049;
	[dreg:$0x1] =	wrdreg $0xFFFFFFFF  }
0xa7: {  	s28 =	simm.s32 $_size_execute0_lowered;
	s3 =	sadd.s32 s3, s5;
	[dreg:$0x0] =	wrdreg $0x0  }
0xa8: {  	s5 =	sshll.u32 s28, $0x1;
	[dreg:$0x2] =	wrdreg s3  }
0xa9: {  	[dreg:$0x3] =	wrdreg s5  }
0xaa: {  	[dreg:$0x4] =	wrdreg $0xC0  }
0xab: {  	_ =	task [dreg:s7], $0x5FFFF  }
0xac: {  	[dreg:$0x1] =	wrdreg $0xFFFFFFFF  }
0xad: {  	[dreg:$0x0] =	wrdreg $0x60  }
0xae: {  	[dreg:$0x2] =	wrdreg s24  }
0xaf: {  	[dreg:$0x3] =	wrdreg s2  }
0xb0: {  	[dreg:$0x4] =	wrdreg $0xBC000  }
0xb1: {  	[dreg:$0x5] =	wrdreg $0x9  }
0xb2: {  	_ =	task.clear_ibuf [dreg:s7], $0x6FFFF;
	_ =	strace $0x90000049  }
0xb3: {  	s29 =	simm.s32 $0x9;
	_ =	strace $0x8000004B  }
0xb4: {  	_ =	swait.ge [sflag:s29], $0x1  }
0xb5: {  	[sflag:s29] =	ssyncadd.s32 $0xFFFFFFFF  }
0xb6: {  	_ =	strace $0x9000004B  }
0xb7: {  	_ =	sfence  }
0xb8: {  	s30 =	sld [smem:$0x0];
	_ =	sdelay $0x2  }
0xb9: {  	s31 =	sshll.u32 s1, $0xD;
	s1 =	sshrl.u32 s1, $0x2  }
0xba: {  	s3 =	sand.u32 $0x4000, s31;
	s1 =	sadd.s32 s1, s30  }
0xbb: {  	s0 =	sor.u32 s3, s0;
	s1 =	sshll.u32 s1, $0x11  }
0xbc: {  	s0 =	sor.u32 s1, s0  }
0xbd: {  	s0 =	sadd.s32 $0x8F2B, s0  }
0xbe: {  	[sflag:s0] =	ssyncadd.remote.s32 $0x1  }
0xbf: {  	_ =	sfence.sel $0xFFFF  }
0xc0: {  	[dreg:$0x0] =	wrdreg $0xFFFFFFFF;
	(pc) =	sbr.abs _section_cstart, $3  }
0xc1: {  	[dreg:$0x1] =	wrdreg $0xFFFFFFFF  }
0xc2: {  	_ =	task.clear_ibuf [dreg:s7], $0x2FFFF;
	_ =	strace $0x9FFFFFFF  }
0xc3: {  	(tm) =	ssettm $0x7FFFFFFF  }
tec
execute0_lowered:
.L_overlay_start_1:
0x0: {  	(tag) =	ssettag $0x1  }
0x1: {  	s5 =	rddreg [dreg:$0x0]  }
0x2: {  	s6 =	rddreg [dreg:$0x1]  }
0x3: {  	s1 =	rddreg [dreg:$0x2];
	s2 =	srdreg.scid  }
0x4: {  	s3 =	simm.s32 $0x0;
	s0 =	stileid.u32;
	s14 =	simm.s32 $0x7800  }
0x5: {  	s15 =	simm.s32 $0x7C00;
	s16 =	simm.s32 $0x3;
	s17 =	simm.s32 $0x7880  }
0x6: {  	s18 =	simm.s32 $0x7900;
	s19 =	simm.s32 $0x7980;
	s20 =	simm.s32 $0x7A00  }
0x7: {  	s21 =	simm.s32 $0x5000;
	s22 =	simm.s32 $0x40;
	s23 =	simm.s32 $0x9C00  }
0x8: {  	s24 =	simm.s32 $0x1;
	s25 =	simm.s32 $0x2;
	s26 =	simm.s32 $0x80  }
0x9: {  	s28 =	simm.s32 $0x0;
	s7 =	sand.u32 $0x1, s2;
	s9 =	smul.u32 $0x14000, s0  }
0xa: {  	[smem:$0x7FF] =	sst s3;
	s8 =	smul.u32 $0x140000, s7;
	s4 =	sshll.u32 s7, $0x4  }
0xb: {  	_ =	strace $0x8000004A;
	s7 =	ssub.s32 $0x2, s7;
	s10 =	sor.u32 s0, s4  }
0xc: {  	s4 =	sadd.s32 $0xBE00, s5;
	s31 =	sshrl.u32 s7, $0x1;
	s11 =	smul.u32 $0x500, s10  }
0xd: {  	s8 =	sadd.s32 s9, s8;
	s29 =	smul.u32 $0xA00, s10;
	s13 =	ssub.s32 s7, s31  }
0xe: {  	s8 =	sshrl.u32 s8, $0x3;
	s13 =	smax.u32 s13, $0x1;
	s30 =	sadd.s32 s11, s5  }
0xf: {  	s12 =	sadd.s32 s8, s5;
	s5 =	smul.u32 $0x280, s0;
	s6 =	sadd.s32 s6, s29  }
0x10: {  	s7 =	sadd.s32 $0x1E00, s30;
	s8 =	sadd.s32 $0x33E00, s12;
	s9 =	sadd.s32 $0x34600, s12  }
0x11: {  	v0 =	vimm.f32 $0.0e+00;
	v1 =	vlaneseq.u32;
	s10 =	sadd.s32 $0x34E00, s12;
	s11 =	sadd.s32 $0x35600, s12;
	s12 =	sadd.s32 $0x35E00, s12  }
.LBB2_1:
0x12: {  	s29 =	simm.s32 $0x0;
	s30 =	simm.s32 $0x200  }
.LBB2_2:
0x13: {  	p0 =	sne.s32 s30, $0xFE00;
	[tilespmem:s29+$0x7C70] =	vst v0  }
0x14: {  	[tilespmem:s29+$0x7C00] =	vst v0  }
0x15: {  	[tilespmem:s29+$0x7C10] =	vst v0  }
.Ltmp0:
0x16: {  	[tilespmem:s29+$0x7C20] =	vst v0;
	(pc) =	sbr.rel @p0 .LBB2_2-.Ltmp0, $4  }
0x17: {  	[tilespmem:s29+$0x7C30] =	vst v0  }
0x18: {  	[tilespmem:s29+$0x7C40] =	vst v0  }
0x19: {  	[tilespmem:s29+$0x7C50] =	vst v0  }
0x1a: {  	[tilespmem:s29+$0x7C60] =	vst v0;
	s29 =	sshra.s32 s30, $0x2;
	s30 =	sadd.s32 $0x200, s30  }
0x1b: {  	[tilespmem:s29+$0x7C70] =	vst v0  }
0x1c: {  	[tilespmem:s29+$0x7C00] =	vst v0  }
0x1d: {  	[tilespmem:s29+$0x7C10] =	vst v0  }
0x1e: {  	[tilespmem:s29+$0x7C20] =	vst v0  }
0x1f: {  	[tilespmem:s29+$0x7C30] =	vst v0;
	s30 =	simm.s32 $0x0  }
0x20: {  	[tilespmem:s29+$0x7C40] =	vst v0;
	s31 =	sand.u32 $0xE00, s30  }
0x21: {  	[tilespmem:s29+$0x7C50] =	vst v0;
	s2 =	sadd.s32 $0x0, s5;
	s0 =	sand.u32 $0x70, s30;
	s31 =	sshrl.u32 s31, $0x2  }
0x22: {  	[tilespmem:s29+$0x7C60] =	vst v0;
	s29 =	simm.s32 $0x40;
	v2 =	vor.u32 s2, v1;
	s31 =	sor.u32 s0, s31  }
.LBB2_4:
0x23: {  	p0 =	sne.s32 s29, $0x9C0  }
0x24: {  	[tilespmem:s31+$0x7800] =	vst v2;
	s30 =	sadd.s32 $0x10, s30;
	s0 =	smov.u32 s29;
	s29 =	sadd.s32 $0x40, s29  }
.Ltmp1:
0x25: {  	(pc) =	sbr.rel @p0 .LBB2_4-.Ltmp1, $4  }
0x26: {  	_ = 	snop  }
0x27: {  	s0 =	sand.u32 $0xE00, s0  }
0x28: {  	s2 =	sand.u32 $0x70, s30;
	s31 =	sadd.s32 s30, s5;
	s0 =	sshrl.u32 s0, $0x2  }
0x29: {  	v2 =	vor.u32 s31, v1;
	s31 =	sor.u32 s2, s0  }
0x2a: {  	[tilespmem:s31+$0x7800] =	vst v2;
	s0 =	simm.s32 $0x80  }
0x2b: {  	[spmem:s1] =	stream.indirect.scatter [tilespmem:s15], [sflag:$0x3], $0x80, s14, s0, $0xb8;
	[tilespmem:$0x1FC00] =	vst v63  }
0x2c: {  	_ =	swait.ge [sflag:s16], $0x4000  }
0x2d: {  	[sflag:s16] =	ssyncset.done $0x0  }
0x2e: {  	[sflag:s16] =	ssyncadd.s32 $0xFFFFC000  }
0x2f: {  	[spmem:s1] =	stream.indirect.scatter [tilespmem:s15], [sflag:$0x3], $0x80, s17, s0, $0xb8;
	[tilespmem:$0x1FC00] =	vst v63  }
0x30: {  	_ =	swait.ge [sflag:s16], $0x4000  }
0x31: {  	[sflag:s16] =	ssyncset.done $0x0  }
0x32: {  	[sflag:s16] =	ssyncadd.s32 $0xFFFFC000  }
0x33: {  	[spmem:s1] =	stream.indirect.scatter [tilespmem:s15], [sflag:$0x3], $0x80, s18, s0, $0xb8;
	[tilespmem:$0x1FC00] =	vst v63  }
0x34: {  	_ =	swait.ge [sflag:s16], $0x4000  }
0x35: {  	[sflag:s16] =	ssyncset.done $0x0  }
0x36: {  	[sflag:s16] =	ssyncadd.s32 $0xFFFFC000  }
0x37: {  	[spmem:s1] =	stream.indirect.scatter [tilespmem:s15], [sflag:$0x3], $0x80, s19, s0, $0xb8;
	[tilespmem:$0x1FC00] =	vst v63  }
0x38: {  	_ =	swait.ge [sflag:s16], $0x4000  }
0x39: {  	[sflag:s16] =	ssyncset.done $0x0  }
0x3a: {  	[sflag:s16] =	ssyncadd.s32 $0xFFFFC000  }
0x3b: {  	[spmem:s1] =	stream.indirect.scatter [tilespmem:s15], [sflag:$0x3], $0x80, s20, s0, $0xb8;
	[tilespmem:$0x1FC00] =	vst v63  }
0x3c: {  	_ =	swait.ge [sflag:s16], $0x4000  }
0x3d: {  	[sflag:s16] =	ssyncset.done $0x0  }
0x3e: {  	[sflag:s16] =	ssyncadd.s32 $0xFFFFC000  }
0x3f: {  	s2 =	simm.s32 $0x0;
	[bflag:$0x0] =	sbarrier.arrive $0xFFFF  }
0x40: {  	[tilespmem:s2], [sflag:$0x3] =	stream.linear.gather [hbm4b:s6+s2], $0x4F00, $0x38;
	[tilespmem:$0x1FC00] =	vst v63  }
0x41: {  	_ =	swait.ge [sflag:s16], $0x4F00  }
0x42: {  	[sflag:s16] =	ssyncset.done $0x0  }
0x43: {  	[sflag:s16] =	ssyncadd.s32 $0xFFFFB100  }
0x44: {  	[tilespmem:s21], [sflag:$0x3] =	stream.linear.gather [hbm4b:s7+s2], $0x2780, $0x38;
	[tilespmem:$0x1FC00] =	vst v63  }
0x45: {  	_ =	swait.ge [sflag:s16], $0x2780  }
0x46: {  	[sflag:s16] =	ssyncset.done $0x0  }
0x47: {  	s2 =	simm.s32 $0x0;
	[sflag:s16] =	ssyncadd.s32 $0xFFFFD880  }
0x48: {  	[tilespmem:s15], [sflag:$0x1] =	stream.indirect.gather [hbm4b:s4+s22], $0x80, s2, s22, $0xb8;
	[tilespmem:$0x1FC00] =	vst v63  }
0x49: {  	_ = 	snop  }
0x4a: {  	[tilespmem:s23], [sflag:$0x2] =	stream.indirect.gather [hbm4b:s4+s22], $0x80, s0, s22, $0xb8;
	[tilespmem:$0x1FC00] =	vst v63  }
0x4b: {  	_ =	swait.ge [sflag:s24], $0x2000  }
0x4c: {  	[sflag:s24] =	ssyncset.done $0x0  }
0x4d: {  	[sflag:s24] =	ssyncadd.s32 $0xFFFFE000  }
0x4e: {  	_ =	swait.ge [sflag:s25], $0x2000  }
0x4f: {  	[sflag:s25] =	ssyncset.done $0x0  }
0x50: {  	s2 =	simm.s32 $0x5000;
	[sflag:s25] =	ssyncadd.s32 $0xFFFFE000  }
0x51: {  	[spmem:s1] =	stream.indirect.scatter.add.f32 [tilespmem:s15], [sflag:$0x3], $0x80, s2, s26, $0xb8;
	[tilespmem:$0x1FC00] =	vst v63  }
0x52: {  	s29 =	simm.s32 $0x200;
	_ =	swait.ge [sflag:s16], $0x4000  }
0x53: {  	s31 =	simm.s32 $0x400;
	s30 =	simm.s32 $0x180;
	[sflag:s16] =	ssyncset.done $0x0  }
.LBB2_6:
0x54: {  	p0 =	sne.s32 s31, $0x9C00;
	s0 =	sadd.s32 $0xFFFFFF80, s30;
	[sflag:s16] =	ssyncadd.s32 $0xFFFFC000  }
0x55: {  	[tilespmem:s15], [sflag:$0x1] =	stream.indirect.gather [hbm4b:s4+s22], $0x80, s0, s22, $0xb8;
	[tilespmem:$0x1FC00] =	vst v63  }
0x56: {  	s0 =	smov.u32 s31;
	s31 =	sadd.s32 $0x200, s31  }
0x57: {  	[tilespmem:s23], [sflag:$0x2] =	stream.indirect.gather [hbm4b:s4+s22], $0x80, s30, s22, $0xb8;
	[tilespmem:$0x1FC00] =	vst v63  }
0x58: {  	_ =	swait.ge [sflag:s24], $0x2000  }
0x59: {  	[sflag:s24] =	ssyncset.done $0x0  }
0x5a: {  	[sflag:s24] =	ssyncadd.s32 $0xFFFFE000  }
0x5b: {  	_ =	swait.ge [sflag:s25], $0x2000  }
.Ltmp2:
0x5c: {  	s2 =	sshra.s32 s29, $0x2;
	[sflag:s25] =	ssyncset.done $0x0;
	(pc) =	sbr.rel @p0 .LBB2_6-.Ltmp2, $4  }
0x5d: {  	s2 =	sadd.s32 $0x5000, s2;
	s29 =	smov.u32 s0;
	[sflag:s25] =	ssyncadd.s32 $0xFFFFE000  }
0x5e: {  	[spmem:s1] =	stream.indirect.scatter.add.f32 [tilespmem:s15], [sflag:$0x3], $0x80, s2, s26, $0xb8;
	[tilespmem:$0x1FC00] =	vst v63  }
0x5f: {  	_ =	swait.ge [sflag:s16], $0x4000  }
0x60: {  	s30 =	sadd.s32 $0x100, s30;
	[sflag:s16] =	ssyncset.done $0x0  }
0x61: {  	s0 =	sadd.s32 $0xFFFFFF80, s30;
	[sflag:s16] =	ssyncadd.s32 $0xFFFFC000  }
0x62: {  	[tilespmem:s15], [sflag:$0x1] =	stream.indirect.gather [hbm4b:s4+s22], $0x80, s0, s22, $0xb8;
	[tilespmem:$0x1FC00] =	vst v63  }
0x63: {  	_ = 	snop  }
0x64: {  	[tilespmem:s23], [sflag:$0x2] =	stream.indirect.gather [hbm4b:s4+s22], $0x80, s30, s22, $0xb8;
	[tilespmem:$0x1FC00] =	vst v63  }
0x65: {  	_ =	swait.ge [sflag:s24], $0x2000  }
0x66: {  	[sflag:s24] =	ssyncset.done $0x0  }
0x67: {  	[sflag:s24] =	ssyncadd.s32 $0xFFFFE000  }
0x68: {  	_ =	swait.ge [sflag:s25], $0x2000  }
0x69: {  	s31 =	sshra.s32 s29, $0x2;
	[sflag:s25] =	ssyncset.done $0x0  }
0x6a: {  	s0 =	sadd.s32 $0x5000, s31;
	[sflag:s25] =	ssyncadd.s32 $0xFFFFE000  }
0x6b: {  	[spmem:s1] =	stream.indirect.scatter.add.f32 [tilespmem:s15], [sflag:$0x3], $0x80, s0, s26, $0xb8;
	[tilespmem:$0x1FC00] =	vst v63  }
0x6c: {  	_ =	swait.ge [sflag:s16], $0x4000  }
0x6d: {  	[sflag:s16] =	ssyncset.done $0x0  }
0x6e: {  	[sflag:s16] =	ssyncadd.s32 $0xFFFFC000  }
0x6f: {  	[bflag:$0x0] =	sbarrier.arrive $0xFFFF  }
0x70: {  	[tilespmem:s15], [sflag:$0x3] =	stream.indirect.gather [spmem:s1], $0x80, s14, s26, $0xb8;
	[tilespmem:$0x1FC00] =	vst v63  }
0x71: {  	_ =	swait.ge [sflag:s16], $0x4000  }
0x72: {  	[sflag:s16] =	ssyncset.done $0x0  }
0x73: {  	[sflag:s16] =	ssyncadd.s32 $0xFFFFC000  }
0x74: {  	[hbm4b:s8+s3] =	stream.linear.scatter [tilespmem:s15], [sflag:$0x3], $0x4000, $0x38;
	[tilespmem:$0x1FC00] =	vst v63  }
0x75: {  	_ =	swait.ge [sflag:s16], $0x4000  }
0x76: {  	[sflag:s16] =	ssyncset.done $0x0  }
0x77: {  	[sflag:s16] =	ssyncadd.s32 $0xFFFFC000  }
0x78: {  	[tilespmem:s15], [sflag:$0x3] =	stream.indirect.gather [spmem:s1], $0x80, s17, s26, $0xb8;
	[tilespmem:$0x1FC00] =	vst v63  }
0x79: {  	_ =	swait.ge [sflag:s16], $0x4000  }
0x7a: {  	[sflag:s16] =	ssyncset.done $0x0  }
0x7b: {  	[sflag:s16] =	ssyncadd.s32 $0xFFFFC000  }
0x7c: {  	[hbm4b:s9+s3] =	stream.linear.scatter [tilespmem:s15], [sflag:$0x3], $0x4000, $0x38;
	[tilespmem:$0x1FC00] =	vst v63  }
0x7d: {  	_ =	swait.ge [sflag:s16], $0x4000  }
0x7e: {  	[sflag:s16] =	ssyncset.done $0x0  }
0x7f: {  	[sflag:s16] =	ssyncadd.s32 $0xFFFFC000  }
0x80: {  	[tilespmem:s15], [sflag:$0x3] =	stream.indirect.gather [spmem:s1], $0x80, s18, s26, $0xb8;
	[tilespmem:$0x1FC00] =	vst v63  }
0x81: {  	_ =	swait.ge [sflag:s16], $0x4000  }
0x82: {  	[sflag:s16] =	ssyncset.done $0x0  }
0x83: {  	[sflag:s16] =	ssyncadd.s32 $0xFFFFC000  }
0x84: {  	[hbm4b:s10+s3] =	stream.linear.scatter [tilespmem:s15], [sflag:$0x3], $0x4000, $0x38;
	[tilespmem:$0x1FC00] =	vst v63  }
0x85: {  	_ =	swait.ge [sflag:s16], $0x4000  }
0x86: {  	[sflag:s16] =	ssyncset.done $0x0  }
0x87: {  	[sflag:s16] =	ssyncadd.s32 $0xFFFFC000  }
0x88: {  	[tilespmem:s15], [sflag:$0x3] =	stream.indirect.gather [spmem:s1], $0x80, s19, s26, $0xb8;
	[tilespmem:$0x1FC00] =	vst v63  }
0x89: {  	_ =	swait.ge [sflag:s16], $0x4000  }
0x8a: {  	[sflag:s16] =	ssyncset.done $0x0  }
0x8b: {  	[sflag:s16] =	ssyncadd.s32 $0xFFFFC000  }
0x8c: {  	[hbm4b:s11+s3] =	stream.linear.scatter [tilespmem:s15], [sflag:$0x3], $0x4000, $0x38;
	[tilespmem:$0x1FC00] =	vst v63  }
0x8d: {  	_ =	swait.ge [sflag:s16], $0x4000  }
0x8e: {  	[sflag:s16] =	ssyncset.done $0x0  }
0x8f: {  	[sflag:s16] =	ssyncadd.s32 $0xFFFFC000  }
0x90: {  	[tilespmem:s15], [sflag:$0x3] =	stream.indirect.gather [spmem:s1], $0x80, s20, s26, $0xb8;
	[tilespmem:$0x1FC00] =	vst v63  }
0x91: {  	s28 =	sadd.s32 $0x1, s28;
	_ =	swait.ge [sflag:s16], $0x4000  }
0x92: {  	p0 =	sne.s32 s28, s13;
	[sflag:s16] =	ssyncset.done $0x0  }
.Ltmp3:
0x93: {  	[sflag:s16] =	ssyncadd.s32 $0xFFFFC000;
	(pc) =	sbr.rel @p0 .LBB2_1-.Ltmp3, $4  }
0x94: {  	[hbm4b:s12+s3] =	stream.linear.scatter [tilespmem:s15], [sflag:$0x3], $0x4000, $0x38;
	[tilespmem:$0x1FC00] =	vst v63  }
0x95: {  	_ =	swait.ge [sflag:s16], $0x4000  }
0x96: {  	[sflag:s16] =	ssyncset.done $0x0  }
0x97: {  	[sflag:s16] =	ssyncadd.s32 $0xFFFFC000  }
0x98: {  	_ =	sfence.sel $0x180000  }
0x99: {  	[bflag:$0x0] =	sbarrier.arrive $0xFFFF  }
0x9a: {  	_ =	strace $0x9000004A  }
0x9b: {  	s0 =	stileid.u32;
	[bflag:$0x2] =	sbarrier.arrive $0xFFFF  }
0x9c: {  	p0 =	sne.s32 s0, $0x0;
	s0 =	rddreg [dreg:$0x3]  }
0x9d: {  	s0 =	sadd.s32 @!p0 $0x100000, s0  }
0x9e: {  	[sflag:s0] =	ssyncadd.tile.s32 @!p0 $0x1;
	_ =	shalt  }
.Lfunc_end2:
_tile_overlayer_lowered:
.L_overlay_start_2:
0x9f: {  	(tag) =	ssettag $0x2  }
0xa0: {  	s0 =	rddreg [dreg:$0x0];
	s2 =	stileid.u32  }
0xa1: {  	s1 =	rddreg [dreg:$0x1];
	p0 =	sne.s32 s2, $0x0  }
0xa2: {  	s3 =	rddreg [dreg:$0x2];
	[bflag:$0x3] =	sbarrier.arrive $0xFFFF;
	s2 =	simm.s32 @!p0 $0x1C03  }
0xa3: {  	[timem:s3], [sflag:s2] =	dma.local @!p0 [hbm:s0], s1  }
0xa4: {  	s0 =	simm.s32 @!p0 $0x3  }
0xa5: {  	_ =	swait.ge @!p0 [sflag:s0], s1  }
0xa6: {  	s1 =	ssub.s32 @!p0 $0x0, s1;
	[sflag:s0] =	ssyncset.done @!p0 $0x0  }
0xa7: {  	[sflag:s0] =	ssyncadd.s32 @!p0 s1  }
0xa8: {  	[bflag:$0x3] =	sbarrier.arrive $0xFFFF  }
0xa9: {  	_ =	shalt  }

// kernel: kernel.14.cloned.1.call-start
scs
__scs_entry_jumppad:
0x0: {  	(pc) =	sbr.rel $0x88, $3  }
0x1: {  	(tag) =	ssettag $0x0;
	lr =	simm.s32 $0x1  }
0x2: {  	[smem:$0x3F9B] =	sst lr;
	_ =	strace $0xD0000000  }
0x3: {  	_ = 	snop  }
0x4: {  	_ = 	snop  }
0x5: {  	_ = 	snop  }
0x6: {  	_ = 	snop  }
0x7: {  	_ = 	snop  }
__scs_overlays_trampoline_lowered:
0x8: {  	[smem:$0x3FAA] =	sst s0  }
0x9: {  	[smem:$0x3FAB] =	sst s1  }
0xa: {  	[smem:$0x3FAC] =	sst s2  }
0xb: {  	[smem:$0x3FAD] =	sst s3  }
0xc: {  	[smem:$0x3FAE] =	sst s4  }
0xd: {  	[smem:$0x3FAF] =	sst s5  }
0xe: {  	[smem:$0x3FB0] =	sst s6  }
0xf: {  	[smem:$0x3FB1] =	sst s7  }
0x10: {  	[smem:$0x3FB2] =	sst s8  }
0x11: {  	[smem:$0x3FB3] =	sst s9;
	s0 =	simm.s32 @!p0 $0x0  }
0x12: {  	s1 =	sld [smem:$0x3F99];
	s0 =	simm.s32 @p0 $0x1  }
0x13: {  	[smem:$0x3FB4] =	sst s0;
	s0 =	simm.s32 @!p1 $0x0  }
0x14: {  	s2 =	sld [smem:$0x3F98];
	s0 =	simm.s32 @p1 $0x1  }
0x15: {  	[smem:$0x3FB5] =	sst s0;
	s0 =	simm.s32 @!p2 $0x0  }
0x16: {  	s3 =	sld [smem:$0x3FDB];
	s0 =	simm.s32 @p2 $0x1  }
0x17: {  	s4 =	simm.s32 $0x1BF5;
	[smem:$0x3FB7] =	sst s0  }
0x18: {  	s0 =	sld [smem:$0x3F9A];
	_ =	swait.ge [sflag:s4], $0x0  }
0x19: {  	s7 =	sld [smem:$0x3F9B]  }
0x1a: {  	s8 =	sadd.s32 $0xFFFFE003, lr  }
0x1b: {  	s9 =	sadd.s32 $0xFFFFFEF7, lr;
	s5 =	simm.s32 $0xFFFFFFFF;
	p2 =	slt.u32 s8, $0xFFFFF086  }
0x1c: {  	p1 =	slt.u32 s9, $0xF7A;
	s5 =	simm.s32 @!p2 $0x0  }
0x1d: {  	s5 =	simm.s32 @p1 $0x1;
	p0 =	seq.s32 s7, s2  }
0x1e: {  	s7 =	smul.u32 @!p0 $0xF7A, s2;
	p2 =	seq.s32 @!p0 s5, $0x0  }
0x1f: {  	s9 =	smul.u32 $0xF7A, s1;
	s8 =	simm.s32 @!p0 $0x1BF5;
	p2 =	por !p2, p0  }
0x20: {  	[sflag:s8] =	ssyncset.s32 @!p0 $0xFFFFF086;
	s6 =	sadd.s32 @!p0 s3, s7;
	s7 =	simm.s32 @!p0 $0x108  }
0x21: {  	s3 =	sadd.s32 s3, s9;
	s6 =	sadd.s32 @!p0 $0x88, s6;
	s7 =	simm.s32 @p2 $0x1082  }
0x22: {  	[simem:s7], [sflag:s8] =	dma.local @!p0 [hbm:s6], $0xF7A  }
0x23: {  	s9 =	sor.u32 $0xD0000000, s2;
	s6 =	simm.s32 $0x108;
	_ =	swait.ge @!p0 [sflag:s8], $0x0  }
0x24: {  	s3 =	sadd.s32 $0x88, s3;
	s6 =	simm.s32 @!p1 $0x1082;
	[sflag:s4] =	ssyncset.s32 $0xFFFFF086  }
0x25: {  	[simem:s6], [sflag:s4] =	dma.local [hbm:s3], $0xF7A  }
0x26: {  	[smem:$0x3F9B] =	sst s1;
	(tag) =	ssettag s2;
	_ =	strace s9  }
0x27: {  	s1 =	sld [smem:$0x3FAB]  }
0x28: {  	s2 =	sld [smem:$0x3FAC]  }
0x29: {  	s4 =	sld [smem:$0x3FAE]  }
0x2a: {  	p0 =	seq.s32 s5, $0x0;
	s5 =	sld [smem:$0x3FAF]  }
0x2b: {  	s6 =	sld [smem:$0x3FB0]  }
0x2c: {  	s7 =	sld [smem:$0x3FB1]  }
0x2d: {  	s3 =	simm.s32 $0x108;
	s8 =	sld [smem:$0x3FB2]  }
0x2e: {  	s3 =	simm.s32 @!p0 $0x1082;
	s9 =	sld [smem:$0x3FB3]  }
0x2f: {  	lr =	sadd.s32 s0, s3;
	s0 =	sld [smem:$0x3FAA]  }
0x30: {  	s3 =	sld [smem:$0x3FAD]  }
0x31: {  	[smem:$0x3FB6] =	sst s10  }
0x32: {  	s10 =	sld [smem:$0x3FB4];
	_ =	sdelay $0x3  }
0x33: {  	p0 =	seq.s32 s10, $0x1;
	s10 =	sld [smem:$0x3FB6];
	_ =	sdelay $0x3  }
0x34: {  	[smem:$0x3FB6] =	sst s10  }
0x35: {  	s10 =	sld [smem:$0x3FB5];
	_ =	sdelay $0x3  }
0x36: {  	p1 =	seq.s32 s10, $0x1;
	s10 =	sld [smem:$0x3FB6];
	_ =	sdelay $0x3  }
0x37: {  	[smem:$0x3FB6] =	sst s10  }
0x38: {  	s10 =	sld [smem:$0x3FB7]  }
0x39: {  	_ = 	snop;
	(pc) =	sbr.ind lr, $3  }
0x3a: {  	_ = 	snop  }
0x3b: {  	_ = 	snop  }
0x3c: {  	p2 =	seq.s32 s10, $0x1;
	s10 =	sld [smem:$0x3FB6]  }
0x3d: {  	_ =	shalt  }
0x3e: {  	_ =	shalt  }
0x3f: {  	_ =	shalt  }
0x40: {  	_ =	shalt  }
0x41: {  	_ =	shalt  }
0x42: {  	_ =	shalt  }
0x43: {  	_ =	shalt  }
0x44: {  	_ =	shalt  }
0x45: {  	_ =	shalt  }
0x46: {  	_ =	shalt  }
0x47: {  	_ =	shalt  }
0x48: {  	_ =	shalt  }
0x49: {  	_ =	shalt  }
0x4a: {  	_ =	shalt  }
0x4b: {  	_ =	shalt  }
0x4c: {  	_ =	shalt  }
0x4d: {  	_ =	shalt  }
0x4e: {  	_ =	shalt  }
0x4f: {  	_ =	shalt  }
0x50: {  	_ =	shalt  }
0x51: {  	_ =	shalt  }
0x52: {  	_ =	shalt  }
0x53: {  	_ =	shalt  }
0x54: {  	_ =	shalt  }
0x55: {  	_ =	shalt  }
0x56: {  	_ =	shalt  }
0x57: {  	_ =	shalt  }
0x58: {  	_ =	shalt  }
0x59: {  	_ =	shalt  }
0x5a: {  	_ =	shalt  }
0x5b: {  	_ =	shalt  }
0x5c: {  	_ =	shalt  }
0x5d: {  	_ =	shalt  }
0x5e: {  	_ =	shalt  }
0x5f: {  	_ =	shalt  }
0x60: {  	_ =	shalt  }
0x61: {  	_ =	shalt  }
0x62: {  	_ =	shalt  }
0x63: {  	_ =	shalt  }
0x64: {  	_ =	shalt  }
0x65: {  	_ =	shalt  }
0x66: {  	_ =	shalt  }
0x67: {  	_ =	shalt  }
0x68: {  	_ =	shalt  }
0x69: {  	_ =	shalt  }
0x6a: {  	_ =	shalt  }
0x6b: {  	_ =	shalt  }
0x6c: {  	_ =	shalt  }
0x6d: {  	_ =	shalt  }
0x6e: {  	_ =	shalt  }
0x6f: {  	_ =	shalt  }
0x70: {  	_ =	shalt  }
0x71: {  	_ =	shalt  }
0x72: {  	_ =	shalt  }
0x73: {  	_ =	shalt  }
0x74: {  	_ =	shalt  }
0x75: {  	_ =	shalt  }
0x76: {  	_ =	shalt  }
0x77: {  	_ =	shalt  }
0x78: {  	_ =	shalt  }
0x79: {  	_ =	shalt  }
0x7a: {  	_ =	shalt  }
0x7b: {  	_ =	shalt  }
0x7c: {  	_ =	shalt  }
0x7d: {  	_ =	shalt  }
0x7e: {  	_ =	shalt  }
0x7f: {  	_ =	shalt  }
0x80: {  	_ =	shalt  }
0x81: {  	_ =	shalt  }
0x82: {  	_ =	shalt  }
0x83: {  	_ =	shalt  }
0x84: {  	_ =	shalt  }
0x85: {  	_ =	shalt  }
0x86: {  	_ =	shalt  }
0x87: {  	_ =	shalt  }
.Lfunc_end0:
.L_simem_size_0:
called_computation.2_lowered:
.L_overlay_start_0:
0x88: {  	s2 =	sld [smem:$0x3FD9]  }
0x89: {  	s3 =	sld [smem:$0x3FFE];
	_ =	sdelay $0x1  }
0x8a: {  	s1 =	srdreg.scid  }
0x8b: {  	s0 =	sand.u32 $0x1, s1  }
0x8c: {  	s17 =	sshll.u32 s0, $0xA;
	s2 =	sadd.s32 s3, s2  }
0x8d: {  	s2 =	sadd.s32 s2, s17  }
0x8e: {  	[smem:$0x3FC2] =	sst s2  }
0x8f: {  	_ = 	snop  }
0x90: {  	s2 =	sld [smem:$0x3FD0];
	(tm) =	ssettm $0x1  }
0x91: {  	s18 =	sld [smem:$0x3FFB];
	_ =	sdelay $0x3  }
0x92: {  	_ =	strace s18  }
0x93: {  	s3 =	sld [smem:$0x3FFC];
	_ =	sdelay $0x3  }
0x94: {  	_ =	strace s3  }
0x95: {  	s3 =	sld [smem:$0x3FFD];
	_ =	sdelay $0x3  }
0x96: {  	_ =	strace s3  }
0x97: {  	_ =	strace $0x8FFFFFFF  }
0x98: {  	s19 =	sld [smem:$0x3FDB];
	_ =	sdelay $0x1  }
0x99: {  	s4 =	simm.s32 $_scs_section_size  }
0x9a: {  	s5 =	simm.s32 $_size__tile_overlayer_lowered;
	s6 =	simm.s32 $_tile_overlayer_lowered  }
0x9b: {  	s22 =	simm.s32 $0x1BFF;
	s21 =	sshll.u32 s6, $0x1;
	s3 =	sadd.s32 s4, s19  }
0x9c: {  	s7 =	simm.s32 $0x0;
	s20 =	sshll.u32 s5, $0x1;
	s5 =	sadd.s32 s21, s3  }
0x9d: {  	[timem:s7], [sflag:s22] =	dma.local [hbm:s5], s20  }
0x9e: {  	_ =	swait.ge [sflag:s22], s20  }
0x9f: {  	s4 =	ssub.s32 $0x0, s20;
	[sflag:s22] =	ssyncset.done $0x0  }
0xa0: {  	[sflag:s22] =	ssyncadd.s32 s4;
	_ =	sdelay $0x1  }
0xa1: {  	s23 =	simm.s32 $0x1B8B  }
0xa2: {  	_ =	swait.ge [sflag:s23], $0x1  }
0xa3: {  	[sflag:s23] =	ssyncset.done $0x0  }
0xa4: {  	s25 =	simm.s32 $0x1B8E;
	s24 =	sld [smem:$0x3FFE];
	[sflag:s23] =	ssyncadd.s32 $0xFFFFFFFF  }
0xa5: {  	s26 =	simm.s32 $execute0_lowered;
	[smem:$0x3FD2] =	sst s25  }
0xa6: {  	s5 =	sshll.u32 s26, $0x1;
	_ =	strace $0x8000004C;
	[dreg:$0x1] =	wrdreg $0xFFFFFFFF  }
0xa7: {  	s28 =	simm.s32 $_size_execute0_lowered;
	s3 =	sadd.s32 s3, s5;
	[dreg:$0x0] =	wrdreg $0x0  }
0xa8: {  	s5 =	sshll.u32 s28, $0x1;
	[dreg:$0x2] =	wrdreg s3  }
0xa9: {  	[dreg:$0x3] =	wrdreg s5  }
0xaa: {  	[dreg:$0x4] =	wrdreg $0xC0  }
0xab: {  	_ =	task [dreg:s7], $0x5FFFF  }
0xac: {  	[dreg:$0x1] =	wrdreg $0xFFFFFFFF  }
0xad: {  	[dreg:$0x0] =	wrdreg $0x60  }
0xae: {  	[dreg:$0x2] =	wrdreg s24  }
0xaf: {  	[dreg:$0x3] =	wrdreg s2  }
0xb0: {  	[dreg:$0x4] =	wrdreg $0xBC000  }
0xb1: {  	[dreg:$0x5] =	wrdreg $0x9  }
0xb2: {  	_ =	task.clear_ibuf [dreg:s7], $0x6FFFF;
	_ =	strace $0x9000004C  }
0xb3: {  	s29 =	simm.s32 $0x9;
	_ =	strace $0x8000004E  }
0xb4: {  	_ =	swait.ge [sflag:s29], $0x1  }
0xb5: {  	[sflag:s29] =	ssyncadd.s32 $0xFFFFFFFF  }
0xb6: {  	_ =	strace $0x9000004E  }
0xb7: {  	_ =	sfence  }
0xb8: {  	s30 =	sld [smem:$0x0];
	_ =	sdelay $0x2  }
0xb9: {  	s31 =	sshll.u32 s1, $0xD;
	s1 =	sshrl.u32 s1, $0x2  }
0xba: {  	s3 =	sand.u32 $0x4000, s31;
	s1 =	sadd.s32 s1, s30  }
0xbb: {  	s0 =	sor.u32 s3, s0;
	s1 =	sshll.u32 s1, $0x11  }
0xbc: {  	s0 =	sor.u32 s1, s0  }
0xbd: {  	s0 =	sadd.s32 $0x8F2B, s0  }
0xbe: {  	[sflag:s0] =	ssyncadd.remote.s32 $0x1  }
0xbf: {  	_ =	sfence.sel $0xFFFF  }
0xc0: {  	[dreg:$0x0] =	wrdreg $0xFFFFFFFF;
	(pc) =	sbr.abs _section_cstart, $3  }
0xc1: {  	[dreg:$0x1] =	wrdreg $0xFFFFFFFF  }
0xc2: {  	_ =	task.clear_ibuf [dreg:s7], $0x2FFFF;
	_ =	strace $0x9FFFFFFF  }
0xc3: {  	(tm) =	ssettm $0x7FFFFFFF  }
tec
execute0_lowered:
.L_overlay_start_1:
0x0: {  	(tag) =	ssettag $0x1  }
0x1: {  	s5 =	rddreg [dreg:$0x0]  }
0x2: {  	s6 =	rddreg [dreg:$0x1]  }
0x3: {  	s1 =	rddreg [dreg:$0x2];
	s2 =	srdreg.scid  }
0x4: {  	s3 =	simm.s32 $0x0;
	s0 =	stileid.u32;
	s14 =	simm.s32 $0x7800  }
0x5: {  	s15 =	simm.s32 $0x7C00;
	s16 =	simm.s32 $0x3;
	s17 =	simm.s32 $0x7880  }
0x6: {  	s18 =	simm.s32 $0x7900;
	s19 =	simm.s32 $0x7980;
	s20 =	simm.s32 $0x7A00  }
0x7: {  	s21 =	simm.s32 $0x5000;
	s22 =	simm.s32 $0x40;
	s23 =	simm.s32 $0x9C00  }
0x8: {  	s24 =	simm.s32 $0x1;
	s25 =	simm.s32 $0x2;
	s26 =	simm.s32 $0x80  }
0x9: {  	s28 =	simm.s32 $0x0;
	s7 =	sand.u32 $0x1, s2;
	s9 =	smul.u32 $0x14000, s0  }
0xa: {  	[smem:$0x7FF] =	sst s3;
	s8 =	smul.u32 $0x140000, s7;
	s4 =	sshll.u32 s7, $0x4  }
0xb: {  	_ =	strace $0x8000004D;
	s7 =	ssub.s32 $0x2, s7;
	s10 =	sor.u32 s0, s4  }
0xc: {  	s4 =	sadd.s32 $0xBE00, s5;
	s31 =	sshrl.u32 s7, $0x1;
	s11 =	smul.u32 $0x500, s10  }
0xd: {  	s8 =	sadd.s32 s9, s8;
	s29 =	smul.u32 $0xA00, s10;
	s13 =	ssub.s32 s7, s31  }
0xe: {  	s8 =	sshrl.u32 s8, $0x3;
	s13 =	smax.u32 s13, $0x1;
	s30 =	sadd.s32 s11, s5  }
0xf: {  	s12 =	sadd.s32 s8, s5;
	s5 =	smul.u32 $0x280, s0;
	s6 =	sadd.s32 s6, s29  }
0x10: {  	s7 =	sadd.s32 $0x1E00, s30;
	s8 =	sadd.s32 $0x33E00, s12;
	s9 =	sadd.s32 $0x34600, s12  }
0x11: {  	v0 =	vimm.f32 $0.0e+00;
	v1 =	vlaneseq.u32;
	s10 =	sadd.s32 $0x34E00, s12;
	s11 =	sadd.s32 $0x35600, s12;
	s12 =	sadd.s32 $0x35E00, s12  }
.LBB2_1:
0x12: {  	s29 =	simm.s32 $0x0;
	s30 =	simm.s32 $0x200  }
.LBB2_2:
0x13: {  	p0 =	sne.s32 s30, $0xFE00;
	[tilespmem:s29+$0x7C70] =	vst v0  }
0x14: {  	[tilespmem:s29+$0x7C00] =	vst v0  }
0x15: {  	[tilespmem:s29+$0x7C10] =	vst v0  }
.Ltmp0:
0x16: {  	[tilespmem:s29+$0x7C20] =	vst v0;
	(pc) =	sbr.rel @p0 .LBB2_2-.Ltmp0, $4  }
0x17: {  	[tilespmem:s29+$0x7C30] =	vst v0  }
0x18: {  	[tilespmem:s29+$0x7C40] =	vst v0  }
0x19: {  	[tilespmem:s29+$0x7C50] =	vst v0  }
0x1a: {  	[tilespmem:s29+$0x7C60] =	vst v0;
	s29 =	sshra.s32 s30, $0x2;
	s30 =	sadd.s32 $0x200, s30  }
0x1b: {  	[tilespmem:s29+$0x7C70] =	vst v0  }
0x1c: {  	[tilespmem:s29+$0x7C00] =	vst v0  }
0x1d: {  	[tilespmem:s29+$0x7C10] =	vst v0  }
0x1e: {  	[tilespmem:s29+$0x7C20] =	vst v0  }
0x1f: {  	[tilespmem:s29+$0x7C30] =	vst v0;
	s30 =	simm.s32 $0x0  }
0x20: {  	[tilespmem:s29+$0x7C40] =	vst v0;
	s31 =	sand.u32 $0xE00, s30  }
0x21: {  	[tilespmem:s29+$0x7C50] =	vst v0;
	s2 =	sadd.s32 $0x0, s5;
	s0 =	sand.u32 $0x70, s30;
	s31 =	sshrl.u32 s31, $0x2  }
0x22: {  	[tilespmem:s29+$0x7C60] =	vst v0;
	s29 =	simm.s32 $0x40;
	v2 =	vor.u32 s2, v1;
	s31 =	sor.u32 s0, s31  }
.LBB2_4:
0x23: {  	p0 =	sne.s32 s29, $0x9C0  }
0x24: {  	[tilespmem:s31+$0x7800] =	vst v2;
	s30 =	sadd.s32 $0x10, s30;
	s0 =	smov.u32 s29;
	s29 =	sadd.s32 $0x40, s29  }
.Ltmp1:
0x25: {  	(pc) =	sbr.rel @p0 .LBB2_4-.Ltmp1, $4  }
0x26: {  	_ = 	snop  }
0x27: {  	s0 =	sand.u32 $0xE00, s0  }
0x28: {  	s2 =	sand.u32 $0x70, s30;
	s31 =	sadd.s32 s30, s5;
	s0 =	sshrl.u32 s0, $0x2  }
0x29: {  	v2 =	vor.u32 s31, v1;
	s31 =	sor.u32 s2, s0  }
0x2a: {  	[tilespmem:s31+$0x7800] =	vst v2;
	s0 =	simm.s32 $0x80  }
0x2b: {  	[spmem:s1] =	stream.indirect.scatter [tilespmem:s15], [sflag:$0x3], $0x80, s14, s0, $0xb8;
	[tilespmem:$0x1FC00] =	vst v63  }
0x2c: {  	_ =	swait.ge [sflag:s16], $0x4000  }
0x2d: {  	[sflag:s16] =	ssyncset.done $0x0  }
0x2e: {  	[sflag:s16] =	ssyncadd.s32 $0xFFFFC000  }
0x2f: {  	[spmem:s1] =	stream.indirect.scatter [tilespmem:s15], [sflag:$0x3], $0x80, s17, s0, $0xb8;
	[tilespmem:$0x1FC00] =	vst v63  }
0x30: {  	_ =	swait.ge [sflag:s16], $0x4000  }
0x31: {  	[sflag:s16] =	ssyncset.done $0x0  }
0x32: {  	[sflag:s16] =	ssyncadd.s32 $0xFFFFC000  }
0x33: {  	[spmem:s1] =	stream.indirect.scatter [tilespmem:s15], [sflag:$0x3], $0x80, s18, s0, $0xb8;
	[tilespmem:$0x1FC00] =	vst v63  }
0x34: {  	_ =	swait.ge [sflag:s16], $0x4000  }
0x35: {  	[sflag:s16] =	ssyncset.done $0x0  }
0x36: {  	[sflag:s16] =	ssyncadd.s32 $0xFFFFC000  }
0x37: {  	[spmem:s1] =	stream.indirect.scatter [tilespmem:s15], [sflag:$0x3], $0x80, s19, s0, $0xb8;
	[tilespmem:$0x1FC00] =	vst v63  }
0x38: {  	_ =	swait.ge [sflag:s16], $0x4000  }
0x39: {  	[sflag:s16] =	ssyncset.done $0x0  }
0x3a: {  	[sflag:s16] =	ssyncadd.s32 $0xFFFFC000  }
0x3b: {  	[spmem:s1] =	stream.indirect.scatter [tilespmem:s15], [sflag:$0x3], $0x80, s20, s0, $0xb8;
	[tilespmem:$0x1FC00] =	vst v63  }
0x3c: {  	_ =	swait.ge [sflag:s16], $0x4000  }
0x3d: {  	[sflag:s16] =	ssyncset.done $0x0  }
0x3e: {  	[sflag:s16] =	ssyncadd.s32 $0xFFFFC000  }
0x3f: {  	s2 =	simm.s32 $0x0;
	[bflag:$0x0] =	sbarrier.arrive $0xFFFF  }
0x40: {  	[tilespmem:s2], [sflag:$0x3] =	stream.linear.gather [hbm4b:s6+s2], $0x4F00, $0x38;
	[tilespmem:$0x1FC00] =	vst v63  }
0x41: {  	_ =	swait.ge [sflag:s16], $0x4F00  }
0x42: {  	[sflag:s16] =	ssyncset.done $0x0  }
0x43: {  	[sflag:s16] =	ssyncadd.s32 $0xFFFFB100  }
0x44: {  	[tilespmem:s21], [sflag:$0x3] =	stream.linear.gather [hbm4b:s7+s2], $0x2780, $0x38;
	[tilespmem:$0x1FC00] =	vst v63  }
0x45: {  	_ =	swait.ge [sflag:s16], $0x2780  }
0x46: {  	[sflag:s16] =	ssyncset.done $0x0  }
0x47: {  	s2 =	simm.s32 $0x0;
	[sflag:s16] =	ssyncadd.s32 $0xFFFFD880  }
0x48: {  	[tilespmem:s15], [sflag:$0x1] =	stream.indirect.gather [hbm4b:s4+s22], $0x80, s2, s22, $0xb8;
	[tilespmem:$0x1FC00] =	vst v63  }
0x49: {  	_ = 	snop  }
0x4a: {  	[tilespmem:s23], [sflag:$0x2] =	stream.indirect.gather [hbm4b:s4+s22], $0x80, s0, s22, $0xb8;
	[tilespmem:$0x1FC00] =	vst v63  }
0x4b: {  	_ =	swait.ge [sflag:s24], $0x2000  }
0x4c: {  	[sflag:s24] =	ssyncset.done $0x0  }
0x4d: {  	[sflag:s24] =	ssyncadd.s32 $0xFFFFE000  }
0x4e: {  	_ =	swait.ge [sflag:s25], $0x2000  }
0x4f: {  	[sflag:s25] =	ssyncset.done $0x0  }
0x50: {  	s2 =	simm.s32 $0x5000;
	[sflag:s25] =	ssyncadd.s32 $0xFFFFE000  }
0x51: {  	[spmem:s1] =	stream.indirect.scatter.add.f32 [tilespmem:s15], [sflag:$0x3], $0x80, s2, s26, $0xb8;
	[tilespmem:$0x1FC00] =	vst v63  }
0x52: {  	s29 =	simm.s32 $0x200;
	_ =	swait.ge [sflag:s16], $0x4000  }
0x53: {  	s31 =	simm.s32 $0x400;
	s30 =	simm.s32 $0x180;
	[sflag:s16] =	ssyncset.done $0x0  }
.LBB2_6:
0x54: {  	p0 =	sne.s32 s31, $0x9C00;
	s0 =	sadd.s32 $0xFFFFFF80, s30;
	[sflag:s16] =	ssyncadd.s32 $0xFFFFC000  }
0x55: {  	[tilespmem:s15], [sflag:$0x1] =	stream.indirect.gather [hbm4b:s4+s22], $0x80, s0, s22, $0xb8;
	[tilespmem:$0x1FC00] =	vst v63  }
0x56: {  	s0 =	smov.u32 s31;
	s31 =	sadd.s32 $0x200, s31  }
0x57: {  	[tilespmem:s23], [sflag:$0x2] =	stream.indirect.gather [hbm4b:s4+s22], $0x80, s30, s22, $0xb8;
	[tilespmem:$0x1FC00] =	vst v63  }
0x58: {  	_ =	swait.ge [sflag:s24], $0x2000  }
0x59: {  	[sflag:s24] =	ssyncset.done $0x0  }
0x5a: {  	[sflag:s24] =	ssyncadd.s32 $0xFFFFE000  }
0x5b: {  	_ =	swait.ge [sflag:s25], $0x2000  }
.Ltmp2:
0x5c: {  	s2 =	sshra.s32 s29, $0x2;
	[sflag:s25] =	ssyncset.done $0x0;
	(pc) =	sbr.rel @p0 .LBB2_6-.Ltmp2, $4  }
0x5d: {  	s2 =	sadd.s32 $0x5000, s2;
	s29 =	smov.u32 s0;
	[sflag:s25] =	ssyncadd.s32 $0xFFFFE000  }
0x5e: {  	[spmem:s1] =	stream.indirect.scatter.add.f32 [tilespmem:s15], [sflag:$0x3], $0x80, s2, s26, $0xb8;
	[tilespmem:$0x1FC00] =	vst v63  }
0x5f: {  	_ =	swait.ge [sflag:s16], $0x4000  }
0x60: {  	s30 =	sadd.s32 $0x100, s30;
	[sflag:s16] =	ssyncset.done $0x0  }
0x61: {  	s0 =	sadd.s32 $0xFFFFFF80, s30;
	[sflag:s16] =	ssyncadd.s32 $0xFFFFC000  }
0x62: {  	[tilespmem:s15], [sflag:$0x1] =	stream.indirect.gather [hbm4b:s4+s22], $0x80, s0, s22, $0xb8;
	[tilespmem:$0x1FC00] =	vst v63  }
0x63: {  	_ = 	snop  }
0x64: {  	[tilespmem:s23], [sflag:$0x2] =	stream.indirect.gather [hbm4b:s4+s22], $0x80, s30, s22, $0xb8;
	[tilespmem:$0x1FC00] =	vst v63  }
0x65: {  	_ =	swait.ge [sflag:s24], $0x2000  }
0x66: {  	[sflag:s24] =	ssyncset.done $0x0  }
0x67: {  	[sflag:s24] =	ssyncadd.s32 $0xFFFFE000  }
0x68: {  	_ =	swait.ge [sflag:s25], $0x2000  }
0x69: {  	s31 =	sshra.s32 s29, $0x2;
	[sflag:s25] =	ssyncset.done $0x0  }
0x6a: {  	s0 =	sadd.s32 $0x5000, s31;
	[sflag:s25] =	ssyncadd.s32 $0xFFFFE000  }
0x6b: {  	[spmem:s1] =	stream.indirect.scatter.add.f32 [tilespmem:s15], [sflag:$0x3], $0x80, s0, s26, $0xb8;
	[tilespmem:$0x1FC00] =	vst v63  }
0x6c: {  	_ =	swait.ge [sflag:s16], $0x4000  }
0x6d: {  	[sflag:s16] =	ssyncset.done $0x0  }
0x6e: {  	[sflag:s16] =	ssyncadd.s32 $0xFFFFC000  }
0x6f: {  	[bflag:$0x0] =	sbarrier.arrive $0xFFFF  }
0x70: {  	[tilespmem:s15], [sflag:$0x3] =	stream.indirect.gather [spmem:s1], $0x80, s14, s26, $0xb8;
	[tilespmem:$0x1FC00] =	vst v63  }
0x71: {  	_ =	swait.ge [sflag:s16], $0x4000  }
0x72: {  	[sflag:s16] =	ssyncset.done $0x0  }
0x73: {  	[sflag:s16] =	ssyncadd.s32 $0xFFFFC000  }
0x74: {  	[hbm4b:s8+s3] =	stream.linear.scatter [tilespmem:s15], [sflag:$0x3], $0x4000, $0x38;
	[tilespmem:$0x1FC00] =	vst v63  }
0x75: {  	_ =	swait.ge [sflag:s16], $0x4000  }
0x76: {  	[sflag:s16] =	ssyncset.done $0x0  }
0x77: {  	[sflag:s16] =	ssyncadd.s32 $0xFFFFC000  }
0x78: {  	[tilespmem:s15], [sflag:$0x3] =	stream.indirect.gather [spmem:s1], $0x80, s17, s26, $0xb8;
	[tilespmem:$0x1FC00] =	vst v63  }
0x79: {  	_ =	swait.ge [sflag:s16], $0x4000  }
0x7a: {  	[sflag:s16] =	ssyncset.done $0x0  }
0x7b: {  	[sflag:s16] =	ssyncadd.s32 $0xFFFFC000  }
0x7c: {  	[hbm4b:s9+s3] =	stream.linear.scatter [tilespmem:s15], [sflag:$0x3], $0x4000, $0x38;
	[tilespmem:$0x1FC00] =	vst v63  }
0x7d: {  	_ =	swait.ge [sflag:s16], $0x4000  }
0x7e: {  	[sflag:s16] =	ssyncset.done $0x0  }
0x7f: {  	[sflag:s16] =	ssyncadd.s32 $0xFFFFC000  }
0x80: {  	[tilespmem:s15], [sflag:$0x3] =	stream.indirect.gather [spmem:s1], $0x80, s18, s26, $0xb8;
	[tilespmem:$0x1FC00] =	vst v63  }
0x81: {  	_ =	swait.ge [sflag:s16], $0x4000  }
0x82: {  	[sflag:s16] =	ssyncset.done $0x0  }
0x83: {  	[sflag:s16] =	ssyncadd.s32 $0xFFFFC000  }
0x84: {  	[hbm4b:s10+s3] =	stream.linear.scatter [tilespmem:s15], [sflag:$0x3], $0x4000, $0x38;
	[tilespmem:$0x1FC00] =	vst v63  }
0x85: {  	_ =	swait.ge [sflag:s16], $0x4000  }
0x86: {  	[sflag:s16] =	ssyncset.done $0x0  }
0x87: {  	[sflag:s16] =	ssyncadd.s32 $0xFFFFC000  }
0x88: {  	[tilespmem:s15], [sflag:$0x3] =	stream.indirect.gather [spmem:s1], $0x80, s19, s26, $0xb8;
	[tilespmem:$0x1FC00] =	vst v63  }
0x89: {  	_ =	swait.ge [sflag:s16], $0x4000  }
0x8a: {  	[sflag:s16] =	ssyncset.done $0x0  }
0x8b: {  	[sflag:s16] =	ssyncadd.s32 $0xFFFFC000  }
0x8c: {  	[hbm4b:s11+s3] =	stream.linear.scatter [tilespmem:s15], [sflag:$0x3], $0x4000, $0x38;
	[tilespmem:$0x1FC00] =	vst v63  }
0x8d: {  	_ =	swait.ge [sflag:s16], $0x4000  }
0x8e: {  	[sflag:s16] =	ssyncset.done $0x0  }
0x8f: {  	[sflag:s16] =	ssyncadd.s32 $0xFFFFC000  }
0x90: {  	[tilespmem:s15], [sflag:$0x3] =	stream.indirect.gather [spmem:s1], $0x80, s20, s26, $0xb8;
	[tilespmem:$0x1FC00] =	vst v63  }
0x91: {  	s28 =	sadd.s32 $0x1, s28;
	_ =	swait.ge [sflag:s16], $0x4000  }
0x92: {  	p0 =	sne.s32 s28, s13;
	[sflag:s16] =	ssyncset.done $0x0  }
.Ltmp3:
0x93: {  	[sflag:s16] =	ssyncadd.s32 $0xFFFFC000;
	(pc) =	sbr.rel @p0 .LBB2_1-.Ltmp3, $4  }
0x94: {  	[hbm4b:s12+s3] =	stream.linear.scatter [tilespmem:s15], [sflag:$0x3], $0x4000, $0x38;
	[tilespmem:$0x1FC00] =	vst v63  }
0x95: {  	_ =	swait.ge [sflag:s16], $0x4000  }
0x96: {  	[sflag:s16] =	ssyncset.done $0x0  }
0x97: {  	[sflag:s16] =	ssyncadd.s32 $0xFFFFC000  }
0x98: {  	_ =	sfence.sel $0x180000  }
0x99: {  	[bflag:$0x0] =	sbarrier.arrive $0xFFFF  }
0x9a: {  	_ =	strace $0x9000004D  }
0x9b: {  	s0 =	stileid.u32;
	[bflag:$0x2] =	sbarrier.arrive $0xFFFF  }
0x9c: {  	p0 =	sne.s32 s0, $0x0;
	s0 =	rddreg [dreg:$0x3]  }
0x9d: {  	s0 =	sadd.s32 @!p0 $0x100000, s0  }
0x9e: {  	[sflag:s0] =	ssyncadd.tile.s32 @!p0 $0x1;
	_ =	shalt  }
.Lfunc_end2:
_tile_overlayer_lowered:
.L_overlay_start_2:
0x9f: {  	(tag) =	ssettag $0x2  }
0xa0: {  	s0 =	rddreg [dreg:$0x0];
	s2 =	stileid.u32  }
0xa1: {  	s1 =	rddreg [dreg:$0x1];
	p0 =	sne.s32 s2, $0x0  }
0xa2: {  	s3 =	rddreg [dreg:$0x2];
	[bflag:$0x3] =	sbarrier.arrive $0xFFFF;
	s2 =	simm.s32 @!p0 $0x1C03  }
0xa3: {  	[timem:s3], [sflag:s2] =	dma.local @!p0 [hbm:s0], s1  }
0xa4: {  	s0 =	simm.s32 @!p0 $0x3  }
0xa5: {  	_ =	swait.ge @!p0 [sflag:s0], s1  }
0xa6: {  	s1 =	ssub.s32 @!p0 $0x0, s1;
	[sflag:s0] =	ssyncset.done @!p0 $0x0  }
0xa7: {  	[sflag:s0] =	ssyncadd.s32 @!p0 s1  }
0xa8: {  	[bflag:$0x3] =	sbarrier.arrive $0xFFFF  }
0xa9: {  	_ =	shalt  }

// kernel: kernel.8.cloned.1.call-start
scs
__scs_entry_jumppad:
0x0: {  	(pc) =	sbr.rel $0x88, $3  }
0x1: {  	(tag) =	ssettag $0x0;
	lr =	simm.s32 $0x1  }
0x2: {  	[smem:$0x3F9B] =	sst lr;
	_ =	strace $0xD0000000  }
0x3: {  	_ = 	snop  }
0x4: {  	_ = 	snop  }
0x5: {  	_ = 	snop  }
0x6: {  	_ = 	snop  }
0x7: {  	_ = 	snop  }
__scs_overlays_trampoline_lowered:
0x8: {  	[smem:$0x3FAA] =	sst s0  }
0x9: {  	[smem:$0x3FAB] =	sst s1  }
0xa: {  	[smem:$0x3FAC] =	sst s2  }
0xb: {  	[smem:$0x3FAD] =	sst s3  }
0xc: {  	[smem:$0x3FAE] =	sst s4  }
0xd: {  	[smem:$0x3FAF] =	sst s5  }
0xe: {  	[smem:$0x3FB0] =	sst s6  }
0xf: {  	[smem:$0x3FB1] =	sst s7  }
0x10: {  	[smem:$0x3FB2] =	sst s8  }
0x11: {  	[smem:$0x3FB3] =	sst s9;
	s0 =	simm.s32 @!p0 $0x0  }
0x12: {  	s1 =	sld [smem:$0x3F99];
	s0 =	simm.s32 @p0 $0x1  }
0x13: {  	[smem:$0x3FB4] =	sst s0;
	s0 =	simm.s32 @!p1 $0x0  }
0x14: {  	s2 =	sld [smem:$0x3F98];
	s0 =	simm.s32 @p1 $0x1  }
0x15: {  	[smem:$0x3FB5] =	sst s0;
	s0 =	simm.s32 @!p2 $0x0  }
0x16: {  	s3 =	sld [smem:$0x3FDB];
	s0 =	simm.s32 @p2 $0x1  }
0x17: {  	s4 =	simm.s32 $0x1BF5;
	[smem:$0x3FB7] =	sst s0  }
0x18: {  	s0 =	sld [smem:$0x3F9A];
	_ =	swait.ge [sflag:s4], $0x0  }
0x19: {  	s7 =	sld [smem:$0x3F9B]  }
0x1a: {  	s8 =	sadd.s32 $0xFFFFE003, lr  }
0x1b: {  	s9 =	sadd.s32 $0xFFFFFEF7, lr;
	s5 =	simm.s32 $0xFFFFFFFF;
	p2 =	slt.u32 s8, $0xFFFFF086  }
0x1c: {  	p1 =	slt.u32 s9, $0xF7A;
	s5 =	simm.s32 @!p2 $0x0  }
0x1d: {  	s5 =	simm.s32 @p1 $0x1;
	p0 =	seq.s32 s7, s2  }
0x1e: {  	s7 =	smul.u32 @!p0 $0xF7A, s2;
	p2 =	seq.s32 @!p0 s5, $0x0  }
0x1f: {  	s9 =	smul.u32 $0xF7A, s1;
	s8 =	simm.s32 @!p0 $0x1BF5;
	p2 =	por !p2, p0  }
0x20: {  	[sflag:s8] =	ssyncset.s32 @!p0 $0xFFFFF086;
	s6 =	sadd.s32 @!p0 s3, s7;
	s7 =	simm.s32 @!p0 $0x108  }
0x21: {  	s3 =	sadd.s32 s3, s9;
	s6 =	sadd.s32 @!p0 $0x88, s6;
	s7 =	simm.s32 @p2 $0x1082  }
0x22: {  	[simem:s7], [sflag:s8] =	dma.local @!p0 [hbm:s6], $0xF7A  }
0x23: {  	s9 =	sor.u32 $0xD0000000, s2;
	s6 =	simm.s32 $0x108;
	_ =	swait.ge @!p0 [sflag:s8], $0x0  }
0x24: {  	s3 =	sadd.s32 $0x88, s3;
	s6 =	simm.s32 @!p1 $0x1082;
	[sflag:s4] =	ssyncset.s32 $0xFFFFF086  }
0x25: {  	[simem:s6], [sflag:s4] =	dma.local [hbm:s3], $0xF7A  }
0x26: {  	[smem:$0x3F9B] =	sst s1;
	(tag) =	ssettag s2;
	_ =	strace s9  }
0x27: {  	s1 =	sld [smem:$0x3FAB]  }
0x28: {  	s2 =	sld [smem:$0x3FAC]  }
0x29: {  	s4 =	sld [smem:$0x3FAE]  }
0x2a: {  	p0 =	seq.s32 s5, $0x0;
	s5 =	sld [smem:$0x3FAF]  }
0x2b: {  	s6 =	sld [smem:$0x3FB0]  }
0x2c: {  	s7 =	sld [smem:$0x3FB1]  }
0x2d: {  	s3 =	simm.s32 $0x108;
	s8 =	sld [smem:$0x3FB2]  }
0x2e: {  	s3 =	simm.s32 @!p0 $0x1082;
	s9 =	sld [smem:$0x3FB3]  }
0x2f: {  	lr =	sadd.s32 s0, s3;
	s0 =	sld [smem:$0x3FAA]  }
0x30: {  	s3 =	sld [smem:$0x3FAD]  }
0x31: {  	[smem:$0x3FB6] =	sst s10  }
0x32: {  	s10 =	sld [smem:$0x3FB4];
	_ =	sdelay $0x3  }
0x33: {  	p0 =	seq.s32 s10, $0x1;
	s10 =	sld [smem:$0x3FB6];
	_ =	sdelay $0x3  }
0x34: {  	[smem:$0x3FB6] =	sst s10  }
0x35: {  	s10 =	sld [smem:$0x3FB5];
	_ =	sdelay $0x3  }
0x36: {  	p1 =	seq.s32 s10, $0x1;
	s10 =	sld [smem:$0x3FB6];
	_ =	sdelay $0x3  }
0x37: {  	[smem:$0x3FB6] =	sst s10  }
0x38: {  	s10 =	sld [smem:$0x3FB7]  }
0x39: {  	_ = 	snop;
	(pc) =	sbr.ind lr, $3  }
0x3a: {  	_ = 	snop  }
0x3b: {  	_ = 	snop  }
0x3c: {  	p2 =	seq.s32 s10, $0x1;
	s10 =	sld [smem:$0x3FB6]  }
0x3d: {  	_ =	shalt  }
0x3e: {  	_ =	shalt  }
0x3f: {  	_ =	shalt  }
0x40: {  	_ =	shalt  }
0x41: {  	_ =	shalt  }
0x42: {  	_ =	shalt  }
0x43: {  	_ =	shalt  }
0x44: {  	_ =	shalt  }
0x45: {  	_ =	shalt  }
0x46: {  	_ =	shalt  }
0x47: {  	_ =	shalt  }
0x48: {  	_ =	shalt  }
0x49: {  	_ =	shalt  }
0x4a: {  	_ =	shalt  }
0x4b: {  	_ =	shalt  }
0x4c: {  	_ =	shalt  }
0x4d: {  	_ =	shalt  }
0x4e: {  	_ =	shalt  }
0x4f: {  	_ =	shalt  }
0x50: {  	_ =	shalt  }
0x51: {  	_ =	shalt  }
0x52: {  	_ =	shalt  }
0x53: {  	_ =	shalt  }
0x54: {  	_ =	shalt  }
0x55: {  	_ =	shalt  }
0x56: {  	_ =	shalt  }
0x57: {  	_ =	shalt  }
0x58: {  	_ =	shalt  }
0x59: {  	_ =	shalt  }
0x5a: {  	_ =	shalt  }
0x5b: {  	_ =	shalt  }
0x5c: {  	_ =	shalt  }
0x5d: {  	_ =	shalt  }
0x5e: {  	_ =	shalt  }
0x5f: {  	_ =	shalt  }
0x60: {  	_ =	shalt  }
0x61: {  	_ =	shalt  }
0x62: {  	_ =	shalt  }
0x63: {  	_ =	shalt  }
0x64: {  	_ =	shalt  }
0x65: {  	_ =	shalt  }
0x66: {  	_ =	shalt  }
0x67: {  	_ =	shalt  }
0x68: {  	_ =	shalt  }
0x69: {  	_ =	shalt  }
0x6a: {  	_ =	shalt  }
0x6b: {  	_ =	shalt  }
0x6c: {  	_ =	shalt  }
0x6d: {  	_ =	shalt  }
0x6e: {  	_ =	shalt  }
0x6f: {  	_ =	shalt  }
0x70: {  	_ =	shalt  }
0x71: {  	_ =	shalt  }
0x72: {  	_ =	shalt  }
0x73: {  	_ =	shalt  }
0x74: {  	_ =	shalt  }
0x75: {  	_ =	shalt  }
0x76: {  	_ =	shalt  }
0x77: {  	_ =	shalt  }
0x78: {  	_ =	shalt  }
0x79: {  	_ =	shalt  }
0x7a: {  	_ =	shalt  }
0x7b: {  	_ =	shalt  }
0x7c: {  	_ =	shalt  }
0x7d: {  	_ =	shalt  }
0x7e: {  	_ =	shalt  }
0x7f: {  	_ =	shalt  }
0x80: {  	_ =	shalt  }
0x81: {  	_ =	shalt  }
0x82: {  	_ =	shalt  }
0x83: {  	_ =	shalt  }
0x84: {  	_ =	shalt  }
0x85: {  	_ =	shalt  }
0x86: {  	_ =	shalt  }
0x87: {  	_ =	shalt  }
.Lfunc_end0:
.L_simem_size_0:
called_computation_lowered:
.L_overlay_start_0:
0x88: {  	s2 =	sld [smem:$0x3FD9]  }
0x89: {  	s3 =	sld [smem:$0x3FFE];
	_ =	sdelay $0x1  }
0x8a: {  	s1 =	srdreg.scid  }
0x8b: {  	s0 =	sand.u32 $0x1, s1  }
0x8c: {  	s16 =	sshll.u32 s0, $0xA;
	s2 =	sadd.s32 s3, s2  }
0x8d: {  	s2 =	sadd.s32 s2, s16  }
0x8e: {  	[smem:$0x3FC2] =	sst s2  }
0x8f: {  	_ = 	snop  }
0x90: {  	(tm) =	ssettm $0x1  }
0x91: {  	s17 =	sld [smem:$0x3FFB];
	_ =	sdelay $0x3  }
0x92: {  	_ =	strace s17  }
0x93: {  	s2 =	sld [smem:$0x3FFC];
	_ =	sdelay $0x3  }
0x94: {  	_ =	strace s2  }
0x95: {  	s2 =	sld [smem:$0x3FFD];
	_ =	sdelay $0x3  }
0x96: {  	_ =	strace s2  }
0x97: {  	_ =	strace $0x8FFFFFFF  }
0x98: {  	s18 =	sld [smem:$0x3FDB];
	_ =	sdelay $0x1  }
0x99: {  	s19 =	simm.s32 $_scs_section_size  }
0x9a: {  	s4 =	simm.s32 $_size__tile_overlayer_lowered;
	s5 =	simm.s32 $_tile_overlayer_lowered  }
0x9b: {  	s22 =	simm.s32 $0x1BFF;
	s21 =	sshll.u32 s5, $0x1;
	s2 =	sadd.s32 s19, s18  }
0x9c: {  	s6 =	simm.s32 $0x0;
	s20 =	sshll.u32 s4, $0x1;
	s4 =	sadd.s32 s21, s2  }
0x9d: {  	[timem:s6], [sflag:s22] =	dma.local [hbm:s4], s20  }
0x9e: {  	_ =	swait.ge [sflag:s22], s20  }
0x9f: {  	s3 =	ssub.s32 $0x0, s20;
	[sflag:s22] =	ssyncset.done $0x0  }
0xa0: {  	[sflag:s22] =	ssyncadd.s32 s3;
	_ =	sdelay $0x1  }
0xa1: {  	s23 =	simm.s32 $0x1B8B  }
0xa2: {  	_ =	swait.ge [sflag:s23], $0x1  }
0xa3: {  	[sflag:s23] =	ssyncset.done $0x0  }
0xa4: {  	s25 =	simm.s32 $0x1B8E;
	s24 =	sld [smem:$0x3FFE];
	[sflag:s23] =	ssyncadd.s32 $0xFFFFFFFF  }
0xa5: {  	s26 =	simm.s32 $execute0_lowered;
	[smem:$0x3FD2] =	sst s25  }
0xa6: {  	s4 =	sshll.u32 s26, $0x1;
	_ =	strace $0x80000046;
	[dreg:$0x1] =	wrdreg $0xFFFFFFFF  }
0xa7: {  	s28 =	simm.s32 $_size_execute0_lowered;
	s2 =	sadd.s32 s2, s4;
	[dreg:$0x0] =	wrdreg $0x0  }
0xa8: {  	s4 =	sshll.u32 s28, $0x1;
	[dreg:$0x2] =	wrdreg s2  }
0xa9: {  	[dreg:$0x3] =	wrdreg s4  }
0xaa: {  	[dreg:$0x4] =	wrdreg $0xC0  }
0xab: {  	_ =	task [dreg:s6], $0x5FFFF  }
0xac: {  	[dreg:$0x1] =	wrdreg $0xFFFFFFFF  }
0xad: {  	[dreg:$0x0] =	wrdreg $0x60  }
0xae: {  	[dreg:$0x2] =	wrdreg s24  }
0xaf: {  	[dreg:$0x3] =	wrdreg $0x6C000  }
0xb0: {  	[dreg:$0x4] =	wrdreg $0x9  }
0xb1: {  	_ =	task.clear_ibuf [dreg:s6], $0x5FFFF;
	_ =	strace $0x90000046  }
0xb2: {  	s29 =	simm.s32 $0x9;
	_ =	strace $0x80000048  }
0xb3: {  	_ =	swait.ge [sflag:s29], $0x1  }
0xb4: {  	[sflag:s29] =	ssyncadd.s32 $0xFFFFFFFF  }
0xb5: {  	_ =	strace $0x90000048  }
0xb6: {  	_ =	sfence  }
0xb7: {  	s30 =	sld [smem:$0x0];
	_ =	sdelay $0x2  }
0xb8: {  	s31 =	sshll.u32 s1, $0xD;
	s1 =	sshrl.u32 s1, $0x2  }
0xb9: {  	s3 =	sand.u32 $0x4000, s31;
	s1 =	sadd.s32 s1, s30  }
0xba: {  	s0 =	sor.u32 s3, s0;
	s1 =	sshll.u32 s1, $0x11  }
0xbb: {  	s0 =	sor.u32 s1, s0  }
0xbc: {  	s0 =	sadd.s32 $0x8F2B, s0  }
0xbd: {  	[sflag:s0] =	ssyncadd.remote.s32 $0x1  }
0xbe: {  	_ =	sfence.sel $0xFFFF  }
0xbf: {  	[dreg:$0x0] =	wrdreg $0xFFFFFFFF;
	(pc) =	sbr.abs _section_cstart, $3  }
0xc0: {  	[dreg:$0x1] =	wrdreg $0xFFFFFFFF  }
0xc1: {  	_ =	task.clear_ibuf [dreg:s6], $0x2FFFF;
	_ =	strace $0x9FFFFFFF  }
0xc2: {  	(tm) =	ssettm $0x7FFFFFFF  }
0xc3: {  	_ =	shalt  }
tec
execute0_lowered:
.L_overlay_start_1:
0x0: {  	(tag) =	ssettag $0x1  }
0x1: {  	s4 =	rddreg [dreg:$0x0]  }
0x2: {  	s2 =	rddreg [dreg:$0x1]  }
0x3: {  	s0 =	srdreg.scid;
	s1 =	rddreg [dreg:$0x2];
	s3 =	simm.s32 $0x0  }
0x4: {  	s12 =	simm.s32 $0x80;
	s13 =	simm.s32 $0x2800;
	s14 =	simm.s32 $0x2C00  }
0x5: {  	s15 =	simm.s32 $0x1;
	s16 =	simm.s32 $0x2880;
	s17 =	simm.s32 $0x2900  }
0x6: {  	s18 =	simm.s32 $0x2980;
	s19 =	simm.s32 $0x2A00;
	s5 =	sand.u32 $0x1, s0  }
0x7: {  	s20 =	simm.s32 $0x0;
	s0 =	stileid.u32;
	s6 =	smul.u32 $0x140000, s5  }
0x8: {  	s7 =	sshll.u32 s5, $0x4;
	s8 =	smul.u32 $0x14000, s0;
	s5 =	ssub.s32 $0x2, s5  }
0x9: {  	[smem:$0x7FF] =	sst s3;
	s7 =	sor.u32 s0, s7;
	s31 =	sshrl.u32 s5, $0x1  }
0xa: {  	s7 =	smul.u32 $0x500, s7;
	s6 =	sadd.s32 s8, s6;
	s11 =	ssub.s32 s5, s31  }
0xb: {  	_ =	strace $0x80000047;
	s6 =	sshrl.u32 s6, $0x3;
	s11 =	smax.u32 s11, $0x1  }
0xc: {  	s7 =	sadd.s32 s7, s4;
	s10 =	sadd.s32 s6, s4;
	s4 =	smul.u32 $0x280, s0  }
0xd: {  	v0 =	vimm.f32 $0.0e+00;
	vm0 =	vcmask $0x300;
	s5 =	sadd.s32 $0x1E00, s7;
	s6 =	sadd.s32 $0xBE00, s10;
	s7 =	sadd.s32 $0xC600, s10  }
0xe: {  	v1 =	vlaneseq.u32;
	v2 =	vsel vm0, $0x3F800000, v0;
	s8 =	sadd.s32 $0xCE00, s10;
	s9 =	sadd.s32 $0xD600, s10;
	s10 =	sadd.s32 $0xDE00, s10  }
.LBB2_1:
0xf: {  	s21 =	simm.s32 $0x0;
	s22 =	simm.s32 $0x200  }
.LBB2_2:
0x10: {  	p0 =	sne.s32 s22, $0xFE00;
	[tilespmem:s21+$0x2C70] =	vst v0  }
0x11: {  	[tilespmem:s21+$0x2C00] =	vst v0  }
0x12: {  	[tilespmem:s21+$0x2C10] =	vst v0  }
.Ltmp0:
0x13: {  	[tilespmem:s21+$0x2C20] =	vst v0;
	(pc) =	sbr.rel @p0 .LBB2_2-.Ltmp0, $4  }
0x14: {  	[tilespmem:s21+$0x2C30] =	vst v0  }
0x15: {  	[tilespmem:s21+$0x2C40] =	vst v0  }
0x16: {  	[tilespmem:s21+$0x2C50] =	vst v0  }
0x17: {  	[tilespmem:s21+$0x2C60] =	vst v0;
	s21 =	sshra.s32 s22, $0x2;
	s22 =	sadd.s32 $0x200, s22  }
0x18: {  	[tilespmem:s21+$0x2C70] =	vst v0  }
0x19: {  	[tilespmem:s21+$0x2C00] =	vst v0  }
0x1a: {  	[tilespmem:s21+$0x2C10] =	vst v0  }
0x1b: {  	[tilespmem:s21+$0x2C20] =	vst v0  }
0x1c: {  	[tilespmem:s21+$0x2C30] =	vst v0;
	s22 =	simm.s32 $0x0  }
0x1d: {  	[tilespmem:s21+$0x2C40] =	vst v0;
	s23 =	sand.u32 $0xE00, s22  }
0x1e: {  	[tilespmem:s21+$0x2C50] =	vst v0;
	s25 =	sadd.s32 $0x0, s4;
	s24 =	sand.u32 $0x70, s22;
	s23 =	sshrl.u32 s23, $0x2  }
0x1f: {  	[tilespmem:s21+$0x2C60] =	vst v0;
	s21 =	simm.s32 $0x40;
	v3 =	vor.u32 s25, v1;
	s23 =	sor.u32 s24, s23  }
.LBB2_4:
0x20: {  	p0 =	sne.s32 s21, $0x9C0  }
0x21: {  	[tilespmem:s23+$0x2800] =	vst v3;
	s22 =	sadd.s32 $0x10, s22;
	s23 =	smov.u32 s21;
	s21 =	sadd.s32 $0x40, s21  }
.Ltmp1:
0x22: {  	(pc) =	sbr.rel @p0 .LBB2_4-.Ltmp1, $4  }
0x23: {  	_ = 	snop  }
0x24: {  	s23 =	sand.u32 $0xE00, s23  }
0x25: {  	s24 =	sand.u32 $0x70, s22;
	s25 =	sadd.s32 s22, s4;
	s23 =	sshrl.u32 s23, $0x2  }
0x26: {  	v3 =	vor.u32 s25, v1;
	s23 =	sor.u32 s24, s23  }
0x27: {  	[tilespmem:s23+$0x2800] =	vst v3  }
0x28: {  	[spmem:s2] =	stream.indirect.scatter [tilespmem:s14], [sflag:$0x1], $0x80, s13, s12, $0xb8;
	[tilespmem:$0x1AC00] =	vst v63  }
0x29: {  	_ =	swait.ge [sflag:s15], $0x4000  }
0x2a: {  	[sflag:s15] =	ssyncset.done $0x0  }
0x2b: {  	[sflag:s15] =	ssyncadd.s32 $0xFFFFC000  }
0x2c: {  	[spmem:s2] =	stream.indirect.scatter [tilespmem:s14], [sflag:$0x1], $0x80, s16, s12, $0xb8;
	[tilespmem:$0x1AC00] =	vst v63  }
0x2d: {  	_ =	swait.ge [sflag:s15], $0x4000  }
0x2e: {  	[sflag:s15] =	ssyncset.done $0x0  }
0x2f: {  	[sflag:s15] =	ssyncadd.s32 $0xFFFFC000  }
0x30: {  	[spmem:s2] =	stream.indirect.scatter [tilespmem:s14], [sflag:$0x1], $0x80, s17, s12, $0xb8;
	[tilespmem:$0x1AC00] =	vst v63  }
0x31: {  	_ =	swait.ge [sflag:s15], $0x4000  }
0x32: {  	[sflag:s15] =	ssyncset.done $0x0  }
0x33: {  	[sflag:s15] =	ssyncadd.s32 $0xFFFFC000  }
0x34: {  	[spmem:s2] =	stream.indirect.scatter [tilespmem:s14], [sflag:$0x1], $0x80, s18, s12, $0xb8;
	[tilespmem:$0x1AC00] =	vst v63  }
0x35: {  	_ =	swait.ge [sflag:s15], $0x4000  }
0x36: {  	[sflag:s15] =	ssyncset.done $0x0  }
0x37: {  	[sflag:s15] =	ssyncadd.s32 $0xFFFFC000  }
0x38: {  	[spmem:s2] =	stream.indirect.scatter [tilespmem:s14], [sflag:$0x1], $0x80, s19, s12, $0xb8;
	[tilespmem:$0x1AC00] =	vst v63  }
0x39: {  	_ =	swait.ge [sflag:s15], $0x4000  }
0x3a: {  	[sflag:s15] =	ssyncset.done $0x0  }
0x3b: {  	[sflag:s15] =	ssyncadd.s32 $0xFFFFC000  }
0x3c: {  	s21 =	simm.s32 $0x200;
	s22 =	simm.s32 $0x0;
	[bflag:$0x0] =	sbarrier.arrive $0xFFFF  }
.LBB2_6:
0x3d: {  	p0 =	sne.s32 s21, $0xFE00;
	[tilespmem:s22+$0x2C00] =	vst v2;
	s22 =	smov.u32 s21;
	s21 =	sadd.s32 $0x200, s21  }
.Ltmp2:
0x3e: {  	(pc) =	sbr.rel @p0 .LBB2_6-.Ltmp2, $2  }
0x3f: {  	_ =	sdelay $0x2  }
0x40: {  	s22 =	sshra.s32 s22, $0x2  }
0x41: {  	[tilespmem:s22+$0x2C00] =	vst v2;
	s21 =	simm.s32 $0x0  }
0x42: {  	[tilespmem:s21], [sflag:$0x1] =	stream.linear.gather [hbm4b:s5+s21], $0x2780, $0x38;
	[tilespmem:$0x1AC00] =	vst v63  }
0x43: {  	_ =	swait.ge [sflag:s15], $0x2780  }
0x44: {  	[sflag:s15] =	ssyncset.done $0x0  }
0x45: {  	s31 =	simm.s32 $0x0;
	[sflag:s15] =	ssyncadd.s32 $0xFFFFD880  }
0x46: {  	[spmem:s2] =	stream.indirect.scatter.add.f32 [tilespmem:s14], [sflag:$0x1], $0x80, s31, s12, $0xb8;
	[tilespmem:$0x1AC00] =	vst v63  }
0x47: {  	_ =	swait.ge [sflag:s15], $0x4000  }
0x48: {  	s21 =	simm.s32 $0x200;
	[sflag:s15] =	ssyncset.done $0x0  }
.LBB2_8:
0x49: {  	s22 =	sshra.s32 s21, $0x2;
	[sflag:s15] =	ssyncadd.s32 $0xFFFFC000;
	p0 =	sne.s32 s21, $0x9C00  }
0x4a: {  	[spmem:s2] =	stream.indirect.scatter.add.f32 [tilespmem:s14], [sflag:$0x1], $0x80, s22, s12, $0xb8;
	[tilespmem:$0x1AC00] =	vst v63  }
.Ltmp3:
0x4b: {  	_ = 	snop;
	(pc) =	sbr.rel @p0 .LBB2_8-.Ltmp3, $4  }
0x4c: {  	_ = 	snop  }
0x4d: {  	s21 =	sadd.s32 $0x200, s21  }
0x4e: {  	_ =	swait.ge [sflag:s15], $0x4000  }
0x4f: {  	[sflag:s15] =	ssyncset.done $0x0  }
0x50: {  	[sflag:s15] =	ssyncadd.s32 $0xFFFFC000  }
0x51: {  	[bflag:$0x0] =	sbarrier.arrive $0xFFFF  }
0x52: {  	[tilespmem:s14], [sflag:$0x1] =	stream.indirect.gather [spmem:s2], $0x80, s13, s12, $0xb8;
	[tilespmem:$0x1AC00] =	vst v63  }
0x53: {  	_ =	swait.ge [sflag:s15], $0x4000  }
0x54: {  	[sflag:s15] =	ssyncset.done $0x0  }
0x55: {  	[sflag:s15] =	ssyncadd.s32 $0xFFFFC000  }
0x56: {  	[hbm4b:s6+s3] =	stream.linear.scatter [tilespmem:s14], [sflag:$0x1], $0x4000, $0x38;
	[tilespmem:$0x1AC00] =	vst v63  }
0x57: {  	_ =	swait.ge [sflag:s15], $0x4000  }
0x58: {  	[sflag:s15] =	ssyncset.done $0x0  }
0x59: {  	[sflag:s15] =	ssyncadd.s32 $0xFFFFC000  }
0x5a: {  	[tilespmem:s14], [sflag:$0x1] =	stream.indirect.gather [spmem:s2], $0x80, s16, s12, $0xb8;
	[tilespmem:$0x1AC00] =	vst v63  }
0x5b: {  	_ =	swait.ge [sflag:s15], $0x4000  }
0x5c: {  	[sflag:s15] =	ssyncset.done $0x0  }
0x5d: {  	[sflag:s15] =	ssyncadd.s32 $0xFFFFC000  }
0x5e: {  	[hbm4b:s7+s3] =	stream.linear.scatter [tilespmem:s14], [sflag:$0x1], $0x4000, $0x38;
	[tilespmem:$0x1AC00] =	vst v63  }
0x5f: {  	_ =	swait.ge [sflag:s15], $0x4000  }
0x60: {  	[sflag:s15] =	ssyncset.done $0x0  }
0x61: {  	[sflag:s15] =	ssyncadd.s32 $0xFFFFC000  }
0x62: {  	[tilespmem:s14], [sflag:$0x1] =	stream.indirect.gather [spmem:s2], $0x80, s17, s12, $0xb8;
	[tilespmem:$0x1AC00] =	vst v63  }
0x63: {  	_ =	swait.ge [sflag:s15], $0x4000  }
0x64: {  	[sflag:s15] =	ssyncset.done $0x0  }
0x65: {  	[sflag:s15] =	ssyncadd.s32 $0xFFFFC000  }
0x66: {  	[hbm4b:s8+s3] =	stream.linear.scatter [tilespmem:s14], [sflag:$0x1], $0x4000, $0x38;
	[tilespmem:$0x1AC00] =	vst v63  }
0x67: {  	_ =	swait.ge [sflag:s15], $0x4000  }
0x68: {  	[sflag:s15] =	ssyncset.done $0x0  }
0x69: {  	[sflag:s15] =	ssyncadd.s32 $0xFFFFC000  }
0x6a: {  	[tilespmem:s14], [sflag:$0x1] =	stream.indirect.gather [spmem:s2], $0x80, s18, s12, $0xb8;
	[tilespmem:$0x1AC00] =	vst v63  }
0x6b: {  	_ =	swait.ge [sflag:s15], $0x4000  }
0x6c: {  	[sflag:s15] =	ssyncset.done $0x0  }
0x6d: {  	[sflag:s15] =	ssyncadd.s32 $0xFFFFC000  }
0x6e: {  	[hbm4b:s9+s3] =	stream.linear.scatter [tilespmem:s14], [sflag:$0x1], $0x4000, $0x38;
	[tilespmem:$0x1AC00] =	vst v63  }
0x6f: {  	_ =	swait.ge [sflag:s15], $0x4000  }
0x70: {  	[sflag:s15] =	ssyncset.done $0x0  }
0x71: {  	[sflag:s15] =	ssyncadd.s32 $0xFFFFC000  }
0x72: {  	[tilespmem:s14], [sflag:$0x1] =	stream.indirect.gather [spmem:s2], $0x80, s19, s12, $0xb8;
	[tilespmem:$0x1AC00] =	vst v63  }
0x73: {  	s20 =	sadd.s32 $0x1, s20;
	_ =	swait.ge [sflag:s15], $0x4000  }
0x74: {  	p0 =	sne.s32 s20, s11;
	[sflag:s15] =	ssyncset.done $0x0  }
.Ltmp4:
0x75: {  	[sflag:s15] =	ssyncadd.s32 $0xFFFFC000;
	(pc) =	sbr.rel @p0 .LBB2_1-.Ltmp4, $4  }
0x76: {  	[hbm4b:s10+s3] =	stream.linear.scatter [tilespmem:s14], [sflag:$0x1], $0x4000, $0x38;
	[tilespmem:$0x1AC00] =	vst v63  }
0x77: {  	_ =	swait.ge [sflag:s15], $0x4000  }
0x78: {  	[sflag:s15] =	ssyncset.done $0x0  }
0x79: {  	[sflag:s15] =	ssyncadd.s32 $0xFFFFC000  }
0x7a: {  	_ =	sfence.sel $0x180000  }
0x7b: {  	[bflag:$0x0] =	sbarrier.arrive $0xFFFF  }
0x7c: {  	p0 =	sne.s32 s0, $0x0;
	_ =	strace $0x90000047  }
0x7d: {  	s0 =	sadd.s32 @!p0 $0x100000, s1;
	[bflag:$0x2] =	sbarrier.arrive $0xFFFF  }
0x7e: {  	[sflag:s0] =	ssyncadd.tile.s32 @!p0 $0x1;
	_ =	shalt  }
.Lfunc_end2:
_tile_overlayer_lowered:
.L_overlay_start_2:
0x7f: {  	(tag) =	ssettag $0x2  }
0x80: {  	s0 =	rddreg [dreg:$0x0];
	s2 =	stileid.u32  }
0x81: {  	s1 =	rddreg [dreg:$0x1];
	p0 =	sne.s32 s2, $0x0  }
0x82: {  	s3 =	rddreg [dreg:$0x2];
	[bflag:$0x3] =	sbarrier.arrive $0xFFFF;
	s2 =	simm.s32 @!p0 $0x1C01  }
0x83: {  	[timem:s3], [sflag:s2] =	dma.local @!p0 [hbm:s0], s1  }
0x84: {  	s0 =	simm.s32 @!p0 $0x1  }
0x85: {  	_ =	swait.ge @!p0 [sflag:s0], s1  }
0x86: {  	s1 =	ssub.s32 @!p0 $0x0, s1;
	[sflag:s0] =	ssyncset.done @!p0 $0x0  }
0x87: {  	[sflag:s0] =	ssyncadd.s32 @!p0 s1  }
0x88: {  	[bflag:$0x3] =	sbarrier.arrive $0xFFFF  }
0x89: {  	_ =	shalt  }

</sc_bundles>
